<compile_context>
chip_gen: v7x
topology: tpu7x:2x2x1
jax: 0.10.2.dev20260603
libtpu: 0.0.44.dev20260713+nightly
codegen_flags: <defaults>
</compile_context>

<pallas_src>
import functools

import jax
import jax.numpy as jnp
from jax import lax
from jax.experimental import pallas as pl
from jax.experimental.pallas import tpu as pltpu
from jax.experimental.pallas import tpu_sc as plsc

B, N = 16, 8192
G, M = 128, 32
NC, NS = 2, 16
NW = NC * NS


def _fps_body(tab_ref, idx_ref, cx_ref, cy_ref, cz_ref):
    x = tab_ref[0]
    y = tab_ref[1]
    z = tab_ref[2]
    iota = lax.broadcasted_iota(jnp.int32, (B, N), 1)
    colg = lax.broadcasted_iota(jnp.int32, (B, G), 1)

    cx0 = x[:, 0:1]
    cy0 = y[:, 0:1]
    cz0 = z[:, 0:1]
    dist0 = jnp.full((B, N), jnp.inf, jnp.float32)
    idxm0 = jnp.zeros((B, G), jnp.int32)
    zero = jnp.zeros((B, G), jnp.float32)
    cxs0 = jnp.where(colg == 0, cx0, zero)
    cys0 = jnp.where(colg == 0, cy0, zero)
    czs0 = jnp.where(colg == 0, cz0, zero)

    def body(i, carry):
        dist, cx, cy, cz, idxm, cxs, cys, czs = carry
        dx = x - cx
        dy = y - cy
        dz = z - cz
        d = dx * dx + dy * dy + dz * dz
        dist = jnp.minimum(dist, d)
        m = jnp.max(dist, axis=1, keepdims=True)
        idx = jnp.min(jnp.where(dist == m, iota, N), axis=1, keepdims=True)
        sel = (iota == idx).astype(jnp.float32)
        cx = jnp.sum(x * sel, axis=1, keepdims=True)
        cy = jnp.sum(y * sel, axis=1, keepdims=True)
        cz = jnp.sum(z * sel, axis=1, keepdims=True)
        idxm = jnp.where(colg == i, idx, idxm)
        cxs = jnp.where(colg == i, cx, cxs)
        cys = jnp.where(colg == i, cy, cys)
        czs = jnp.where(colg == i, cz, czs)
        return (dist, cx, cy, cz, idxm, cxs, cys, czs)

    carry = (dist0, cx0, cy0, cz0, idxm0, cxs0, cys0, czs0)
    carry = lax.fori_loop(1, G, body, carry)
    _, _, _, _, idxm, cxs, cys, czs = carry
    idx_ref[...] = idxm
    cx_ref[...] = cxs
    cy_ref[...] = cys
    cz_ref[...] = czs


def _run_fps(tab3):
    return pl.pallas_call(
        _fps_body,
        out_shape=[
            jax.ShapeDtypeStruct((B, G), jnp.int32),
            jax.ShapeDtypeStruct((B, G), jnp.float32),
            jax.ShapeDtypeStruct((B, G), jnp.float32),
            jax.ShapeDtypeStruct((B, G), jnp.float32),
        ],
    )(tab3)


def _topk_body(tab_ref, c_ref, idx_ref):
    x = tab_ref[:, 0, 0, :]
    c = c_ref[0]
    xn = jnp.sum(x * x, axis=0, keepdims=True)
    cn = jnp.sum(c * c, axis=1, keepdims=True)
    prod = lax.dot_general(
        c, x, (((1,), (0,)), ((), ())),
        precision=None,
        preferred_element_type=jnp.float32,
    )
    d2 = cn - 2.0 * prod + xn
    colm = lax.broadcasted_iota(jnp.int32, (G, M), 1)

    NSEG, NCH, TOPS = 64, 128, 6
    lane64 = lax.broadcasted_iota(jnp.int32, (G, NSEG), 1)
    BIG = jnp.int32(1 << 30)

    def _tree(op, xs):
        while len(xs) > 1:
            nxt = [op(xs[i], xs[i + 1]) for i in range(0, len(xs) - 1, 2)]
            if len(xs) % 2:
                nxt.append(xs[-1])
            xs = nxt
        return xs[0]

    cs0 = tuple(d2[:, i * NSEG:(i + 1) * NSEG] for i in range(NCH))
    zf = jnp.zeros((G, NSEG * TOPS), jnp.float32)
    zi = jnp.zeros((G, NSEG * TOPS), jnp.int32)

    def seg_body(_, carry):
        cs, valC, gidxC = carry
        cs = list(cs)
        mn_all = _tree(jnp.minimum, cs)
        eqs = [c == mn_all for c in cs]
        ts = [jnp.where(eqs[i], jnp.int32(i), BIG) for i in range(NCH)]
        li = _tree(jnp.minimum, ts)
        for i in range(NCH):
            rm = jnp.logical_and(li == i, eqs[i])
            cs[i] = jnp.where(rm, jnp.inf, cs[i])
        gidx_new = li * NSEG + lane64
        valC = jnp.concatenate([mn_all, valC[:, :NSEG * (TOPS - 1)]], axis=1)
        gidxC = jnp.concatenate([gidx_new, gidxC[:, :NSEG * (TOPS - 1)]],
                                axis=1)
        return (tuple(cs), valC, gidxC)

    _, valC, gidxC = lax.fori_loop(0, TOPS, seg_body, (cs0, zf, zi))

    def merge_body(k, carry):
        valC, selM, idxm = carry
        mn = jnp.min(valC, axis=1, keepdims=True)
        tt = jnp.where(valC == mn, gidxC, BIG)
        gi = jnp.min(tt, axis=1, keepdims=True)
        sel = tt == gi
        valC = jnp.where(sel, jnp.inf, valC)
        selM = selM + sel.astype(jnp.int32)
        idxm = jnp.where(colm == k, gi, idxm)
        return (valC, selM, idxm)

    _, selM, idxm = lax.fori_loop(
        0, M, merge_body,
        (valC, jnp.zeros((G, NSEG * TOPS), jnp.int32),
         jnp.zeros((G, M), jnp.int32)))

    cnt = jnp.zeros((G, NSEG), jnp.int32)
    for j in range(TOPS):
        cnt = cnt + selM[:, j * NSEG:(j + 1) * NSEG]
    suspect = jnp.any(cnt >= TOPS)

    def full_extract(_):
        iota = lax.broadcasted_iota(jnp.int32, (G, N), 1)

        def body(i, carry):
            d2f, idxf = carry
            mn = jnp.min(d2f, axis=1, keepdims=True)
            idx = jnp.min(jnp.where(d2f == mn, iota, N), axis=1,
                          keepdims=True)
            d2f = jnp.where(iota == idx, jnp.inf, d2f)
            idxf = jnp.where(colm == i, idx, idxf)
            return (d2f, idxf)

        _, idxf = lax.fori_loop(0, M, body,
                                (d2, jnp.zeros((G, M), jnp.int32)))
        return idxf

    idx_ref[0] = lax.cond(suspect, full_extract, lambda _: idxm, 0)


def _run_topk(tab3, center):
    return pl.pallas_call(
        _topk_body,
        grid=(B,),
        in_specs=[
            pl.BlockSpec((3, 1, 1, N), lambda b: (0, b, 0, 0)),
            pl.BlockSpec((1, G, 3), lambda b: (b, 0, 0)),
        ],
        out_specs=pl.BlockSpec((1, G, M), lambda b: (b, 0, 0)),
        out_shape=jax.ShapeDtypeStruct((B, G, M), jnp.int32),
    )(tab3.reshape(3, B, 1, N), center)


def _sc_gather_body(tab_hbm, idx_hbm, fps_hbm, neigh_hbm, norm_hbm,
                    tab_v, idx_v, fps_v, out_v):
    wid = lax.axis_index("s") * NC + lax.axis_index("c")
    b = wid // 2
    half = wid % 2
    for c in range(3):
        src = (3 * half + c) * B + b
        pltpu.sync_copy(tab_hbm.at[src], tab_v.at[pl.ds(c * N, N)])
    pltpu.sync_copy(idx_hbm.at[b], idx_v)
    pltpu.sync_copy(fps_hbm.at[b], fps_v)
    is_xyz = lax.broadcast(half, (16,)) == 0
    lane = lax.iota(jnp.int32, 16)

    def body(j, _):
        base = pl.multiple_of(j * 16, 16)
        iv = idx_v[pl.ds(base, 16)]
        civ = plsc.load_gather(fps_v, [lax.broadcast(j // 2, (16,))])
        pos = j * 48 + lane * 3
        for c in range(3):
            off = jnp.int32(c * N)
            gv = plsc.load_gather(tab_v, [iv + off])
            gc = plsc.load_gather(tab_v, [civ + off])
            plsc.store_scatter(out_v, [pos + c], jnp.where(is_xyz, gv - gc, gv))
        return 0

    lax.fori_loop(0, 256, body, 0)

    @pl.when(half == 0)
    def _():
        pltpu.sync_copy(out_v, neigh_hbm.at[b])

    @pl.when(half == 1)
    def _():
        pltpu.sync_copy(out_v, norm_hbm.at[b])


@functools.lru_cache(maxsize=1)
def _make_sc_gather():
    return functools.partial(
        pl.kernel,
        out_type=[
            jax.ShapeDtypeStruct((B, G * M * 3), jnp.float32),
            jax.ShapeDtypeStruct((B, G * M * 3), jnp.float32),
        ],
        mesh=plsc.VectorSubcoreMesh(core_axis_name="c", subcore_axis_name="s",
                                    num_cores=NC, num_subcores=NS),
        compiler_params=pltpu.CompilerParams(needs_layout_passes=False),
        scratch_types=[
            pltpu.VMEM((3 * N,), jnp.float32),
            pltpu.VMEM((G * M,), jnp.int32),
            pltpu.VMEM((G,), jnp.int32),
            pltpu.VMEM((G * M * 3,), jnp.float32),
        ],
    )(_sc_gather_body)


@jax.jit
def kernel(xyz):
    xyzT = jnp.transpose(xyz, (2, 0, 1))
    tab3 = xyzT[:3]
    idxm, cxs, cys, czs = _run_fps(tab3)
    center = jnp.stack([cxs, cys, czs], axis=-1)

    idx = _run_topk(tab3, center)

    tab6 = xyzT.reshape(6 * B, N)
    idx_r = idx.reshape(B, G * M)
    neigh, norm = _make_sc_gather()(tab6, idx_r, idxm)
    return (neigh.reshape(B, G, M, 3), norm.reshape(B, G, M, 3), center)

# --- scband reference (transcript-rebuilt; emitter-appended) ---
"""Pipeline reference for scband-group-62603443306524 (READ-ONLY COPY).

The authoritative reference and input builder live on the scoring server;
editing this copy changes nothing except your own understanding.
"""

import jax, jax.numpy as jnp
import numpy as np

NUM_GROUP = 128
GROUP_SIZE = 32


def setup_inputs(seed: int = 0) -> dict:
    key = jax.random.key(seed)
    xyz = jax.random.normal(key, (16, 8192, 6), dtype=jnp.float32)
    return {"xyz": xyz}


def _fps_single(pts, K):
    # pts: (N, 3). Deterministic farthest point sampling starting at index 0
    # (stands in for random_start_point=True with a fixed seed).
    N = pts.shape[0]
    dist = jnp.full((N,), jnp.inf, dtype=jnp.float32)
    idxs = jnp.zeros((K,), dtype=jnp.int32)  # start point = 0

    def body(i, carry):
        dist, idxs = carry
        prev = pts[idxs[i - 1]]
        d = jnp.sum((pts - prev) ** 2, axis=-1)
        dist = jnp.minimum(dist, d)
        nxt = jnp.argmax(dist).astype(jnp.int32)
        idxs = idxs.at[i].set(nxt)
        return (dist, idxs)

    dist, idxs = jax.lax.fori_loop(1, K, body, (dist, idxs))
    return idxs


def reference(xyz):
    # xyz: (B, N, 6) -> (neighborhood_xyz (B,G,M,3), neighborhood_normal (B,G,M,3), center (B,G,3))
    B, N, _ = xyz.shape
    pts = xyz[:, :, :3]
    normals = xyz[:, :, 3:6]

    # farthest point sampling -> centers
    fps_idx = jax.vmap(lambda p: _fps_single(p, NUM_GROUP))(pts)  # (B, G) int32
    center = jnp.take_along_axis(pts, fps_idx[:, :, None].astype(jnp.int32), axis=1)  # (B, G, 3)

    # kNN: squared distances (B, G, N), take K smallest
    d2 = (jnp.sum(center ** 2, axis=-1)[:, :, None]
          - 2.0 * jnp.einsum('bgc,bnc->bgn', center, pts)
          + jnp.sum(pts ** 2, axis=-1)[:, None, :])
    _, idx = jax.lax.top_k(-d2, GROUP_SIZE)  # (B, G, M)

    def gather(p, i):
        return p[i.reshape(-1)].reshape(NUM_GROUP, GROUP_SIZE, 3)

    neighborhood_no_normal = jax.vmap(gather)(pts, idx)        # (B, G, M, 3)
    neighborhood_no_normal = neighborhood_no_normal - center[:, :, None, :]
    neighborhood_only_normal = jax.vmap(gather)(normals, idx)  # (B, G, M, 3)
    return (neighborhood_no_normal, neighborhood_only_normal, center)

if __name__ == "__main__":
    import jax
    _d = setup_inputs()
    print(jax.jit(kernel)(*tuple(_d.values())))

</pallas_src>

<mosaic_0001>
#map = affine_map<(d0, d1) -> (0, 0)>
module attributes {stable_mosaic.version = 14 : i64} {
  func.func @_sc_gather_body(%arg0: i32, %arg1: i32, %arg2: memref<96x8192xf32, #tpu.memory_space<hbm>>, %arg3: memref<16x4096xi32, #tpu.memory_space<hbm>>, %arg4: memref<16x128xi32, #tpu.memory_space<hbm>>, %arg5: memref<16x12288xf32, #tpu.memory_space<hbm>>, %arg6: memref<16x12288xf32, #tpu.memory_space<hbm>>, %arg7: memref<24576xf32, #tpu.memory_space<vmem>>, %arg8: memref<4096xi32, #tpu.memory_space<vmem>>, %arg9: memref<128xi32, #tpu.memory_space<vmem>>, %arg10: memref<12288xf32, #tpu.memory_space<vmem>>) attributes {dimension_semantics = [#tpu.dimension_semantics<core_parallel>, #tpu.dimension_semantics<subcore_parallel>], iteration_bounds = array<i64: 2, 16>, scalar_prefetch = 0 : i64, scratch_operands = 4 : i64, tpu.core_type = #tpu.core_type<sc_vector_subcore>, window_params = [{transform_indices = #map}, {transform_indices = #map}, {transform_indices = #map}, {transform_indices = #map}, {transform_indices = #map}]} {
    %mul3A = arith.constant 2 : i32
    %mul3A_0 = arith.muli %arg1, %mul3A : i32
    %add3A = arith.addi %mul3A_0, %arg0 : i32
    %jit3A = arith.constant 2 : i32
    %div3A = arith.divsi %add3A, %jit3A : i32
    %sign3A = arith.constant 0 : i32
    %sign3A_1 = arith.cmpi sgt, %add3A, %sign3A : i32
    %sign3A_2 = arith.extui %sign3A_1 : i1 to i32
    %sign3A_3 = arith.constant 0 : i32
    %sign3A_4 = arith.cmpi slt, %add3A, %sign3A_3 : i32
    %sign3A_5 = arith.extui %sign3A_4 : i1 to i32
    %sign3A_6 = arith.subi %sign3A_2, %sign3A_5 : i32
    %sign3A_7 = arith.constant 0 : i32
    %sign3A_8 = arith.cmpi sgt, %jit3A, %sign3A_7 : i32
    %sign3A_9 = arith.extui %sign3A_8 : i1 to i32
    %sign3A_10 = arith.constant 0 : i32
    %sign3A_11 = arith.cmpi slt, %jit3A, %sign3A_10 : i32
    %sign3A_12 = arith.extui %sign3A_11 : i1 to i32
    %sign3A_13 = arith.subi %sign3A_9, %sign3A_12 : i32
    %ne3A = arith.cmpi ne, %sign3A_6, %sign3A_13 : i32
    %rem3A = arith.remsi %add3A, %jit3A : i32
    %ne3A_14 = arith.constant 0 : i32
    %ne3A_15 = arith.cmpi ne, %rem3A, %ne3A_14 : i32
    %and3A = arith.andi %ne3A, %ne3A_15 : i1
    %sub3A = arith.constant 1 : i32
    %sub3A_16 = arith.subi %div3A, %sub3A : i32
    %select_n3A = arith.select %and3A, %sub3A_16, %div3A : i32
    %jit3A_17 = arith.constant 2 : i32
    %eq3A = arith.constant 0 : i32
    %eq3A_18 = arith.cmpi eq, %jit3A_17, %eq3A : i32
    %jit3A_19 = arith.constant 1 : i32
    %select_n3A_20 = arith.select %eq3A_18, %jit3A_19, %jit3A_17 : i32
    %rem3A_21 = arith.remsi %add3A, %select_n3A_20 : i32
    %ne3A_22 = arith.constant 0 : i32
    %ne3A_23 = arith.cmpi ne, %rem3A_21, %ne3A_22 : i32
    %lt3A = arith.constant 0 : i32
    %lt3A_24 = arith.cmpi slt, %rem3A_21, %lt3A : i32
    %lt3A_25 = arith.constant 0 : i32
    %lt3A_26 = arith.cmpi slt, %select_n3A_20, %lt3A_25 : i32
    %ne3A_27 = arith.xori %lt3A_24, %lt3A_26 : i1
    %and3A_28 = arith.andi %ne3A_27, %ne3A_23 : i1
    %add3A_29 = arith.addi %rem3A_21, %select_n3A_20 : i32
    %select_n3A_30 = arith.select %and3A_28, %add3A_29, %rem3A_21 : i32
    %mul3A_31 = arith.constant 3 : i32
    %mul3A_32 = arith.muli %mul3A_31, %select_n3A_30 : i32
    %add3A_33 = arith.constant 0 : i32
    %add3A_34 = arith.addi %mul3A_32, %add3A_33 : i32
    %mul3A_35 = arith.constant 16 : i32
    %mul3A_36 = arith.muli %add3A_34, %mul3A_35 : i32
    %add3A_37 = arith.addi %mul3A_36, %select_n3A : i32
    "tpu.region"() ({
      %run_scoped3A = tpu.sem_alloc : memref<!tpu.dma_semaphore, #tpu.memory_space<semaphore_mem>>
      %dma_start3A = arith.constant 0 : i32
      %dma_start3A_69 = tpu.memref_slice %arg7[%dma_start3A] : memref<24576xf32, #tpu.memory_space<vmem>> -> memref<8192xf32, #tpu.memory_space<vmem>>
      %dma_start3A_70 = arith.constant 0 : i32
      %dma_start3A_71 = tpu.memref_slice %arg2[%add3A_37, %dma_start3A_70] : memref<96x8192xf32, #tpu.memory_space<hbm>> -> memref<1x8192xf32, #tpu.memory_space<hbm>>
      %dma_start3A_72 = tpu.memref_squeeze %dma_start3A_71 : memref<1x8192xf32, #tpu.memory_space<hbm>> -> memref<8192xf32, #tpu.memory_space<hbm>>
      %dma_start3A_73 = arith.constant 0 : i32
      %dma_start3A_74 = tpu.memref_slice %arg7[%dma_start3A_73] : memref<24576xf32, #tpu.memory_space<vmem>> -> memref<8192xf32, #tpu.memory_space<vmem>>
      %dma_start3A_75 = arith.constant 0 : i32
      %dma_start3A_76 = tpu.memref_slice %arg2[%add3A_37, %dma_start3A_75] : memref<96x8192xf32, #tpu.memory_space<hbm>> -> memref<1x8192xf32, #tpu.memory_space<hbm>>
      %dma_start3A_77 = tpu.memref_squeeze %dma_start3A_76 : memref<1x8192xf32, #tpu.memory_space<hbm>> -> memref<8192xf32, #tpu.memory_space<hbm>>
      tpu.enqueue_dma source(%dma_start3A_77 : memref<8192xf32, #tpu.memory_space<hbm>>) target(%dma_start3A_74 : memref<8192xf32, #tpu.memory_space<vmem>>) target_semaphore(%run_scoped3A : memref<!tpu.dma_semaphore, #tpu.memory_space<semaphore_mem>>)
      %dma_wait3A = arith.constant 0 : i32
      %dma_wait3A_78 = tpu.memref_slice %arg7[%dma_wait3A] : memref<24576xf32, #tpu.memory_space<vmem>> -> memref<8192xf32, #tpu.memory_space<vmem>>
      %dma_wait3A_79 = arith.constant 0 : i32
      %dma_wait3A_80 = tpu.memref_slice %arg2[%add3A_37, %dma_wait3A_79] : memref<96x8192xf32, #tpu.memory_space<hbm>> -> memref<1x8192xf32, #tpu.memory_space<hbm>>
      %dma_wait3A_81 = tpu.memref_squeeze %dma_wait3A_80 : memref<1x8192xf32, #tpu.memory_space<hbm>> -> memref<8192xf32, #tpu.memory_space<hbm>>
      %dma_wait3A_82 = arith.constant 0 : i32
      %dma_wait3A_83 = tpu.memref_slice %arg7[%dma_wait3A_82] : memref<24576xf32, #tpu.memory_space<vmem>> -> memref<8192xf32, #tpu.memory_space<vmem>>
      %dma_wait3A_84 = arith.constant 0 : i32
      %dma_wait3A_85 = tpu.memref_slice %arg2[%add3A_37, %dma_wait3A_84] : memref<96x8192xf32, #tpu.memory_space<hbm>> -> memref<1x8192xf32, #tpu.memory_space<hbm>>
      %dma_wait3A_86 = tpu.memref_squeeze %dma_wait3A_85 : memref<1x8192xf32, #tpu.memory_space<hbm>> -> memref<8192xf32, #tpu.memory_space<hbm>>
      tpu.wait_dma2 semaphore(%run_scoped3A : memref<!tpu.dma_semaphore, #tpu.memory_space<semaphore_mem>>) src(%dma_wait3A_86 : memref<8192xf32, #tpu.memory_space<hbm>>) dst(%dma_wait3A_83 : memref<8192xf32, #tpu.memory_space<vmem>>)
      tpu.yield
    }) : () -> ()
    %mul3A_38 = arith.constant 3 : i32
    %mul3A_39 = arith.muli %mul3A_38, %select_n3A_30 : i32
    %add3A_40 = arith.constant 1 : i32
    %add3A_41 = arith.addi %mul3A_39, %add3A_40 : i32
    %mul3A_42 = arith.constant 16 : i32
    %mul3A_43 = arith.muli %add3A_41, %mul3A_42 : i32
    %add3A_44 = arith.addi %mul3A_43, %select_n3A : i32
    "tpu.region"() ({
      %run_scoped3A = tpu.sem_alloc : memref<!tpu.dma_semaphore, #tpu.memory_space<semaphore_mem>>
      %dma_start3A = arith.constant 8192 : i32
      %dma_start3A_69 = tpu.memref_slice %arg7[%dma_start3A] : memref<24576xf32, #tpu.memory_space<vmem>> -> memref<8192xf32, #tpu.memory_space<vmem>>
      %dma_start3A_70 = arith.constant 0 : i32
      %dma_start3A_71 = tpu.memref_slice %arg2[%add3A_44, %dma_start3A_70] : memref<96x8192xf32, #tpu.memory_space<hbm>> -> memref<1x8192xf32, #tpu.memory_space<hbm>>
      %dma_start3A_72 = tpu.memref_squeeze %dma_start3A_71 : memref<1x8192xf32, #tpu.memory_space<hbm>> -> memref<8192xf32, #tpu.memory_space<hbm>>
      %dma_start3A_73 = arith.constant 8192 : i32
      %dma_start3A_74 = tpu.memref_slice %arg7[%dma_start3A_73] : memref<24576xf32, #tpu.memory_space<vmem>> -> memref<8192xf32, #tpu.memory_space<vmem>>
      %dma_start3A_75 = arith.constant 0 : i32
      %dma_start3A_76 = tpu.memref_slice %arg2[%add3A_44, %dma_start3A_75] : memref<96x8192xf32, #tpu.memory_space<hbm>> -> memref<1x8192xf32, #tpu.memory_space<hbm>>
      %dma_start3A_77 = tpu.memref_squeeze %dma_start3A_76 : memref<1x8192xf32, #tpu.memory_space<hbm>> -> memref<8192xf32, #tpu.memory_space<hbm>>
      tpu.enqueue_dma source(%dma_start3A_77 : memref<8192xf32, #tpu.memory_space<hbm>>) target(%dma_start3A_74 : memref<8192xf32, #tpu.memory_space<vmem>>) target_semaphore(%run_scoped3A : memref<!tpu.dma_semaphore, #tpu.memory_space<semaphore_mem>>)
      %dma_wait3A = arith.constant 8192 : i32
      %dma_wait3A_78 = tpu.memref_slice %arg7[%dma_wait3A] : memref<24576xf32, #tpu.memory_space<vmem>> -> memref<8192xf32, #tpu.memory_space<vmem>>
      %dma_wait3A_79 = arith.constant 0 : i32
      %dma_wait3A_80 = tpu.memref_slice %arg2[%add3A_44, %dma_wait3A_79] : memref<96x8192xf32, #tpu.memory_space<hbm>> -> memref<1x8192xf32, #tpu.memory_space<hbm>>
      %dma_wait3A_81 = tpu.memref_squeeze %dma_wait3A_80 : memref<1x8192xf32, #tpu.memory_space<hbm>> -> memref<8192xf32, #tpu.memory_space<hbm>>
      %dma_wait3A_82 = arith.constant 8192 : i32
      %dma_wait3A_83 = tpu.memref_slice %arg7[%dma_wait3A_82] : memref<24576xf32, #tpu.memory_space<vmem>> -> memref<8192xf32, #tpu.memory_space<vmem>>
      %dma_wait3A_84 = arith.constant 0 : i32
      %dma_wait3A_85 = tpu.memref_slice %arg2[%add3A_44, %dma_wait3A_84] : memref<96x8192xf32, #tpu.memory_space<hbm>> -> memref<1x8192xf32, #tpu.memory_space<hbm>>
      %dma_wait3A_86 = tpu.memref_squeeze %dma_wait3A_85 : memref<1x8192xf32, #tpu.memory_space<hbm>> -> memref<8192xf32, #tpu.memory_space<hbm>>
      tpu.wait_dma2 semaphore(%run_scoped3A : memref<!tpu.dma_semaphore, #tpu.memory_space<semaphore_mem>>) src(%dma_wait3A_86 : memref<8192xf32, #tpu.memory_space<hbm>>) dst(%dma_wait3A_83 : memref<8192xf32, #tpu.memory_space<vmem>>)
      tpu.yield
    }) : () -> ()
    %mul3A_45 = arith.constant 3 : i32
    %mul3A_46 = arith.muli %mul3A_45, %select_n3A_30 : i32
    %add3A_47 = arith.constant 2 : i32
    %add3A_48 = arith.addi %mul3A_46, %add3A_47 : i32
    %mul3A_49 = arith.constant 16 : i32
    %mul3A_50 = arith.muli %add3A_48, %mul3A_49 : i32
    %add3A_51 = arith.addi %mul3A_50, %select_n3A : i32
    "tpu.region"() ({
      %run_scoped3A = tpu.sem_alloc : memref<!tpu.dma_semaphore, #tpu.memory_space<semaphore_mem>>
      %dma_start3A = arith.constant 16384 : i32
      %dma_start3A_69 = tpu.memref_slice %arg7[%dma_start3A] : memref<24576xf32, #tpu.memory_space<vmem>> -> memref<8192xf32, #tpu.memory_space<vmem>>
      %dma_start3A_70 = arith.constant 0 : i32
      %dma_start3A_71 = tpu.memref_slice %arg2[%add3A_51, %dma_start3A_70] : memref<96x8192xf32, #tpu.memory_space<hbm>> -> memref<1x8192xf32, #tpu.memory_space<hbm>>
      %dma_start3A_72 = tpu.memref_squeeze %dma_start3A_71 : memref<1x8192xf32, #tpu.memory_space<hbm>> -> memref<8192xf32, #tpu.memory_space<hbm>>
      %dma_start3A_73 = arith.constant 16384 : i32
      %dma_start3A_74 = tpu.memref_slice %arg7[%dma_start3A_73] : memref<24576xf32, #tpu.memory_space<vmem>> -> memref<8192xf32, #tpu.memory_space<vmem>>
      %dma_start3A_75 = arith.constant 0 : i32
      %dma_start3A_76 = tpu.memref_slice %arg2[%add3A_51, %dma_start3A_75] : memref<96x8192xf32, #tpu.memory_space<hbm>> -> memref<1x8192xf32, #tpu.memory_space<hbm>>
      %dma_start3A_77 = tpu.memref_squeeze %dma_start3A_76 : memref<1x8192xf32, #tpu.memory_space<hbm>> -> memref<8192xf32, #tpu.memory_space<hbm>>
      tpu.enqueue_dma source(%dma_start3A_77 : memref<8192xf32, #tpu.memory_space<hbm>>) target(%dma_start3A_74 : memref<8192xf32, #tpu.memory_space<vmem>>) target_semaphore(%run_scoped3A : memref<!tpu.dma_semaphore, #tpu.memory_space<semaphore_mem>>)
      %dma_wait3A = arith.constant 16384 : i32
      %dma_wait3A_78 = tpu.memref_slice %arg7[%dma_wait3A] : memref<24576xf32, #tpu.memory_space<vmem>> -> memref<8192xf32, #tpu.memory_space<vmem>>
      %dma_wait3A_79 = arith.constant 0 : i32
      %dma_wait3A_80 = tpu.memref_slice %arg2[%add3A_51, %dma_wait3A_79] : memref<96x8192xf32, #tpu.memory_space<hbm>> -> memref<1x8192xf32, #tpu.memory_space<hbm>>
      %dma_wait3A_81 = tpu.memref_squeeze %dma_wait3A_80 : memref<1x8192xf32, #tpu.memory_space<hbm>> -> memref<8192xf32, #tpu.memory_space<hbm>>
      %dma_wait3A_82 = arith.constant 16384 : i32
      %dma_wait3A_83 = tpu.memref_slice %arg7[%dma_wait3A_82] : memref<24576xf32, #tpu.memory_space<vmem>> -> memref<8192xf32, #tpu.memory_space<vmem>>
      %dma_wait3A_84 = arith.constant 0 : i32
      %dma_wait3A_85 = tpu.memref_slice %arg2[%add3A_51, %dma_wait3A_84] : memref<96x8192xf32, #tpu.memory_space<hbm>> -> memref<1x8192xf32, #tpu.memory_space<hbm>>
      %dma_wait3A_86 = tpu.memref_squeeze %dma_wait3A_85 : memref<1x8192xf32, #tpu.memory_space<hbm>> -> memref<8192xf32, #tpu.memory_space<hbm>>
      tpu.wait_dma2 semaphore(%run_scoped3A : memref<!tpu.dma_semaphore, #tpu.memory_space<semaphore_mem>>) src(%dma_wait3A_86 : memref<8192xf32, #tpu.memory_space<hbm>>) dst(%dma_wait3A_83 : memref<8192xf32, #tpu.memory_space<vmem>>)
      tpu.yield
    }) : () -> ()
    "tpu.region"() ({
      %run_scoped3A = tpu.sem_alloc : memref<!tpu.dma_semaphore, #tpu.memory_space<semaphore_mem>>
      %dma_start3A = arith.constant 0 : i32
      %dma_start3A_69 = tpu.memref_slice %arg3[%select_n3A, %dma_start3A] : memref<16x4096xi32, #tpu.memory_space<hbm>> -> memref<1x4096xi32, #tpu.memory_space<hbm>>
      %dma_start3A_70 = tpu.memref_squeeze %dma_start3A_69 : memref<1x4096xi32, #tpu.memory_space<hbm>> -> memref<4096xi32, #tpu.memory_space<hbm>>
      %dma_start3A_71 = arith.constant 0 : i32
      %dma_start3A_72 = tpu.memref_slice %arg3[%select_n3A, %dma_start3A_71] : memref<16x4096xi32, #tpu.memory_space<hbm>> -> memref<1x4096xi32, #tpu.memory_space<hbm>>
      %dma_start3A_73 = tpu.memref_squeeze %dma_start3A_72 : memref<1x4096xi32, #tpu.memory_space<hbm>> -> memref<4096xi32, #tpu.memory_space<hbm>>
      tpu.enqueue_dma source(%dma_start3A_73 : memref<4096xi32, #tpu.memory_space<hbm>>) target(%arg8 : memref<4096xi32, #tpu.memory_space<vmem>>) target_semaphore(%run_scoped3A : memref<!tpu.dma_semaphore, #tpu.memory_space<semaphore_mem>>)
      %dma_wait3A = arith.constant 0 : i32
      %dma_wait3A_74 = tpu.memref_slice %arg3[%select_n3A, %dma_wait3A] : memref<16x4096xi32, #tpu.memory_space<hbm>> -> memref<1x4096xi32, #tpu.memory_space<hbm>>
      %dma_wait3A_75 = tpu.memref_squeeze %dma_wait3A_74 : memref<1x4096xi32, #tpu.memory_space<hbm>> -> memref<4096xi32, #tpu.memory_space<hbm>>
      %dma_wait3A_76 = arith.constant 0 : i32
      %dma_wait3A_77 = tpu.memref_slice %arg3[%select_n3A, %dma_wait3A_76] : memref<16x4096xi32, #tpu.memory_space<hbm>> -> memref<1x4096xi32, #tpu.memory_space<hbm>>
      %dma_wait3A_78 = tpu.memref_squeeze %dma_wait3A_77 : memref<1x4096xi32, #tpu.memory_space<hbm>> -> memref<4096xi32, #tpu.memory_space<hbm>>
      tpu.wait_dma2 semaphore(%run_scoped3A : memref<!tpu.dma_semaphore, #tpu.memory_space<semaphore_mem>>) src(%dma_wait3A_78 : memref<4096xi32, #tpu.memory_space<hbm>>) dst(%arg8 : memref<4096xi32, #tpu.memory_space<vmem>>)
      tpu.yield
    }) : () -> ()
    "tpu.region"() ({
      %run_scoped3A = tpu.sem_alloc : memref<!tpu.dma_semaphore, #tpu.memory_space<semaphore_mem>>
      %dma_start3A = arith.constant 0 : i32
      %dma_start3A_69 = tpu.memref_slice %arg4[%select_n3A, %dma_start3A] : memref<16x128xi32, #tpu.memory_space<hbm>> -> memref<1x128xi32, #tpu.memory_space<hbm>>
      %dma_start3A_70 = tpu.memref_squeeze %dma_start3A_69 : memref<1x128xi32, #tpu.memory_space<hbm>> -> memref<128xi32, #tpu.memory_space<hbm>>
      %dma_start3A_71 = arith.constant 0 : i32
      %dma_start3A_72 = tpu.memref_slice %arg4[%select_n3A, %dma_start3A_71] : memref<16x128xi32, #tpu.memory_space<hbm>> -> memref<1x128xi32, #tpu.memory_space<hbm>>
      %dma_start3A_73 = tpu.memref_squeeze %dma_start3A_72 : memref<1x128xi32, #tpu.memory_space<hbm>> -> memref<128xi32, #tpu.memory_space<hbm>>
      tpu.enqueue_dma source(%dma_start3A_73 : memref<128xi32, #tpu.memory_space<hbm>>) target(%arg9 : memref<128xi32, #tpu.memory_space<vmem>>) target_semaphore(%run_scoped3A : memref<!tpu.dma_semaphore, #tpu.memory_space<semaphore_mem>>)
      %dma_wait3A = arith.constant 0 : i32
      %dma_wait3A_74 = tpu.memref_slice %arg4[%select_n3A, %dma_wait3A] : memref<16x128xi32, #tpu.memory_space<hbm>> -> memref<1x128xi32, #tpu.memory_space<hbm>>
      %dma_wait3A_75 = tpu.memref_squeeze %dma_wait3A_74 : memref<1x128xi32, #tpu.memory_space<hbm>> -> memref<128xi32, #tpu.memory_space<hbm>>
      %dma_wait3A_76 = arith.constant 0 : i32
      %dma_wait3A_77 = tpu.memref_slice %arg4[%select_n3A, %dma_wait3A_76] : memref<16x128xi32, #tpu.memory_space<hbm>> -> memref<1x128xi32, #tpu.memory_space<hbm>>
      %dma_wait3A_78 = tpu.memref_squeeze %dma_wait3A_77 : memref<1x128xi32, #tpu.memory_space<hbm>> -> memref<128xi32, #tpu.memory_space<hbm>>
      tpu.wait_dma2 semaphore(%run_scoped3A : memref<!tpu.dma_semaphore, #tpu.memory_space<semaphore_mem>>) src(%dma_wait3A_78 : memref<128xi32, #tpu.memory_space<hbm>>) dst(%arg9 : memref<128xi32, #tpu.memory_space<vmem>>)
      tpu.yield
    }) : () -> ()
    %broadcast_in_dim3A = vector.broadcast %select_n3A_30 : i32 to vector<16xi32>
    %eq3A_52 = arith.constant 0 : i32
    %eq3A_53 = vector.broadcast %eq3A_52 : i32 to vector<16xi32>
    %eq3A_54 = arith.cmpi eq, %broadcast_in_dim3A, %eq3A_53 : vector<16xi32>
    %iota3A = tpu.iota {dimensions = array<i32: 0>} : vector<16xi32>
    %scan3A = arith.constant 0 : i32
    %scan3A_55 = arith.constant 0 : i32
    %scan3A_56 = arith.constant 256 : i32
    %scan3A_57 = arith.addi %scan3A_55, %scan3A_56 : i32
    %scan3A_58 = arith.constant 1 : i32
    %scan3A_59 = scf.for %scan3A_69 = %scan3A_55 to %scan3A_57 step %scan3A_58 iter_args(%scan3A_70 = %scan3A) -> (i32)  : i32 {
      %mul3A_71 = arith.constant 16 : i32
      %mul3A_72 = arith.muli %scan3A_69, %mul3A_71 : i32
      %multiple_of3A = tpu.assume_multiple %mul3A_72, 16 : i32
      %get3A = arith.index_cast %multiple_of3A : i32 to index
      %get3A_73 = tpu.vector_load %arg8[%get3A] {strides = array<i32>} : memref<4096xi32, #tpu.memory_space<vmem>>, vector<16xi32>,
      %jit3A_74 = arith.constant 2 : i32
      %div3A_75 = arith.divsi %scan3A_69, %jit3A_74 : i32
      %sign3A_76 = arith.constant 0 : i32
      %sign3A_77 = arith.cmpi sgt, %scan3A_69, %sign3A_76 : i32
      %sign3A_78 = arith.extui %sign3A_77 : i1 to i32
      %sign3A_79 = arith.constant 0 : i32
      %sign3A_80 = arith.cmpi slt, %scan3A_69, %sign3A_79 : i32
      %sign3A_81 = arith.extui %sign3A_80 : i1 to i32
      %sign3A_82 = arith.subi %sign3A_78, %sign3A_81 : i32
      %sign3A_83 = arith.constant 0 : i32
      %sign3A_84 = arith.cmpi sgt, %jit3A_74, %sign3A_83 : i32
      %sign3A_85 = arith.extui %sign3A_84 : i1 to i32
      %sign3A_86 = arith.constant 0 : i32
      %sign3A_87 = arith.cmpi slt, %jit3A_74, %sign3A_86 : i32
      %sign3A_88 = arith.extui %sign3A_87 : i1 to i32
      %sign3A_89 = arith.subi %sign3A_85, %sign3A_88 : i32
      %ne3A_90 = arith.cmpi ne, %sign3A_82, %sign3A_89 : i32
      %rem3A_91 = arith.remsi %scan3A_69, %jit3A_74 : i32
      %ne3A_92 = arith.constant 0 : i32
      %ne3A_93 = arith.cmpi ne, %rem3A_91, %ne3A_92 : i32
      %and3A_94 = arith.andi %ne3A_90, %ne3A_93 : i1
      %sub3A_95 = arith.constant 1 : i32
      %sub3A_96 = arith.subi %div3A_75, %sub3A_95 : i32
      %select_n3A_97 = arith.select %and3A_94, %sub3A_96, %div3A_75 : i32
      %broadcast_in_dim3A_98 = vector.broadcast %select_n3A_97 : i32 to vector<16xi32>
      %gather3A = tpu.vector_load_idx %arg9[%broadcast_in_dim3A_98] : memref<128xi32, #tpu.memory_space<vmem>>[vector<16xi32>], vector<16xi32>,
      %mul3A_99 = arith.constant 48 : i32
      %mul3A_100 = arith.muli %scan3A_69, %mul3A_99 : i32
      %mul3A_101 = arith.constant 3 : i32
      %mul3A_102 = vector.broadcast %mul3A_101 : i32 to vector<16xi32>
      %mul3A_103 = arith.muli %iota3A, %mul3A_102 : vector<16xi32>
      %add3A_104 = vector.broadcast %mul3A_100 : i32 to vector<16xi32>
      %add3A_105 = arith.addi %add3A_104, %mul3A_103 : vector<16xi32>
      %add3A_106 = arith.constant 0 : i32
      %add3A_107 = vector.broadcast %add3A_106 : i32 to vector<16xi32>
      %add3A_108 = arith.addi %get3A_73, %add3A_107 : vector<16xi32>
      %gather3A_109 = tpu.vector_load_idx %arg7[%add3A_108] : memref<24576xf32, #tpu.memory_space<vmem>>[vector<16xi32>], vector<16xf32>,
      %add3A_110 = arith.constant 0 : i32
      %add3A_111 = vector.broadcast %add3A_110 : i32 to vector<16xi32>
      %add3A_112 = arith.addi %gather3A, %add3A_111 : vector<16xi32>
      %gather3A_113 = tpu.vector_load_idx %arg7[%add3A_112] : memref<24576xf32, #tpu.memory_space<vmem>>[vector<16xi32>], vector<16xf32>,
      %add3A_114 = arith.constant 0 : i32
      %add3A_115 = vector.broadcast %add3A_114 : i32 to vector<16xi32>
      %add3A_116 = arith.addi %add3A_105, %add3A_115 : vector<16xi32>
      %sub3A_117 = arith.subf %gather3A_109, %gather3A_113 : vector<16xf32>
      %select_n3A_118 = arith.select %eq3A_54, %sub3A_117, %gather3A_109 : vector<16xi1>, vector<16xf32>
      tpu.vector_store_idx %arg10[%add3A_116], %select_n3A_118 : memref<12288xf32, #tpu.memory_space<vmem>>[vector<16xi32>], vector<16xf32>,
      %add3A_119 = arith.constant 8192 : i32
      %add3A_120 = vector.broadcast %add3A_119 : i32 to vector<16xi32>
      %add3A_121 = arith.addi %get3A_73, %add3A_120 : vector<16xi32>
      %gather3A_122 = tpu.vector_load_idx %arg7[%add3A_121] : memref<24576xf32, #tpu.memory_space<vmem>>[vector<16xi32>], vector<16xf32>,
      %add3A_123 = arith.constant 8192 : i32
      %add3A_124 = vector.broadcast %add3A_123 : i32 to vector<16xi32>
      %add3A_125 = arith.addi %gather3A, %add3A_124 : vector<16xi32>
      %gather3A_126 = tpu.vector_load_idx %arg7[%add3A_125] : memref<24576xf32, #tpu.memory_space<vmem>>[vector<16xi32>], vector<16xf32>,
      %add3A_127 = arith.constant 1 : i32
      %add3A_128 = vector.broadcast %add3A_127 : i32 to vector<16xi32>
      %add3A_129 = arith.addi %add3A_105, %add3A_128 : vector<16xi32>
      %sub3A_130 = arith.subf %gather3A_122, %gather3A_126 : vector<16xf32>
      %select_n3A_131 = arith.select %eq3A_54, %sub3A_130, %gather3A_122 : vector<16xi1>, vector<16xf32>
      tpu.vector_store_idx %arg10[%add3A_129], %select_n3A_131 : memref<12288xf32, #tpu.memory_space<vmem>>[vector<16xi32>], vector<16xf32>,
      %add3A_132 = arith.constant 16384 : i32
      %add3A_133 = vector.broadcast %add3A_132 : i32 to vector<16xi32>
      %add3A_134 = arith.addi %get3A_73, %add3A_133 : vector<16xi32>
      %gather3A_135 = tpu.vector_load_idx %arg7[%add3A_134] : memref<24576xf32, #tpu.memory_space<vmem>>[vector<16xi32>], vector<16xf32>,
      %add3A_136 = arith.constant 16384 : i32
      %add3A_137 = vector.broadcast %add3A_136 : i32 to vector<16xi32>
      %add3A_138 = arith.addi %gather3A, %add3A_137 : vector<16xi32>
      %gather3A_139 = tpu.vector_load_idx %arg7[%add3A_138] : memref<24576xf32, #tpu.memory_space<vmem>>[vector<16xi32>], vector<16xf32>,
      %add3A_140 = arith.constant 2 : i32
      %add3A_141 = vector.broadcast %add3A_140 : i32 to vector<16xi32>
      %add3A_142 = arith.addi %add3A_105, %add3A_141 : vector<16xi32>
      %sub3A_143 = arith.subf %gather3A_135, %gather3A_139 : vector<16xf32>
      %select_n3A_144 = arith.select %eq3A_54, %sub3A_143, %gather3A_135 : vector<16xi1>, vector<16xf32>
      tpu.vector_store_idx %arg10[%add3A_142], %select_n3A_144 : memref<12288xf32, #tpu.memory_space<vmem>>[vector<16xi32>], vector<16xf32>,
      %scan3A_145 = arith.constant 0 : i32
      scf.yield %scan3A_145 : i32
    }
    %scan3A_60 = arith.constant 256 : i32
    %eq3A_61 = arith.constant 0 : i32
    %eq3A_62 = arith.cmpi eq, %select_n3A_30, %eq3A_61 : i32
    %convert_element_type3A = arith.extui %eq3A_62 : i1 to i32
    %cond3A = arith.constant 0 : i32
    %cond3A_63 = arith.cmpi ne, %convert_element_type3A, %cond3A : i32
    scf.if %cond3A_63 {
      "tpu.region"() ({
        %run_scoped3A = tpu.sem_alloc : memref<!tpu.dma_semaphore, #tpu.memory_space<semaphore_mem>>
        %dma_start3A = arith.constant 0 : i32
        %dma_start3A_69 = tpu.memref_slice %arg5[%select_n3A, %dma_start3A] : memref<16x12288xf32, #tpu.memory_space<hbm>> -> memref<1x12288xf32, #tpu.memory_space<hbm>>
        %dma_start3A_70 = tpu.memref_squeeze %dma_start3A_69 : memref<1x12288xf32, #tpu.memory_space<hbm>> -> memref<12288xf32, #tpu.memory_space<hbm>>
        %dma_start3A_71 = arith.constant 0 : i32
        %dma_start3A_72 = tpu.memref_slice %arg5[%select_n3A, %dma_start3A_71] : memref<16x12288xf32, #tpu.memory_space<hbm>> -> memref<1x12288xf32, #tpu.memory_space<hbm>>
        %dma_start3A_73 = tpu.memref_squeeze %dma_start3A_72 : memref<1x12288xf32, #tpu.memory_space<hbm>> -> memref<12288xf32, #tpu.memory_space<hbm>>
        tpu.enqueue_dma source(%arg10 : memref<12288xf32, #tpu.memory_space<vmem>>) target(%dma_start3A_73 : memref<12288xf32, #tpu.memory_space<hbm>>) target_semaphore(%run_scoped3A : memref<!tpu.dma_semaphore, #tpu.memory_space<semaphore_mem>>)
        %dma_wait3A = arith.constant 0 : i32
        %dma_wait3A_74 = tpu.memref_slice %arg5[%select_n3A, %dma_wait3A] : memref<16x12288xf32, #tpu.memory_space<hbm>> -> memref<1x12288xf32, #tpu.memory_space<hbm>>
        %dma_wait3A_75 = tpu.memref_squeeze %dma_wait3A_74 : memref<1x12288xf32, #tpu.memory_space<hbm>> -> memref<12288xf32, #tpu.memory_space<hbm>>
        %dma_wait3A_76 = arith.constant 0 : i32
        %dma_wait3A_77 = tpu.memref_slice %arg5[%select_n3A, %dma_wait3A_76] : memref<16x12288xf32, #tpu.memory_space<hbm>> -> memref<1x12288xf32, #tpu.memory_space<hbm>>
        %dma_wait3A_78 = tpu.memref_squeeze %dma_wait3A_77 : memref<1x12288xf32, #tpu.memory_space<hbm>> -> memref<12288xf32, #tpu.memory_space<hbm>>
        tpu.wait_dma2 semaphore(%run_scoped3A : memref<!tpu.dma_semaphore, #tpu.memory_space<semaphore_mem>>) src(%arg10 : memref<12288xf32, #tpu.memory_space<vmem>>) dst(%dma_wait3A_78 : memref<12288xf32, #tpu.memory_space<hbm>>)
        tpu.yield
      }) : () -> ()
    } else {
    }
    %eq3A_64 = arith.constant 1 : i32
    %eq3A_65 = arith.cmpi eq, %select_n3A_30, %eq3A_64 : i32
    %convert_element_type3A_66 = arith.extui %eq3A_65 : i1 to i32
    %cond3A_67 = arith.constant 0 : i32
    %cond3A_68 = arith.cmpi ne, %convert_element_type3A_66, %cond3A_67 : i32
    scf.if %cond3A_68 {
      "tpu.region"() ({
        %run_scoped3A = tpu.sem_alloc : memref<!tpu.dma_semaphore, #tpu.memory_space<semaphore_mem>>
        %dma_start3A = arith.constant 0 : i32
        %dma_start3A_69 = tpu.memref_slice %arg6[%select_n3A, %dma_start3A] : memref<16x12288xf32, #tpu.memory_space<hbm>> -> memref<1x12288xf32, #tpu.memory_space<hbm>>
        %dma_start3A_70 = tpu.memref_squeeze %dma_start3A_69 : memref<1x12288xf32, #tpu.memory_space<hbm>> -> memref<12288xf32, #tpu.memory_space<hbm>>
        %dma_start3A_71 = arith.constant 0 : i32
        %dma_start3A_72 = tpu.memref_slice %arg6[%select_n3A, %dma_start3A_71] : memref<16x12288xf32, #tpu.memory_space<hbm>> -> memref<1x12288xf32, #tpu.memory_space<hbm>>
        %dma_start3A_73 = tpu.memref_squeeze %dma_start3A_72 : memref<1x12288xf32, #tpu.memory_space<hbm>> -> memref<12288xf32, #tpu.memory_space<hbm>>
        tpu.enqueue_dma source(%arg10 : memref<12288xf32, #tpu.memory_space<vmem>>) target(%dma_start3A_73 : memref<12288xf32, #tpu.memory_space<hbm>>) target_semaphore(%run_scoped3A : memref<!tpu.dma_semaphore, #tpu.memory_space<semaphore_mem>>)
        %dma_wait3A = arith.constant 0 : i32
        %dma_wait3A_74 = tpu.memref_slice %arg6[%select_n3A, %dma_wait3A] : memref<16x12288xf32, #tpu.memory_space<hbm>> -> memref<1x12288xf32, #tpu.memory_space<hbm>>
        %dma_wait3A_75 = tpu.memref_squeeze %dma_wait3A_74 : memref<1x12288xf32, #tpu.memory_space<hbm>> -> memref<12288xf32, #tpu.memory_space<hbm>>
        %dma_wait3A_76 = arith.constant 0 : i32
        %dma_wait3A_77 = tpu.memref_slice %arg6[%select_n3A, %dma_wait3A_76] : memref<16x12288xf32, #tpu.memory_space<hbm>> -> memref<1x12288xf32, #tpu.memory_space<hbm>>
        %dma_wait3A_78 = tpu.memref_squeeze %dma_wait3A_77 : memref<1x12288xf32, #tpu.memory_space<hbm>> -> memref<12288xf32, #tpu.memory_space<hbm>>
        tpu.wait_dma2 semaphore(%run_scoped3A : memref<!tpu.dma_semaphore, #tpu.memory_space<semaphore_mem>>) src(%arg10 : memref<12288xf32, #tpu.memory_space<vmem>>) dst(%dma_wait3A_78 : memref<12288xf32, #tpu.memory_space<hbm>>)
        tpu.yield
      }) : () -> ()
    } else {
    }
    return
  }
}

module attributes {stable_mosaic.version = 14 : i64} {
  func.func @_fps_body(%arg0: memref<3x16x8192xf32, #tpu.memory_space<vmem>>, %arg1: memref<16x128xi32, #tpu.memory_space<vmem>>, %arg2: memref<16x128xf32, #tpu.memory_space<vmem>>, %arg3: memref<16x128xf32, #tpu.memory_space<vmem>>, %arg4: memref<16x128xf32, #tpu.memory_space<vmem>>) attributes {dimension_semantics = [], scalar_prefetch = 0 : i64, scratch_operands = 0 : i64, tpu.core_type = #tpu.core_type<tc>} {
    %get3A = arith.constant 0 : index
    %get3A_0 = arith.constant 0 : index
    %get3A_1 = arith.constant 0 : index
    %get3A_2 = vector.load %arg0[%get3A, %get3A_0, %get3A_1] : memref<3x16x8192xf32, #tpu.memory_space<vmem>>, vector<1x16x8192xf32>
    %get3A_3 = vector.shape_cast %get3A_2 : vector<1x16x8192xf32> to vector<16x8192xf32>
    %get3A_4 = arith.constant 1 : index
    %get3A_5 = arith.constant 0 : index
    %get3A_6 = arith.constant 0 : index
    %get3A_7 = vector.load %arg0[%get3A_4, %get3A_5, %get3A_6] : memref<3x16x8192xf32, #tpu.memory_space<vmem>>, vector<1x16x8192xf32>
    %get3A_8 = vector.shape_cast %get3A_7 : vector<1x16x8192xf32> to vector<16x8192xf32>
    %get3A_9 = arith.constant 2 : index
    %get3A_10 = arith.constant 0 : index
    %get3A_11 = arith.constant 0 : index
    %get3A_12 = vector.load %arg0[%get3A_9, %get3A_10, %get3A_11] : memref<3x16x8192xf32, #tpu.memory_space<vmem>>, vector<1x16x8192xf32>
    %get3A_13 = vector.shape_cast %get3A_12 : vector<1x16x8192xf32> to vector<16x8192xf32>
    %iota3A = tpu.iota {dimensions = array<i32: 1>} : vector<16x8192xi32>
    %iota3A_14 = tpu.iota {dimensions = array<i32: 1>} : vector<16x128xi32>
    %slice3A = vector.extract_strided_slice %get3A_3 {offsets = [0, 0], sizes = [16, 1], strides = [1, 1]} : vector<16x8192xf32> to vector<16x1xf32>
    %slice3A_15 = vector.extract_strided_slice %get3A_8 {offsets = [0, 0], sizes = [16, 1], strides = [1, 1]} : vector<16x8192xf32> to vector<16x1xf32>
    %slice3A_16 = vector.extract_strided_slice %get3A_13 {offsets = [0, 0], sizes = [16, 1], strides = [1, 1]} : vector<16x8192xf32> to vector<16x1xf32>
    %broadcast_in_dim3A = arith.constant 0x7F800000 : f32
    %broadcast_in_dim3A_17 = vector.broadcast %broadcast_in_dim3A : f32 to vector<16x8192xf32>
    %broadcast_in_dim3A_18 = arith.constant 0 : i32
    %broadcast_in_dim3A_19 = vector.broadcast %broadcast_in_dim3A_18 : i32 to vector<16x128xi32>
    %broadcast_in_dim3A_20 = arith.constant 0.000000e+00 : f32
    %broadcast_in_dim3A_21 = vector.broadcast %broadcast_in_dim3A_20 : f32 to vector<16x128xf32>
    %eq3A = arith.constant 0 : i32
    %eq3A_22 = vector.broadcast %eq3A : i32 to vector<16x128xi32>
    %eq3A_23 = arith.cmpi eq, %iota3A_14, %eq3A_22 : vector<16x128xi32>
    %broadcast_in_dim3A_24 = vector.shape_cast %slice3A : vector<16x1xf32> to vector<16x1xf32>
    %broadcast_in_dim3A_25 = vector.broadcast %broadcast_in_dim3A_24 : vector<16x1xf32> to vector<16x128xf32>
    %select_n3A = arith.select %eq3A_23, %broadcast_in_dim3A_25, %broadcast_in_dim3A_21 : vector<16x128xi1>, vector<16x128xf32>
    %eq3A_26 = arith.constant 0 : i32
    %eq3A_27 = vector.broadcast %eq3A_26 : i32 to vector<16x128xi32>
    %eq3A_28 = arith.cmpi eq, %iota3A_14, %eq3A_27 : vector<16x128xi32>
    %broadcast_in_dim3A_29 = vector.shape_cast %slice3A_15 : vector<16x1xf32> to vector<16x1xf32>
    %broadcast_in_dim3A_30 = vector.broadcast %broadcast_in_dim3A_29 : vector<16x1xf32> to vector<16x128xf32>
    %select_n3A_31 = arith.select %eq3A_28, %broadcast_in_dim3A_30, %broadcast_in_dim3A_21 : vector<16x128xi1>, vector<16x128xf32>
    %eq3A_32 = arith.constant 0 : i32
    %eq3A_33 = vector.broadcast %eq3A_32 : i32 to vector<16x128xi32>
    %eq3A_34 = arith.cmpi eq, %iota3A_14, %eq3A_33 : vector<16x128xi32>
    %broadcast_in_dim3A_35 = vector.shape_cast %slice3A_16 : vector<16x1xf32> to vector<16x1xf32>
    %broadcast_in_dim3A_36 = vector.broadcast %broadcast_in_dim3A_35 : vector<16x1xf32> to vector<16x128xf32>
    %select_n3A_37 = arith.select %eq3A_34, %broadcast_in_dim3A_36, %broadcast_in_dim3A_21 : vector<16x128xi1>, vector<16x128xf32>
    %scan3A = arith.constant 1 : i32
    %scan3A_38 = arith.constant 127 : i32
    %scan3A_39 = arith.addi %scan3A, %scan3A_38 : i32
    %scan3A_40 = arith.constant 1 : i32
    %scan3A_41:8 = scf.for %scan3A_54 = %scan3A to %scan3A_39 step %scan3A_40 iter_args(%scan3A_55 = %broadcast_in_dim3A_17, %scan3A_56 = %slice3A, %scan3A_57 = %slice3A_15, %scan3A_58 = %slice3A_16, %scan3A_59 = %broadcast_in_dim3A_19, %scan3A_60 = %select_n3A, %scan3A_61 = %select_n3A_31, %scan3A_62 = %select_n3A_37) -> (vector<16x8192xf32>, vector<16x1xf32>, vector<16x1xf32>, vector<16x1xf32>, vector<16x128xi32>, vector<16x128xf32>, vector<16x128xf32>, vector<16x128xf32>)  : i32 {
      %sub3A = vector.broadcast %scan3A_56 : vector<16x1xf32> to vector<16x8192xf32>
      %sub3A_63 = arith.subf %get3A_3, %sub3A : vector<16x8192xf32>
      %sub3A_64 = vector.broadcast %scan3A_57 : vector<16x1xf32> to vector<16x8192xf32>
      %sub3A_65 = arith.subf %get3A_8, %sub3A_64 : vector<16x8192xf32>
      %sub3A_66 = vector.broadcast %scan3A_58 : vector<16x1xf32> to vector<16x8192xf32>
      %sub3A_67 = arith.subf %get3A_13, %sub3A_66 : vector<16x8192xf32>
      %mul3A = arith.mulf %sub3A_63, %sub3A_63 : vector<16x8192xf32>
      %mul3A_68 = arith.mulf %sub3A_65, %sub3A_65 : vector<16x8192xf32>
      %add3A = arith.addf %mul3A, %mul3A_68 : vector<16x8192xf32>
      %mul3A_69 = arith.mulf %sub3A_67, %sub3A_67 : vector<16x8192xf32>
      %add3A_70 = arith.addf %add3A, %mul3A_69 : vector<16x8192xf32>
      %min3A = arith.minimumf %scan3A_55, %add3A_70 : vector<16x8192xf32>
      %reduce_max3A = arith.constant dense<0xFF800000> : vector<16xf32>
      %reduce_max3A_71 = vector.multi_reduction <maximumf>, %min3A, %reduce_max3A [1] : vector<16x8192xf32> to vector<16xf32>
      %broadcast_in_dim3A_72 = vector.shape_cast %reduce_max3A_71 : vector<16xf32> to vector<16x1xf32>
      %eq3A_73 = vector.broadcast %broadcast_in_dim3A_72 : vector<16x1xf32> to vector<16x8192xf32>
      %eq3A_74 = arith.cmpf oeq, %min3A, %eq3A_73 : vector<16x8192xf32>
      %jit3A = arith.constant 8192 : i32
      %broadcast_in_dim3A_75 = vector.broadcast %jit3A : i32 to vector<16x8192xi32>
      %select_n3A_76 = arith.select %eq3A_74, %iota3A, %broadcast_in_dim3A_75 : vector<16x8192xi1>, vector<16x8192xi32>
      %reduce_min3A = arith.constant dense<2147483647> : vector<16xi32>
      %reduce_min3A_77 = vector.multi_reduction <minsi>, %select_n3A_76, %reduce_min3A [1] : vector<16x8192xi32> to vector<16xi32>
      %broadcast_in_dim3A_78 = vector.shape_cast %reduce_min3A_77 : vector<16xi32> to vector<16x1xi32>
      %eq3A_79 = vector.broadcast %broadcast_in_dim3A_78 : vector<16x1xi32> to vector<16x8192xi32>
      %eq3A_80 = arith.cmpi eq, %iota3A, %eq3A_79 : vector<16x8192xi32>
      %convert_element_type3A = arith.extui %eq3A_80 : vector<16x8192xi1> to vector<16x8192xi32>
      %convert_element_type3A_81 = arith.sitofp %convert_element_type3A : vector<16x8192xi32> to vector<16x8192xf32>
      %mul3A_82 = arith.mulf %get3A_3, %convert_element_type3A_81 : vector<16x8192xf32>
      %reduce_sum3A = arith.constant dense<0.000000e+00> : vector<16xf32>
      %reduce_sum3A_83 = vector.multi_reduction <add>, %mul3A_82, %reduce_sum3A [1] : vector<16x8192xf32> to vector<16xf32>
      %broadcast_in_dim3A_84 = vector.shape_cast %reduce_sum3A_83 : vector<16xf32> to vector<16x1xf32>
      %mul3A_85 = arith.mulf %get3A_8, %convert_element_type3A_81 : vector<16x8192xf32>
      %reduce_sum3A_86 = arith.constant dense<0.000000e+00> : vector<16xf32>
      %reduce_sum3A_87 = vector.multi_reduction <add>, %mul3A_85, %reduce_sum3A_86 [1] : vector<16x8192xf32> to vector<16xf32>
      %broadcast_in_dim3A_88 = vector.shape_cast %reduce_sum3A_87 : vector<16xf32> to vector<16x1xf32>
      %mul3A_89 = arith.mulf %get3A_13, %convert_element_type3A_81 : vector<16x8192xf32>
      %reduce_sum3A_90 = arith.constant dense<0.000000e+00> : vector<16xf32>
      %reduce_sum3A_91 = vector.multi_reduction <add>, %mul3A_89, %reduce_sum3A_90 [1] : vector<16x8192xf32> to vector<16xf32>
      %broadcast_in_dim3A_92 = vector.shape_cast %reduce_sum3A_91 : vector<16xf32> to vector<16x1xf32>
      %eq3A_93 = vector.broadcast %scan3A_54 : i32 to vector<16x128xi32>
      %eq3A_94 = arith.cmpi eq, %iota3A_14, %eq3A_93 : vector<16x128xi32>
      %broadcast_in_dim3A_95 = vector.shape_cast %broadcast_in_dim3A_78 : vector<16x1xi32> to vector<16x1xi32>
      %broadcast_in_dim3A_96 = vector.broadcast %broadcast_in_dim3A_95 : vector<16x1xi32> to vector<16x128xi32>
      %select_n3A_97 = arith.select %eq3A_94, %broadcast_in_dim3A_96, %scan3A_59 : vector<16x128xi1>, vector<16x128xi32>
      %eq3A_98 = vector.broadcast %scan3A_54 : i32 to vector<16x128xi32>
      %eq3A_99 = arith.cmpi eq, %iota3A_14, %eq3A_98 : vector<16x128xi32>
      %broadcast_in_dim3A_100 = vector.shape_cast %broadcast_in_dim3A_84 : vector<16x1xf32> to vector<16x1xf32>
      %broadcast_in_dim3A_101 = vector.broadcast %broadcast_in_dim3A_100 : vector<16x1xf32> to vector<16x128xf32>
      %select_n3A_102 = arith.select %eq3A_99, %broadcast_in_dim3A_101, %scan3A_60 : vector<16x128xi1>, vector<16x128xf32>
      %eq3A_103 = vector.broadcast %scan3A_54 : i32 to vector<16x128xi32>
      %eq3A_104 = arith.cmpi eq, %iota3A_14, %eq3A_103 : vector<16x128xi32>
      %broadcast_in_dim3A_105 = vector.shape_cast %broadcast_in_dim3A_88 : vector<16x1xf32> to vector<16x1xf32>
      %broadcast_in_dim3A_106 = vector.broadcast %broadcast_in_dim3A_105 : vector<16x1xf32> to vector<16x128xf32>
      %select_n3A_107 = arith.select %eq3A_104, %broadcast_in_dim3A_106, %scan3A_61 : vector<16x128xi1>, vector<16x128xf32>
      %eq3A_108 = vector.broadcast %scan3A_54 : i32 to vector<16x128xi32>
      %eq3A_109 = arith.cmpi eq, %iota3A_14, %eq3A_108 : vector<16x128xi32>
      %broadcast_in_dim3A_110 = vector.shape_cast %broadcast_in_dim3A_92 : vector<16x1xf32> to vector<16x1xf32>
      %broadcast_in_dim3A_111 = vector.broadcast %broadcast_in_dim3A_110 : vector<16x1xf32> to vector<16x128xf32>
      %select_n3A_112 = arith.select %eq3A_109, %broadcast_in_dim3A_111, %scan3A_62 : vector<16x128xi1>, vector<16x128xf32>
      scf.yield %min3A, %broadcast_in_dim3A_84, %broadcast_in_dim3A_88, %broadcast_in_dim3A_92, %select_n3A_97, %select_n3A_102, %select_n3A_107, %select_n3A_112 : vector<16x8192xf32>, vector<16x1xf32>, vector<16x1xf32>, vector<16x1xf32>, vector<16x128xi32>, vector<16x128xf32>, vector<16x128xf32>, vector<16x128xf32>
    }
    %scan3A_42 = arith.constant 127 : i32
    %swap3A = arith.constant 0 : index
    %swap3A_43 = arith.constant 0 : index
    %swap3A_44 = vector.load %arg1[%swap3A, %swap3A_43] : memref<16x128xi32, #tpu.memory_space<vmem>>, vector<16x128xi32>
    tpu.vector_store %arg1[%swap3A, %swap3A_43], %scan3A_41#4 {strides = array<i32>} : memref<16x128xi32, #tpu.memory_space<vmem>>, vector<16x128xi32>,
    %swap3A_45 = arith.constant 0 : index
    %swap3A_46 = arith.constant 0 : index
    %swap3A_47 = vector.load %arg2[%swap3A_45, %swap3A_46] : memref<16x128xf32, #tpu.memory_space<vmem>>, vector<16x128xf32>
    tpu.vector_store %arg2[%swap3A_45, %swap3A_46], %scan3A_41#5 {strides = array<i32>} : memref<16x128xf32, #tpu.memory_space<vmem>>, vector<16x128xf32>,
    %swap3A_48 = arith.constant 0 : index
    %swap3A_49 = arith.constant 0 : index
    %swap3A_50 = vector.load %arg3[%swap3A_48, %swap3A_49] : memref<16x128xf32, #tpu.memory_space<vmem>>, vector<16x128xf32>
    tpu.vector_store %arg3[%swap3A_48, %swap3A_49], %scan3A_41#6 {strides = array<i32>} : memref<16x128xf32, #tpu.memory_space<vmem>>, vector<16x128xf32>,
    %swap3A_51 = arith.constant 0 : index
    %swap3A_52 = arith.constant 0 : index
    %swap3A_53 = vector.load %arg4[%swap3A_51, %swap3A_52] : memref<16x128xf32, #tpu.memory_space<vmem>>, vector<16x128xf32>
    tpu.vector_store %arg4[%swap3A_51, %swap3A_52], %scan3A_41#7 {strides = array<i32>} : memref<16x128xf32, #tpu.memory_space<vmem>>, vector<16x128xf32>,
    return
  }
}

module attributes {stable_mosaic.version = 14 : i64} {
  func.func @_topk_body(%arg0: i32, %arg1: memref<3x1x1x8192xf32, #tpu.memory_space<vmem>>, %arg2: memref<1x128x3xf32, #tpu.memory_space<vmem>>, %arg3: memref<1x128x32xi32, #tpu.memory_space<vmem>>) attributes {dimension_semantics = [#tpu.dimension_semantics<arbitrary>], iteration_bounds = array<i64: 16>, scalar_prefetch = 0 : i64, scratch_operands = 0 : i64, tpu.core_type = #tpu.core_type<tc>, window_params = [{transform_indices = @transform_0, window_bounds = array<i64: 3, 1, 1, 8192>}, {transform_indices = @transform_1, window_bounds = array<i64: 1, 128, 3>}, {transform_indices = @transform_2, window_bounds = array<i64: 1, 128, 32>}]} {
    %get3A = arith.constant 0 : index
    %get3A_0 = arith.constant 0 : index
    %get3A_1 = arith.constant 0 : index
    %get3A_2 = arith.constant 0 : index
    %get3A_3 = vector.load %arg1[%get3A, %get3A_0, %get3A_1, %get3A_2] : memref<3x1x1x8192xf32, #tpu.memory_space<vmem>>, vector<3x1x1x8192xf32>
    %get3A_4 = vector.shape_cast %get3A_3 : vector<3x1x1x8192xf32> to vector<3x8192xf32>
    %get3A_5 = arith.constant 0 : index
    %get3A_6 = arith.constant 0 : index
    %get3A_7 = arith.constant 0 : index
    %get3A_8 = vector.load %arg2[%get3A_5, %get3A_6, %get3A_7] : memref<1x128x3xf32, #tpu.memory_space<vmem>>, vector<1x128x3xf32>
    %get3A_9 = vector.shape_cast %get3A_8 : vector<1x128x3xf32> to vector<128x3xf32>
    %mul3A = arith.mulf %get3A_4, %get3A_4 : vector<3x8192xf32>
    %reduce_sum3A = arith.constant dense<0.000000e+00> : vector<8192xf32>
    %reduce_sum3A_10 = vector.multi_reduction <add>, %mul3A, %reduce_sum3A [0] : vector<3x8192xf32> to vector<8192xf32>
    %broadcast_in_dim3A = vector.shape_cast %reduce_sum3A_10 : vector<8192xf32> to vector<1x8192xf32>
    %mul3A_11 = arith.mulf %get3A_9, %get3A_9 : vector<128x3xf32>
    %reduce_sum3A_12 = arith.constant dense<0.000000e+00> : vector<128xf32>
    %reduce_sum3A_13 = vector.multi_reduction <add>, %mul3A_11, %reduce_sum3A_12 [1] : vector<128x3xf32> to vector<128xf32>
    %broadcast_in_dim3A_14 = vector.shape_cast %reduce_sum3A_13 : vector<128xf32> to vector<128x1xf32>
    %dot_general3A = arith.constant dense<0.000000e+00> : vector<128x8192xf32>
    %dot_general3A_15 = tpu.matmul %get3A_9, %get3A_4, %dot_general3A {dimension_numbers = #tpu.dot_dimension_numbers<[1], [0], [0], [1], [0, 0, 1, 1], [], []>, transpose_lhs_hint = false} : vector<128x3xf32>, vector<3x8192xf32>, vector<128x8192xf32> -> vector<128x8192xf32>
    %mul3A_16 = arith.constant 2.000000e+00 : f32
    %mul3A_17 = vector.broadcast %mul3A_16 : f32 to vector<128x8192xf32>
    %mul3A_18 = arith.mulf %mul3A_17, %dot_general3A_15 : vector<128x8192xf32>
    %sub3A = vector.broadcast %broadcast_in_dim3A_14 : vector<128x1xf32> to vector<128x8192xf32>
    %sub3A_19 = arith.subf %sub3A, %mul3A_18 : vector<128x8192xf32>
    %add3A = vector.broadcast %broadcast_in_dim3A : vector<1x8192xf32> to vector<128x8192xf32>
    %add3A_20 = arith.addf %sub3A_19, %add3A : vector<128x8192xf32>
    %iota3A = tpu.iota {dimensions = array<i32: 1>} : vector<128x32xi32>
    %iota3A_21 = tpu.iota {dimensions = array<i32: 1>} : vector<128x64xi32>
    %slice3A = vector.extract_strided_slice %add3A_20 {offsets = [0, 0], sizes = [128, 64], strides = [1, 1]} : vector<128x8192xf32> to vector<128x64xf32>
    %slice3A_22 = vector.extract_strided_slice %add3A_20 {offsets = [0, 64], sizes = [128, 64], strides = [1, 1]} : vector<128x8192xf32> to vector<128x64xf32>
    %slice3A_23 = vector.extract_strided_slice %add3A_20 {offsets = [0, 128], sizes = [128, 64], strides = [1, 1]} : vector<128x8192xf32> to vector<128x64xf32>
    %slice3A_24 = vector.extract_strided_slice %add3A_20 {offsets = [0, 192], sizes = [128, 64], strides = [1, 1]} : vector<128x8192xf32> to vector<128x64xf32>
    %slice3A_25 = vector.extract_strided_slice %add3A_20 {offsets = [0, 256], sizes = [128, 64], strides = [1, 1]} : vector<128x8192xf32> to vector<128x64xf32>
    %slice3A_26 = vector.extract_strided_slice %add3A_20 {offsets = [0, 320], sizes = [128, 64], strides = [1, 1]} : vector<128x8192xf32> to vector<128x64xf32>
    %slice3A_27 = vector.extract_strided_slice %add3A_20 {offsets = [0, 384], sizes = [128, 64], strides = [1, 1]} : vector<128x8192xf32> to vector<128x64xf32>
    %slice3A_28 = vector.extract_strided_slice %add3A_20 {offsets = [0, 448], sizes = [128, 64], strides = [1, 1]} : vector<128x8192xf32> to vector<128x64xf32>
    %slice3A_29 = vector.extract_strided_slice %add3A_20 {offsets = [0, 512], sizes = [128, 64], strides = [1, 1]} : vector<128x8192xf32> to vector<128x64xf32>
    %slice3A_30 = vector.extract_strided_slice %add3A_20 {offsets = [0, 576], sizes = [128, 64], strides = [1, 1]} : vector<128x8192xf32> to vector<128x64xf32>
    %slice3A_31 = vector.extract_strided_slice %add3A_20 {offsets = [0, 640], sizes = [128, 64], strides = [1, 1]} : vector<128x8192xf32> to vector<128x64xf32>
    %slice3A_32 = vector.extract_strided_slice %add3A_20 {offsets = [0, 704], sizes = [128, 64], strides = [1, 1]} : vector<128x8192xf32> to vector<128x64xf32>
    %slice3A_33 = vector.extract_strided_slice %add3A_20 {offsets = [0, 768], sizes = [128, 64], strides = [1, 1]} : vector<128x8192xf32> to vector<128x64xf32>
    %slice3A_34 = vector.extract_strided_slice %add3A_20 {offsets = [0, 832], sizes = [128, 64], strides = [1, 1]} : vector<128x8192xf32> to vector<128x64xf32>
    %slice3A_35 = vector.extract_strided_slice %add3A_20 {offsets = [0, 896], sizes = [128, 64], strides = [1, 1]} : vector<128x8192xf32> to vector<128x64xf32>
    %slice3A_36 = vector.extract_strided_slice %add3A_20 {offsets = [0, 960], sizes = [128, 64], strides = [1, 1]} : vector<128x8192xf32> to vector<128x64xf32>
    %slice3A_37 = vector.extract_strided_slice %add3A_20 {offsets = [0, 1024], sizes = [128, 64], strides = [1, 1]} : vector<128x8192xf32> to vector<128x64xf32>
    %slice3A_38 = vector.extract_strided_slice %add3A_20 {offsets = [0, 1088], sizes = [128, 64], strides = [1, 1]} : vector<128x8192xf32> to vector<128x64xf32>
    %slice3A_39 = vector.extract_strided_slice %add3A_20 {offsets = [0, 1152], sizes = [128, 64], strides = [1, 1]} : vector<128x8192xf32> to vector<128x64xf32>
    %slice3A_40 = vector.extract_strided_slice %add3A_20 {offsets = [0, 1216], sizes = [128, 64], strides = [1, 1]} : vector<128x8192xf32> to vector<128x64xf32>
    %slice3A_41 = vector.extract_strided_slice %add3A_20 {offsets = [0, 1280], sizes = [128, 64], strides = [1, 1]} : vector<128x8192xf32> to vector<128x64xf32>
    %slice3A_42 = vector.extract_strided_slice %add3A_20 {offsets = [0, 1344], sizes = [128, 64], strides = [1, 1]} : vector<128x8192xf32> to vector<128x64xf32>
    %slice3A_43 = vector.extract_strided_slice %add3A_20 {offsets = [0, 1408], sizes = [128, 64], strides = [1, 1]} : vector<128x8192xf32> to vector<128x64xf32>
    %slice3A_44 = vector.extract_strided_slice %add3A_20 {offsets = [0, 1472], sizes = [128, 64], strides = [1, 1]} : vector<128x8192xf32> to vector<128x64xf32>
    %slice3A_45 = vector.extract_strided_slice %add3A_20 {offsets = [0, 1536], sizes = [128, 64], strides = [1, 1]} : vector<128x8192xf32> to vector<128x64xf32>
    %slice3A_46 = vector.extract_strided_slice %add3A_20 {offsets = [0, 1600], sizes = [128, 64], strides = [1, 1]} : vector<128x8192xf32> to vector<128x64xf32>
    %slice3A_47 = vector.extract_strided_slice %add3A_20 {offsets = [0, 1664], sizes = [128, 64], strides = [1, 1]} : vector<128x8192xf32> to vector<128x64xf32>
    %slice3A_48 = vector.extract_strided_slice %add3A_20 {offsets = [0, 1728], sizes = [128, 64], strides = [1, 1]} : vector<128x8192xf32> to vector<128x64xf32>
    %slice3A_49 = vector.extract_strided_slice %add3A_20 {offsets = [0, 1792], sizes = [128, 64], strides = [1, 1]} : vector<128x8192xf32> to vector<128x64xf32>
    %slice3A_50 = vector.extract_strided_slice %add3A_20 {offsets = [0, 1856], sizes = [128, 64], strides = [1, 1]} : vector<128x8192xf32> to vector<128x64xf32>
    %slice3A_51 = vector.extract_strided_slice %add3A_20 {offsets = [0, 1920], sizes = [128, 64], strides = [1, 1]} : vector<128x8192xf32> to vector<128x64xf32>
    %slice3A_52 = vector.extract_strided_slice %add3A_20 {offsets = [0, 1984], sizes = [128, 64], strides = [1, 1]} : vector<128x8192xf32> to vector<128x64xf32>
    %slice3A_53 = vector.extract_strided_slice %add3A_20 {offsets = [0, 2048], sizes = [128, 64], strides = [1, 1]} : vector<128x8192xf32> to vector<128x64xf32>
    %slice3A_54 = vector.extract_strided_slice %add3A_20 {offsets = [0, 2112], sizes = [128, 64], strides = [1, 1]} : vector<128x8192xf32> to vector<128x64xf32>
    %slice3A_55 = vector.extract_strided_slice %add3A_20 {offsets = [0, 2176], sizes = [128, 64], strides = [1, 1]} : vector<128x8192xf32> to vector<128x64xf32>
    %slice3A_56 = vector.extract_strided_slice %add3A_20 {offsets = [0, 2240], sizes = [128, 64], strides = [1, 1]} : vector<128x8192xf32> to vector<128x64xf32>
    %slice3A_57 = vector.extract_strided_slice %add3A_20 {offsets = [0, 2304], sizes = [128, 64], strides = [1, 1]} : vector<128x8192xf32> to vector<128x64xf32>
    %slice3A_58 = vector.extract_strided_slice %add3A_20 {offsets = [0, 2368], sizes = [128, 64], strides = [1, 1]} : vector<128x8192xf32> to vector<128x64xf32>
    %slice3A_59 = vector.extract_strided_slice %add3A_20 {offsets = [0, 2432], sizes = [128, 64], strides = [1, 1]} : vector<128x8192xf32> to vector<128x64xf32>
    %slice3A_60 = vector.extract_strided_slice %add3A_20 {offsets = [0, 2496], sizes = [128, 64], strides = [1, 1]} : vector<128x8192xf32> to vector<128x64xf32>
    %slice3A_61 = vector.extract_strided_slice %add3A_20 {offsets = [0, 2560], sizes = [128, 64], strides = [1, 1]} : vector<128x8192xf32> to vector<128x64xf32>
    %slice3A_62 = vector.extract_strided_slice %add3A_20 {offsets = [0, 2624], sizes = [128, 64], strides = [1, 1]} : vector<128x8192xf32> to vector<128x64xf32>
    %slice3A_63 = vector.extract_strided_slice %add3A_20 {offsets = [0, 2688], sizes = [128, 64], strides = [1, 1]} : vector<128x8192xf32> to vector<128x64xf32>
    %slice3A_64 = vector.extract_strided_slice %add3A_20 {offsets = [0, 2752], sizes = [128, 64], strides = [1, 1]} : vector<128x8192xf32> to vector<128x64xf32>
    %slice3A_65 = vector.extract_strided_slice %add3A_20 {offsets = [0, 2816], sizes = [128, 64], strides = [1, 1]} : vector<128x8192xf32> to vector<128x64xf32>
    %slice3A_66 = vector.extract_strided_slice %add3A_20 {offsets = [0, 2880], sizes = [128, 64], strides = [1, 1]} : vector<128x8192xf32> to vector<128x64xf32>
    %slice3A_67 = vector.extract_strided_slice %add3A_20 {offsets = [0, 2944], sizes = [128, 64], strides = [1, 1]} : vector<128x8192xf32> to vector<128x64xf32>
    %slice3A_68 = vector.extract_strided_slice %add3A_20 {offsets = [0, 3008], sizes = [128, 64], strides = [1, 1]} : vector<128x8192xf32> to vector<128x64xf32>
    %slice3A_69 = vector.extract_strided_slice %add3A_20 {offsets = [0, 3072], sizes = [128, 64], strides = [1, 1]} : vector<128x8192xf32> to vector<128x64xf32>
    %slice3A_70 = vector.extract_strided_slice %add3A_20 {offsets = [0, 3136], sizes = [128, 64], strides = [1, 1]} : vector<128x8192xf32> to vector<128x64xf32>
    %slice3A_71 = vector.extract_strided_slice %add3A_20 {offsets = [0, 3200], sizes = [128, 64], strides = [1, 1]} : vector<128x8192xf32> to vector<128x64xf32>
    %slice3A_72 = vector.extract_strided_slice %add3A_20 {offsets = [0, 3264], sizes = [128, 64], strides = [1, 1]} : vector<128x8192xf32> to vector<128x64xf32>
    %slice3A_73 = vector.extract_strided_slice %add3A_20 {offsets = [0, 3328], sizes = [128, 64], strides = [1, 1]} : vector<128x8192xf32> to vector<128x64xf32>
    %slice3A_74 = vector.extract_strided_slice %add3A_20 {offsets = [0, 3392], sizes = [128, 64], strides = [1, 1]} : vector<128x8192xf32> to vector<128x64xf32>
    %slice3A_75 = vector.extract_strided_slice %add3A_20 {offsets = [0, 3456], sizes = [128, 64], strides = [1, 1]} : vector<128x8192xf32> to vector<128x64xf32>
    %slice3A_76 = vector.extract_strided_slice %add3A_20 {offsets = [0, 3520], sizes = [128, 64], strides = [1, 1]} : vector<128x8192xf32> to vector<128x64xf32>
    %slice3A_77 = vector.extract_strided_slice %add3A_20 {offsets = [0, 3584], sizes = [128, 64], strides = [1, 1]} : vector<128x8192xf32> to vector<128x64xf32>
    %slice3A_78 = vector.extract_strided_slice %add3A_20 {offsets = [0, 3648], sizes = [128, 64], strides = [1, 1]} : vector<128x8192xf32> to vector<128x64xf32>
    %slice3A_79 = vector.extract_strided_slice %add3A_20 {offsets = [0, 3712], sizes = [128, 64], strides = [1, 1]} : vector<128x8192xf32> to vector<128x64xf32>
    %slice3A_80 = vector.extract_strided_slice %add3A_20 {offsets = [0, 3776], sizes = [128, 64], strides = [1, 1]} : vector<128x8192xf32> to vector<128x64xf32>
    %slice3A_81 = vector.extract_strided_slice %add3A_20 {offsets = [0, 3840], sizes = [128, 64], strides = [1, 1]} : vector<128x8192xf32> to vector<128x64xf32>
    %slice3A_82 = vector.extract_strided_slice %add3A_20 {offsets = [0, 3904], sizes = [128, 64], strides = [1, 1]} : vector<128x8192xf32> to vector<128x64xf32>
    %slice3A_83 = vector.extract_strided_slice %add3A_20 {offsets = [0, 3968], sizes = [128, 64], strides = [1, 1]} : vector<128x8192xf32> to vector<128x64xf32>
    %slice3A_84 = vector.extract_strided_slice %add3A_20 {offsets = [0, 4032], sizes = [128, 64], strides = [1, 1]} : vector<128x8192xf32> to vector<128x64xf32>
    %slice3A_85 = vector.extract_strided_slice %add3A_20 {offsets = [0, 4096], sizes = [128, 64], strides = [1, 1]} : vector<128x8192xf32> to vector<128x64xf32>
    %slice3A_86 = vector.extract_strided_slice %add3A_20 {offsets = [0, 4160], sizes = [128, 64], strides = [1, 1]} : vector<128x8192xf32> to vector<128x64xf32>
    %slice3A_87 = vector.extract_strided_slice %add3A_20 {offsets = [0, 4224], sizes = [128, 64], strides = [1, 1]} : vector<128x8192xf32> to vector<128x64xf32>
    %slice3A_88 = vector.extract_strided_slice %add3A_20 {offsets = [0, 4288], sizes = [128, 64], strides = [1, 1]} : vector<128x8192xf32> to vector<128x64xf32>
    %slice3A_89 = vector.extract_strided_slice %add3A_20 {offsets = [0, 4352], sizes = [128, 64], strides = [1, 1]} : vector<128x8192xf32> to vector<128x64xf32>
    %slice3A_90 = vector.extract_strided_slice %add3A_20 {offsets = [0, 4416], sizes = [128, 64], strides = [1, 1]} : vector<128x8192xf32> to vector<128x64xf32>
    %slice3A_91 = vector.extract_strided_slice %add3A_20 {offsets = [0, 4480], sizes = [128, 64], strides = [1, 1]} : vector<128x8192xf32> to vector<128x64xf32>
    %slice3A_92 = vector.extract_strided_slice %add3A_20 {offsets = [0, 4544], sizes = [128, 64], strides = [1, 1]} : vector<128x8192xf32> to vector<128x64xf32>
    %slice3A_93 = vector.extract_strided_slice %add3A_20 {offsets = [0, 4608], sizes = [128, 64], strides = [1, 1]} : vector<128x8192xf32> to vector<128x64xf32>
    %slice3A_94 = vector.extract_strided_slice %add3A_20 {offsets = [0, 4672], sizes = [128, 64], strides = [1, 1]} : vector<128x8192xf32> to vector<128x64xf32>
    %slice3A_95 = vector.extract_strided_slice %add3A_20 {offsets = [0, 4736], sizes = [128, 64], strides = [1, 1]} : vector<128x8192xf32> to vector<128x64xf32>
    %slice3A_96 = vector.extract_strided_slice %add3A_20 {offsets = [0, 4800], sizes = [128, 64], strides = [1, 1]} : vector<128x8192xf32> to vector<128x64xf32>
    %slice3A_97 = vector.extract_strided_slice %add3A_20 {offsets = [0, 4864], sizes = [128, 64], strides = [1, 1]} : vector<128x8192xf32> to vector<128x64xf32>
    %slice3A_98 = vector.extract_strided_slice %add3A_20 {offsets = [0, 4928], sizes = [128, 64], strides = [1, 1]} : vector<128x8192xf32> to vector<128x64xf32>
    %slice3A_99 = vector.extract_strided_slice %add3A_20 {offsets = [0, 4992], sizes = [128, 64], strides = [1, 1]} : vector<128x8192xf32> to vector<128x64xf32>
    %slice3A_100 = vector.extract_strided_slice %add3A_20 {offsets = [0, 5056], sizes = [128, 64], strides = [1, 1]} : vector<128x8192xf32> to vector<128x64xf32>
    %slice3A_101 = vector.extract_strided_slice %add3A_20 {offsets = [0, 5120], sizes = [128, 64], strides = [1, 1]} : vector<128x8192xf32> to vector<128x64xf32>
    %slice3A_102 = vector.extract_strided_slice %add3A_20 {offsets = [0, 5184], sizes = [128, 64], strides = [1, 1]} : vector<128x8192xf32> to vector<128x64xf32>
    %slice3A_103 = vector.extract_strided_slice %add3A_20 {offsets = [0, 5248], sizes = [128, 64], strides = [1, 1]} : vector<128x8192xf32> to vector<128x64xf32>
    %slice3A_104 = vector.extract_strided_slice %add3A_20 {offsets = [0, 5312], sizes = [128, 64], strides = [1, 1]} : vector<128x8192xf32> to vector<128x64xf32>
    %slice3A_105 = vector.extract_strided_slice %add3A_20 {offsets = [0, 5376], sizes = [128, 64], strides = [1, 1]} : vector<128x8192xf32> to vector<128x64xf32>
    %slice3A_106 = vector.extract_strided_slice %add3A_20 {offsets = [0, 5440], sizes = [128, 64], strides = [1, 1]} : vector<128x8192xf32> to vector<128x64xf32>
    %slice3A_107 = vector.extract_strided_slice %add3A_20 {offsets = [0, 5504], sizes = [128, 64], strides = [1, 1]} : vector<128x8192xf32> to vector<128x64xf32>
    %slice3A_108 = vector.extract_strided_slice %add3A_20 {offsets = [0, 5568], sizes = [128, 64], strides = [1, 1]} : vector<128x8192xf32> to vector<128x64xf32>
    %slice3A_109 = vector.extract_strided_slice %add3A_20 {offsets = [0, 5632], sizes = [128, 64], strides = [1, 1]} : vector<128x8192xf32> to vector<128x64xf32>
    %slice3A_110 = vector.extract_strided_slice %add3A_20 {offsets = [0, 5696], sizes = [128, 64], strides = [1, 1]} : vector<128x8192xf32> to vector<128x64xf32>
    %slice3A_111 = vector.extract_strided_slice %add3A_20 {offsets = [0, 5760], sizes = [128, 64], strides = [1, 1]} : vector<128x8192xf32> to vector<128x64xf32>
    %slice3A_112 = vector.extract_strided_slice %add3A_20 {offsets = [0, 5824], sizes = [128, 64], strides = [1, 1]} : vector<128x8192xf32> to vector<128x64xf32>
    %slice3A_113 = vector.extract_strided_slice %add3A_20 {offsets = [0, 5888], sizes = [128, 64], strides = [1, 1]} : vector<128x8192xf32> to vector<128x64xf32>
    %slice3A_114 = vector.extract_strided_slice %add3A_20 {offsets = [0, 5952], sizes = [128, 64], strides = [1, 1]} : vector<128x8192xf32> to vector<128x64xf32>
    %slice3A_115 = vector.extract_strided_slice %add3A_20 {offsets = [0, 6016], sizes = [128, 64], strides = [1, 1]} : vector<128x8192xf32> to vector<128x64xf32>
    %slice3A_116 = vector.extract_strided_slice %add3A_20 {offsets = [0, 6080], sizes = [128, 64], strides = [1, 1]} : vector<128x8192xf32> to vector<128x64xf32>
    %slice3A_117 = vector.extract_strided_slice %add3A_20 {offsets = [0, 6144], sizes = [128, 64], strides = [1, 1]} : vector<128x8192xf32> to vector<128x64xf32>
    %slice3A_118 = vector.extract_strided_slice %add3A_20 {offsets = [0, 6208], sizes = [128, 64], strides = [1, 1]} : vector<128x8192xf32> to vector<128x64xf32>
    %slice3A_119 = vector.extract_strided_slice %add3A_20 {offsets = [0, 6272], sizes = [128, 64], strides = [1, 1]} : vector<128x8192xf32> to vector<128x64xf32>
    %slice3A_120 = vector.extract_strided_slice %add3A_20 {offsets = [0, 6336], sizes = [128, 64], strides = [1, 1]} : vector<128x8192xf32> to vector<128x64xf32>
    %slice3A_121 = vector.extract_strided_slice %add3A_20 {offsets = [0, 6400], sizes = [128, 64], strides = [1, 1]} : vector<128x8192xf32> to vector<128x64xf32>
    %slice3A_122 = vector.extract_strided_slice %add3A_20 {offsets = [0, 6464], sizes = [128, 64], strides = [1, 1]} : vector<128x8192xf32> to vector<128x64xf32>
    %slice3A_123 = vector.extract_strided_slice %add3A_20 {offsets = [0, 6528], sizes = [128, 64], strides = [1, 1]} : vector<128x8192xf32> to vector<128x64xf32>
    %slice3A_124 = vector.extract_strided_slice %add3A_20 {offsets = [0, 6592], sizes = [128, 64], strides = [1, 1]} : vector<128x8192xf32> to vector<128x64xf32>
    %slice3A_125 = vector.extract_strided_slice %add3A_20 {offsets = [0, 6656], sizes = [128, 64], strides = [1, 1]} : vector<128x8192xf32> to vector<128x64xf32>
    %slice3A_126 = vector.extract_strided_slice %add3A_20 {offsets = [0, 6720], sizes = [128, 64], strides = [1, 1]} : vector<128x8192xf32> to vector<128x64xf32>
    %slice3A_127 = vector.extract_strided_slice %add3A_20 {offsets = [0, 6784], sizes = [128, 64], strides = [1, 1]} : vector<128x8192xf32> to vector<128x64xf32>
    %slice3A_128 = vector.extract_strided_slice %add3A_20 {offsets = [0, 6848], sizes = [128, 64], strides = [1, 1]} : vector<128x8192xf32> to vector<128x64xf32>
    %slice3A_129 = vector.extract_strided_slice %add3A_20 {offsets = [0, 6912], sizes = [128, 64], strides = [1, 1]} : vector<128x8192xf32> to vector<128x64xf32>
    %slice3A_130 = vector.extract_strided_slice %add3A_20 {offsets = [0, 6976], sizes = [128, 64], strides = [1, 1]} : vector<128x8192xf32> to vector<128x64xf32>
    %slice3A_131 = vector.extract_strided_slice %add3A_20 {offsets = [0, 7040], sizes = [128, 64], strides = [1, 1]} : vector<128x8192xf32> to vector<128x64xf32>
    %slice3A_132 = vector.extract_strided_slice %add3A_20 {offsets = [0, 7104], sizes = [128, 64], strides = [1, 1]} : vector<128x8192xf32> to vector<128x64xf32>
    %slice3A_133 = vector.extract_strided_slice %add3A_20 {offsets = [0, 7168], sizes = [128, 64], strides = [1, 1]} : vector<128x8192xf32> to vector<128x64xf32>
    %slice3A_134 = vector.extract_strided_slice %add3A_20 {offsets = [0, 7232], sizes = [128, 64], strides = [1, 1]} : vector<128x8192xf32> to vector<128x64xf32>
    %slice3A_135 = vector.extract_strided_slice %add3A_20 {offsets = [0, 7296], sizes = [128, 64], strides = [1, 1]} : vector<128x8192xf32> to vector<128x64xf32>
    %slice3A_136 = vector.extract_strided_slice %add3A_20 {offsets = [0, 7360], sizes = [128, 64], strides = [1, 1]} : vector<128x8192xf32> to vector<128x64xf32>
    %slice3A_137 = vector.extract_strided_slice %add3A_20 {offsets = [0, 7424], sizes = [128, 64], strides = [1, 1]} : vector<128x8192xf32> to vector<128x64xf32>
    %slice3A_138 = vector.extract_strided_slice %add3A_20 {offsets = [0, 7488], sizes = [128, 64], strides = [1, 1]} : vector<128x8192xf32> to vector<128x64xf32>
    %slice3A_139 = vector.extract_strided_slice %add3A_20 {offsets = [0, 7552], sizes = [128, 64], strides = [1, 1]} : vector<128x8192xf32> to vector<128x64xf32>
    %slice3A_140 = vector.extract_strided_slice %add3A_20 {offsets = [0, 7616], sizes = [128, 64], strides = [1, 1]} : vector<128x8192xf32> to vector<128x64xf32>
    %slice3A_141 = vector.extract_strided_slice %add3A_20 {offsets = [0, 7680], sizes = [128, 64], strides = [1, 1]} : vector<128x8192xf32> to vector<128x64xf32>
    %slice3A_142 = vector.extract_strided_slice %add3A_20 {offsets = [0, 7744], sizes = [128, 64], strides = [1, 1]} : vector<128x8192xf32> to vector<128x64xf32>
    %slice3A_143 = vector.extract_strided_slice %add3A_20 {offsets = [0, 7808], sizes = [128, 64], strides = [1, 1]} : vector<128x8192xf32> to vector<128x64xf32>
    %slice3A_144 = vector.extract_strided_slice %add3A_20 {offsets = [0, 7872], sizes = [128, 64], strides = [1, 1]} : vector<128x8192xf32> to vector<128x64xf32>
    %slice3A_145 = vector.extract_strided_slice %add3A_20 {offsets = [0, 7936], sizes = [128, 64], strides = [1, 1]} : vector<128x8192xf32> to vector<128x64xf32>
    %slice3A_146 = vector.extract_strided_slice %add3A_20 {offsets = [0, 8000], sizes = [128, 64], strides = [1, 1]} : vector<128x8192xf32> to vector<128x64xf32>
    %slice3A_147 = vector.extract_strided_slice %add3A_20 {offsets = [0, 8064], sizes = [128, 64], strides = [1, 1]} : vector<128x8192xf32> to vector<128x64xf32>
    %slice3A_148 = vector.extract_strided_slice %add3A_20 {offsets = [0, 8128], sizes = [128, 64], strides = [1, 1]} : vector<128x8192xf32> to vector<128x64xf32>
    %broadcast_in_dim3A_149 = arith.constant 0.000000e+00 : f32
    %broadcast_in_dim3A_150 = vector.broadcast %broadcast_in_dim3A_149 : f32 to vector<128x384xf32>
    %broadcast_in_dim3A_151 = arith.constant 0 : i32
    %broadcast_in_dim3A_152 = vector.broadcast %broadcast_in_dim3A_151 : i32 to vector<128x384xi32>
    %scan3A = arith.constant 1073741824 : i32
    %scan3A_153 = arith.constant 0 : i32
    %scan3A_154 = arith.constant 6 : i32
    %scan3A_155 = arith.addi %scan3A_153, %scan3A_154 : i32
    %scan3A_156 = arith.constant 1 : i32
    %scan3A_157:130 = scf.for %scan3A_203 = %scan3A_153 to %scan3A_155 step %scan3A_156 iter_args(%scan3A_204 = %slice3A, %scan3A_205 = %slice3A_22, %scan3A_206 = %slice3A_23, %scan3A_207 = %slice3A_24, %scan3A_208 = %slice3A_25, %scan3A_209 = %slice3A_26, %scan3A_210 = %slice3A_27, %scan3A_211 = %slice3A_28, %scan3A_212 = %slice3A_29, %scan3A_213 = %slice3A_30, %scan3A_214 = %slice3A_31, %scan3A_215 = %slice3A_32, %scan3A_216 = %slice3A_33, %scan3A_217 = %slice3A_34, %scan3A_218 = %slice3A_35, %scan3A_219 = %slice3A_36, %scan3A_220 = %slice3A_37, %scan3A_221 = %slice3A_38, %scan3A_222 = %slice3A_39, %scan3A_223 = %slice3A_40, %scan3A_224 = %slice3A_41, %scan3A_225 = %slice3A_42, %scan3A_226 = %slice3A_43, %scan3A_227 = %slice3A_44, %scan3A_228 = %slice3A_45, %scan3A_229 = %slice3A_46, %scan3A_230 = %slice3A_47, %scan3A_231 = %slice3A_48, %scan3A_232 = %slice3A_49, %scan3A_233 = %slice3A_50, %scan3A_234 = %slice3A_51, %scan3A_235 = %slice3A_52, %scan3A_236 = %slice3A_53, %scan3A_237 = %slice3A_54, %scan3A_238 = %slice3A_55, %scan3A_239 = %slice3A_56, %scan3A_240 = %slice3A_57, %scan3A_241 = %slice3A_58, %scan3A_242 = %slice3A_59, %scan3A_243 = %slice3A_60, %scan3A_244 = %slice3A_61, %scan3A_245 = %slice3A_62, %scan3A_246 = %slice3A_63, %scan3A_247 = %slice3A_64, %scan3A_248 = %slice3A_65, %scan3A_249 = %slice3A_66, %scan3A_250 = %slice3A_67, %scan3A_251 = %slice3A_68, %scan3A_252 = %slice3A_69, %scan3A_253 = %slice3A_70, %scan3A_254 = %slice3A_71, %scan3A_255 = %slice3A_72, %scan3A_256 = %slice3A_73, %scan3A_257 = %slice3A_74, %scan3A_258 = %slice3A_75, %scan3A_259 = %slice3A_76, %scan3A_260 = %slice3A_77, %scan3A_261 = %slice3A_78, %scan3A_262 = %slice3A_79, %scan3A_263 = %slice3A_80, %scan3A_264 = %slice3A_81, %scan3A_265 = %slice3A_82, %scan3A_266 = %slice3A_83, %scan3A_267 = %slice3A_84, %scan3A_268 = %slice3A_85, %scan3A_269 = %slice3A_86, %scan3A_270 = %slice3A_87, %scan3A_271 = %slice3A_88, %scan3A_272 = %slice3A_89, %scan3A_273 = %slice3A_90, %scan3A_274 = %slice3A_91, %scan3A_275 = %slice3A_92, %scan3A_276 = %slice3A_93, %scan3A_277 = %slice3A_94, %scan3A_278 = %slice3A_95, %scan3A_279 = %slice3A_96, %scan3A_280 = %slice3A_97, %scan3A_281 = %slice3A_98, %scan3A_282 = %slice3A_99, %scan3A_283 = %slice3A_100, %scan3A_284 = %slice3A_101, %scan3A_285 = %slice3A_102, %scan3A_286 = %slice3A_103, %scan3A_287 = %slice3A_104, %scan3A_288 = %slice3A_105, %scan3A_289 = %slice3A_106, %scan3A_290 = %slice3A_107, %scan3A_291 = %slice3A_108, %scan3A_292 = %slice3A_109, %scan3A_293 = %slice3A_110, %scan3A_294 = %slice3A_111, %scan3A_295 = %slice3A_112, %scan3A_296 = %slice3A_113, %scan3A_297 = %slice3A_114, %scan3A_298 = %slice3A_115, %scan3A_299 = %slice3A_116, %scan3A_300 = %slice3A_117, %scan3A_301 = %slice3A_118, %scan3A_302 = %slice3A_119, %scan3A_303 = %slice3A_120, %scan3A_304 = %slice3A_121, %scan3A_305 = %slice3A_122, %scan3A_306 = %slice3A_123, %scan3A_307 = %slice3A_124, %scan3A_308 = %slice3A_125, %scan3A_309 = %slice3A_126, %scan3A_310 = %slice3A_127, %scan3A_311 = %slice3A_128, %scan3A_312 = %slice3A_129, %scan3A_313 = %slice3A_130, %scan3A_314 = %slice3A_131, %scan3A_315 = %slice3A_132, %scan3A_316 = %slice3A_133, %scan3A_317 = %slice3A_134, %scan3A_318 = %slice3A_135, %scan3A_319 = %slice3A_136, %scan3A_320 = %slice3A_137, %scan3A_321 = %slice3A_138, %scan3A_322 = %slice3A_139, %scan3A_323 = %slice3A_140, %scan3A_324 = %slice3A_141, %scan3A_325 = %slice3A_142, %scan3A_326 = %slice3A_143, %scan3A_327 = %slice3A_144, %scan3A_328 = %slice3A_145, %scan3A_329 = %slice3A_146, %scan3A_330 = %slice3A_147, %scan3A_331 = %slice3A_148, %scan3A_332 = %broadcast_in_dim3A_150, %scan3A_333 = %broadcast_in_dim3A_152) -> (vector<128x64xf32>, vector<128x64xf32>, vector<128x64xf32>, vector<128x64xf32>, vector<128x64xf32>, vector<128x64xf32>, vector<128x64xf32>, vector<128x64xf32>, vector<128x64xf32>, vector<128x64xf32>, vector<128x64xf32>, vector<128x64xf32>, vector<128x64xf32>, vector<128x64xf32>, vector<128x64xf32>, vector<128x64xf32>, vector<128x64xf32>, vector<128x64xf32>, vector<128x64xf32>, vector<128x64xf32>, vector<128x64xf32>, vector<128x64xf32>, vector<128x64xf32>, vector<128x64xf32>, vector<128x64xf32>, vector<128x64xf32>, vector<128x64xf32>, vector<128x64xf32>, vector<128x64xf32>, vector<128x64xf32>, vector<128x64xf32>, vector<128x64xf32>, vector<128x64xf32>, vector<128x64xf32>, vector<128x64xf32>, vector<128x64xf32>, vector<128x64xf32>, vector<128x64xf32>, vector<128x64xf32>, vector<128x64xf32>, vector<128x64xf32>, vector<128x64xf32>, vector<128x64xf32>, vector<128x64xf32>, vector<128x64xf32>, vector<128x64xf32>, vector<128x64xf32>, vector<128x64xf32>, vector<128x64xf32>, vector<128x64xf32>, vector<128x64xf32>, vector<128x64xf32>, vector<128x64xf32>, vector<128x64xf32>, vector<128x64xf32>, vector<128x64xf32>, vector<128x64xf32>, vector<128x64xf32>, vector<128x64xf32>, vector<128x64xf32>, vector<128x64xf32>, vector<128x64xf32>, vector<128x64xf32>, vector<128x64xf32>, vector<128x64xf32>, vector<128x64xf32>, vector<128x64xf32>, vector<128x64xf32>, vector<128x64xf32>, vector<128x64xf32>, vector<128x64xf32>, vector<128x64xf32>, vector<128x64xf32>, vector<128x64xf32>, vector<128x64xf32>, vector<128x64xf32>, vector<128x64xf32>, vector<128x64xf32>, vector<128x64xf32>, vector<128x64xf32>, vector<128x64xf32>, vector<128x64xf32>, vector<128x64xf32>, vector<128x64xf32>, vector<128x64xf32>, vector<128x64xf32>, vector<128x64xf32>, vector<128x64xf32>, vector<128x64xf32>, vector<128x64xf32>, vector<128x64xf32>, vector<128x64xf32>, vector<128x64xf32>, vector<128x64xf32>, vector<128x64xf32>, vector<128x64xf32>, vector<128x64xf32>, vector<128x64xf32>, vector<128x64xf32>, vector<128x64xf32>, vector<128x64xf32>, vector<128x64xf32>, vector<128x64xf32>, vector<128x64xf32>, vector<128x64xf32>, vector<128x64xf32>, vector<128x64xf32>, vector<128x64xf32>, vector<128x64xf32>, vector<128x64xf32>, vector<128x64xf32>, vector<128x64xf32>, vector<128x64xf32>, vector<128x64xf32>, vector<128x64xf32>, vector<128x64xf32>, vector<128x64xf32>, vector<128x64xf32>, vector<128x64xf32>, vector<128x64xf32>, vector<128x64xf32>, vector<128x64xf32>, vector<128x64xf32>, vector<128x64xf32>, vector<128x64xf32>, vector<128x64xf32>, vector<128x64xf32>, vector<128x64xf32>, vector<128x384xf32>, vector<128x384xi32>)  : i32 {
      %min3A = arith.minimumf %scan3A_204, %scan3A_205 : vector<128x64xf32>
      %min3A_334 = arith.minimumf %scan3A_206, %scan3A_207 : vector<128x64xf32>
      %min3A_335 = arith.minimumf %scan3A_208, %scan3A_209 : vector<128x64xf32>
      %min3A_336 = arith.minimumf %scan3A_210, %scan3A_211 : vector<128x64xf32>
      %min3A_337 = arith.minimumf %scan3A_212, %scan3A_213 : vector<128x64xf32>
      %min3A_338 = arith.minimumf %scan3A_214, %scan3A_215 : vector<128x64xf32>
      %min3A_339 = arith.minimumf %scan3A_216, %scan3A_217 : vector<128x64xf32>
      %min3A_340 = arith.minimumf %scan3A_218, %scan3A_219 : vector<128x64xf32>
      %min3A_341 = arith.minimumf %scan3A_220, %scan3A_221 : vector<128x64xf32>
      %min3A_342 = arith.minimumf %scan3A_222, %scan3A_223 : vector<128x64xf32>
      %min3A_343 = arith.minimumf %scan3A_224, %scan3A_225 : vector<128x64xf32>
      %min3A_344 = arith.minimumf %scan3A_226, %scan3A_227 : vector<128x64xf32>
      %min3A_345 = arith.minimumf %scan3A_228, %scan3A_229 : vector<128x64xf32>
      %min3A_346 = arith.minimumf %scan3A_230, %scan3A_231 : vector<128x64xf32>
      %min3A_347 = arith.minimumf %scan3A_232, %scan3A_233 : vector<128x64xf32>
      %min3A_348 = arith.minimumf %scan3A_234, %scan3A_235 : vector<128x64xf32>
      %min3A_349 = arith.minimumf %scan3A_236, %scan3A_237 : vector<128x64xf32>
      %min3A_350 = arith.minimumf %scan3A_238, %scan3A_239 : vector<128x64xf32>
      %min3A_351 = arith.minimumf %scan3A_240, %scan3A_241 : vector<128x64xf32>
      %min3A_352 = arith.minimumf %scan3A_242, %scan3A_243 : vector<128x64xf32>
      %min3A_353 = arith.minimumf %scan3A_244, %scan3A_245 : vector<128x64xf32>
      %min3A_354 = arith.minimumf %scan3A_246, %scan3A_247 : vector<128x64xf32>
      %min3A_355 = arith.minimumf %scan3A_248, %scan3A_249 : vector<128x64xf32>
      %min3A_356 = arith.minimumf %scan3A_250, %scan3A_251 : vector<128x64xf32>
      %min3A_357 = arith.minimumf %scan3A_252, %scan3A_253 : vector<128x64xf32>
      %min3A_358 = arith.minimumf %scan3A_254, %scan3A_255 : vector<128x64xf32>
      %min3A_359 = arith.minimumf %scan3A_256, %scan3A_257 : vector<128x64xf32>
      %min3A_360 = arith.minimumf %scan3A_258, %scan3A_259 : vector<128x64xf32>
      %min3A_361 = arith.minimumf %scan3A_260, %scan3A_261 : vector<128x64xf32>
      %min3A_362 = arith.minimumf %scan3A_262, %scan3A_263 : vector<128x64xf32>
      %min3A_363 = arith.minimumf %scan3A_264, %scan3A_265 : vector<128x64xf32>
      %min3A_364 = arith.minimumf %scan3A_266, %scan3A_267 : vector<128x64xf32>
      %min3A_365 = arith.minimumf %scan3A_268, %scan3A_269 : vector<128x64xf32>
      %min3A_366 = arith.minimumf %scan3A_270, %scan3A_271 : vector<128x64xf32>
      %min3A_367 = arith.minimumf %scan3A_272, %scan3A_273 : vector<128x64xf32>
      %min3A_368 = arith.minimumf %scan3A_274, %scan3A_275 : vector<128x64xf32>
      %min3A_369 = arith.minimumf %scan3A_276, %scan3A_277 : vector<128x64xf32>
      %min3A_370 = arith.minimumf %scan3A_278, %scan3A_279 : vector<128x64xf32>
      %min3A_371 = arith.minimumf %scan3A_280, %scan3A_281 : vector<128x64xf32>
      %min3A_372 = arith.minimumf %scan3A_282, %scan3A_283 : vector<128x64xf32>
      %min3A_373 = arith.minimumf %scan3A_284, %scan3A_285 : vector<128x64xf32>
      %min3A_374 = arith.minimumf %scan3A_286, %scan3A_287 : vector<128x64xf32>
      %min3A_375 = arith.minimumf %scan3A_288, %scan3A_289 : vector<128x64xf32>
      %min3A_376 = arith.minimumf %scan3A_290, %scan3A_291 : vector<128x64xf32>
      %min3A_377 = arith.minimumf %scan3A_292, %scan3A_293 : vector<128x64xf32>
      %min3A_378 = arith.minimumf %scan3A_294, %scan3A_295 : vector<128x64xf32>
      %min3A_379 = arith.minimumf %scan3A_296, %scan3A_297 : vector<128x64xf32>
      %min3A_380 = arith.minimumf %scan3A_298, %scan3A_299 : vector<128x64xf32>
      %min3A_381 = arith.minimumf %scan3A_300, %scan3A_301 : vector<128x64xf32>
      %min3A_382 = arith.minimumf %scan3A_302, %scan3A_303 : vector<128x64xf32>
      %min3A_383 = arith.minimumf %scan3A_304, %scan3A_305 : vector<128x64xf32>
      %min3A_384 = arith.minimumf %scan3A_306, %scan3A_307 : vector<128x64xf32>
      %min3A_385 = arith.minimumf %scan3A_308, %scan3A_309 : vector<128x64xf32>
      %min3A_386 = arith.minimumf %scan3A_310, %scan3A_311 : vector<128x64xf32>
      %min3A_387 = arith.minimumf %scan3A_312, %scan3A_313 : vector<128x64xf32>
      %min3A_388 = arith.minimumf %scan3A_314, %scan3A_315 : vector<128x64xf32>
      %min3A_389 = arith.minimumf %scan3A_316, %scan3A_317 : vector<128x64xf32>
      %min3A_390 = arith.minimumf %scan3A_318, %scan3A_319 : vector<128x64xf32>
      %min3A_391 = arith.minimumf %scan3A_320, %scan3A_321 : vector<128x64xf32>
      %min3A_392 = arith.minimumf %scan3A_322, %scan3A_323 : vector<128x64xf32>
      %min3A_393 = arith.minimumf %scan3A_324, %scan3A_325 : vector<128x64xf32>
      %min3A_394 = arith.minimumf %scan3A_326, %scan3A_327 : vector<128x64xf32>
      %min3A_395 = arith.minimumf %scan3A_328, %scan3A_329 : vector<128x64xf32>
      %min3A_396 = arith.minimumf %scan3A_330, %scan3A_331 : vector<128x64xf32>
      %min3A_397 = arith.minimumf %min3A, %min3A_334 : vector<128x64xf32>
      %min3A_398 = arith.minimumf %min3A_335, %min3A_336 : vector<128x64xf32>
      %min3A_399 = arith.minimumf %min3A_337, %min3A_338 : vector<128x64xf32>
      %min3A_400 = arith.minimumf %min3A_339, %min3A_340 : vector<128x64xf32>
      %min3A_401 = arith.minimumf %min3A_341, %min3A_342 : vector<128x64xf32>
      %min3A_402 = arith.minimumf %min3A_343, %min3A_344 : vector<128x64xf32>
      %min3A_403 = arith.minimumf %min3A_345, %min3A_346 : vector<128x64xf32>
      %min3A_404 = arith.minimumf %min3A_347, %min3A_348 : vector<128x64xf32>
      %min3A_405 = arith.minimumf %min3A_349, %min3A_350 : vector<128x64xf32>
      %min3A_406 = arith.minimumf %min3A_351, %min3A_352 : vector<128x64xf32>
      %min3A_407 = arith.minimumf %min3A_353, %min3A_354 : vector<128x64xf32>
      %min3A_408 = arith.minimumf %min3A_355, %min3A_356 : vector<128x64xf32>
      %min3A_409 = arith.minimumf %min3A_357, %min3A_358 : vector<128x64xf32>
      %min3A_410 = arith.minimumf %min3A_359, %min3A_360 : vector<128x64xf32>
      %min3A_411 = arith.minimumf %min3A_361, %min3A_362 : vector<128x64xf32>
      %min3A_412 = arith.minimumf %min3A_363, %min3A_364 : vector<128x64xf32>
      %min3A_413 = arith.minimumf %min3A_365, %min3A_366 : vector<128x64xf32>
      %min3A_414 = arith.minimumf %min3A_367, %min3A_368 : vector<128x64xf32>
      %min3A_415 = arith.minimumf %min3A_369, %min3A_370 : vector<128x64xf32>
      %min3A_416 = arith.minimumf %min3A_371, %min3A_372 : vector<128x64xf32>
      %min3A_417 = arith.minimumf %min3A_373, %min3A_374 : vector<128x64xf32>
      %min3A_418 = arith.minimumf %min3A_375, %min3A_376 : vector<128x64xf32>
      %min3A_419 = arith.minimumf %min3A_377, %min3A_378 : vector<128x64xf32>
      %min3A_420 = arith.minimumf %min3A_379, %min3A_380 : vector<128x64xf32>
      %min3A_421 = arith.minimumf %min3A_381, %min3A_382 : vector<128x64xf32>
      %min3A_422 = arith.minimumf %min3A_383, %min3A_384 : vector<128x64xf32>
      %min3A_423 = arith.minimumf %min3A_385, %min3A_386 : vector<128x64xf32>
      %min3A_424 = arith.minimumf %min3A_387, %min3A_388 : vector<128x64xf32>
      %min3A_425 = arith.minimumf %min3A_389, %min3A_390 : vector<128x64xf32>
      %min3A_426 = arith.minimumf %min3A_391, %min3A_392 : vector<128x64xf32>
      %min3A_427 = arith.minimumf %min3A_393, %min3A_394 : vector<128x64xf32>
      %min3A_428 = arith.minimumf %min3A_395, %min3A_396 : vector<128x64xf32>
      %min3A_429 = arith.minimumf %min3A_397, %min3A_398 : vector<128x64xf32>
      %min3A_430 = arith.minimumf %min3A_399, %min3A_400 : vector<128x64xf32>
      %min3A_431 = arith.minimumf %min3A_401, %min3A_402 : vector<128x64xf32>
      %min3A_432 = arith.minimumf %min3A_403, %min3A_404 : vector<128x64xf32>
      %min3A_433 = arith.minimumf %min3A_405, %min3A_406 : vector<128x64xf32>
      %min3A_434 = arith.minimumf %min3A_407, %min3A_408 : vector<128x64xf32>
      %min3A_435 = arith.minimumf %min3A_409, %min3A_410 : vector<128x64xf32>
      %min3A_436 = arith.minimumf %min3A_411, %min3A_412 : vector<128x64xf32>
      %min3A_437 = arith.minimumf %min3A_413, %min3A_414 : vector<128x64xf32>
      %min3A_438 = arith.minimumf %min3A_415, %min3A_416 : vector<128x64xf32>
      %min3A_439 = arith.minimumf %min3A_417, %min3A_418 : vector<128x64xf32>
      %min3A_440 = arith.minimumf %min3A_419, %min3A_420 : vector<128x64xf32>
      %min3A_441 = arith.minimumf %min3A_421, %min3A_422 : vector<128x64xf32>
      %min3A_442 = arith.minimumf %min3A_423, %min3A_424 : vector<128x64xf32>
      %min3A_443 = arith.minimumf %min3A_425, %min3A_426 : vector<128x64xf32>
      %min3A_444 = arith.minimumf %min3A_427, %min3A_428 : vector<128x64xf32>
      %min3A_445 = arith.minimumf %min3A_429, %min3A_430 : vector<128x64xf32>
      %min3A_446 = arith.minimumf %min3A_431, %min3A_432 : vector<128x64xf32>
      %min3A_447 = arith.minimumf %min3A_433, %min3A_434 : vector<128x64xf32>
      %min3A_448 = arith.minimumf %min3A_435, %min3A_436 : vector<128x64xf32>
      %min3A_449 = arith.minimumf %min3A_437, %min3A_438 : vector<128x64xf32>
      %min3A_450 = arith.minimumf %min3A_439, %min3A_440 : vector<128x64xf32>
      %min3A_451 = arith.minimumf %min3A_441, %min3A_442 : vector<128x64xf32>
      %min3A_452 = arith.minimumf %min3A_443, %min3A_444 : vector<128x64xf32>
      %min3A_453 = arith.minimumf %min3A_445, %min3A_446 : vector<128x64xf32>
      %min3A_454 = arith.minimumf %min3A_447, %min3A_448 : vector<128x64xf32>
      %min3A_455 = arith.minimumf %min3A_449, %min3A_450 : vector<128x64xf32>
      %min3A_456 = arith.minimumf %min3A_451, %min3A_452 : vector<128x64xf32>
      %min3A_457 = arith.minimumf %min3A_453, %min3A_454 : vector<128x64xf32>
      %min3A_458 = arith.minimumf %min3A_455, %min3A_456 : vector<128x64xf32>
      %min3A_459 = arith.minimumf %min3A_457, %min3A_458 : vector<128x64xf32>
      %eq3A = arith.cmpf oeq, %scan3A_204, %min3A_459 : vector<128x64xf32>
      %eq3A_460 = arith.cmpf oeq, %scan3A_205, %min3A_459 : vector<128x64xf32>
      %eq3A_461 = arith.cmpf oeq, %scan3A_206, %min3A_459 : vector<128x64xf32>
      %eq3A_462 = arith.cmpf oeq, %scan3A_207, %min3A_459 : vector<128x64xf32>
      %eq3A_463 = arith.cmpf oeq, %scan3A_208, %min3A_459 : vector<128x64xf32>
      %eq3A_464 = arith.cmpf oeq, %scan3A_209, %min3A_459 : vector<128x64xf32>
      %eq3A_465 = arith.cmpf oeq, %scan3A_210, %min3A_459 : vector<128x64xf32>
      %eq3A_466 = arith.cmpf oeq, %scan3A_211, %min3A_459 : vector<128x64xf32>
      %eq3A_467 = arith.cmpf oeq, %scan3A_212, %min3A_459 : vector<128x64xf32>
      %eq3A_468 = arith.cmpf oeq, %scan3A_213, %min3A_459 : vector<128x64xf32>
      %eq3A_469 = arith.cmpf oeq, %scan3A_214, %min3A_459 : vector<128x64xf32>
      %eq3A_470 = arith.cmpf oeq, %scan3A_215, %min3A_459 : vector<128x64xf32>
      %eq3A_471 = arith.cmpf oeq, %scan3A_216, %min3A_459 : vector<128x64xf32>
      %eq3A_472 = arith.cmpf oeq, %scan3A_217, %min3A_459 : vector<128x64xf32>
      %eq3A_473 = arith.cmpf oeq, %scan3A_218, %min3A_459 : vector<128x64xf32>
      %eq3A_474 = arith.cmpf oeq, %scan3A_219, %min3A_459 : vector<128x64xf32>
      %eq3A_475 = arith.cmpf oeq, %scan3A_220, %min3A_459 : vector<128x64xf32>
      %eq3A_476 = arith.cmpf oeq, %scan3A_221, %min3A_459 : vector<128x64xf32>
      %eq3A_477 = arith.cmpf oeq, %scan3A_222, %min3A_459 : vector<128x64xf32>
      %eq3A_478 = arith.cmpf oeq, %scan3A_223, %min3A_459 : vector<128x64xf32>
      %eq3A_479 = arith.cmpf oeq, %scan3A_224, %min3A_459 : vector<128x64xf32>
      %eq3A_480 = arith.cmpf oeq, %scan3A_225, %min3A_459 : vector<128x64xf32>
      %eq3A_481 = arith.cmpf oeq, %scan3A_226, %min3A_459 : vector<128x64xf32>
      %eq3A_482 = arith.cmpf oeq, %scan3A_227, %min3A_459 : vector<128x64xf32>
      %eq3A_483 = arith.cmpf oeq, %scan3A_228, %min3A_459 : vector<128x64xf32>
      %eq3A_484 = arith.cmpf oeq, %scan3A_229, %min3A_459 : vector<128x64xf32>
      %eq3A_485 = arith.cmpf oeq, %scan3A_230, %min3A_459 : vector<128x64xf32>
      %eq3A_486 = arith.cmpf oeq, %scan3A_231, %min3A_459 : vector<128x64xf32>
      %eq3A_487 = arith.cmpf oeq, %scan3A_232, %min3A_459 : vector<128x64xf32>
      %eq3A_488 = arith.cmpf oeq, %scan3A_233, %min3A_459 : vector<128x64xf32>
      %eq3A_489 = arith.cmpf oeq, %scan3A_234, %min3A_459 : vector<128x64xf32>
      %eq3A_490 = arith.cmpf oeq, %scan3A_235, %min3A_459 : vector<128x64xf32>
      %eq3A_491 = arith.cmpf oeq, %scan3A_236, %min3A_459 : vector<128x64xf32>
      %eq3A_492 = arith.cmpf oeq, %scan3A_237, %min3A_459 : vector<128x64xf32>
      %eq3A_493 = arith.cmpf oeq, %scan3A_238, %min3A_459 : vector<128x64xf32>
      %eq3A_494 = arith.cmpf oeq, %scan3A_239, %min3A_459 : vector<128x64xf32>
      %eq3A_495 = arith.cmpf oeq, %scan3A_240, %min3A_459 : vector<128x64xf32>
      %eq3A_496 = arith.cmpf oeq, %scan3A_241, %min3A_459 : vector<128x64xf32>
      %eq3A_497 = arith.cmpf oeq, %scan3A_242, %min3A_459 : vector<128x64xf32>
      %eq3A_498 = arith.cmpf oeq, %scan3A_243, %min3A_459 : vector<128x64xf32>
      %eq3A_499 = arith.cmpf oeq, %scan3A_244, %min3A_459 : vector<128x64xf32>
      %eq3A_500 = arith.cmpf oeq, %scan3A_245, %min3A_459 : vector<128x64xf32>
      %eq3A_501 = arith.cmpf oeq, %scan3A_246, %min3A_459 : vector<128x64xf32>
      %eq3A_502 = arith.cmpf oeq, %scan3A_247, %min3A_459 : vector<128x64xf32>
      %eq3A_503 = arith.cmpf oeq, %scan3A_248, %min3A_459 : vector<128x64xf32>
      %eq3A_504 = arith.cmpf oeq, %scan3A_249, %min3A_459 : vector<128x64xf32>
      %eq3A_505 = arith.cmpf oeq, %scan3A_250, %min3A_459 : vector<128x64xf32>
      %eq3A_506 = arith.cmpf oeq, %scan3A_251, %min3A_459 : vector<128x64xf32>
      %eq3A_507 = arith.cmpf oeq, %scan3A_252, %min3A_459 : vector<128x64xf32>
      %eq3A_508 = arith.cmpf oeq, %scan3A_253, %min3A_459 : vector<128x64xf32>
      %eq3A_509 = arith.cmpf oeq, %scan3A_254, %min3A_459 : vector<128x64xf32>
      %eq3A_510 = arith.cmpf oeq, %scan3A_255, %min3A_459 : vector<128x64xf32>
      %eq3A_511 = arith.cmpf oeq, %scan3A_256, %min3A_459 : vector<128x64xf32>
      %eq3A_512 = arith.cmpf oeq, %scan3A_257, %min3A_459 : vector<128x64xf32>
      %eq3A_513 = arith.cmpf oeq, %scan3A_258, %min3A_459 : vector<128x64xf32>
      %eq3A_514 = arith.cmpf oeq, %scan3A_259, %min3A_459 : vector<128x64xf32>
      %eq3A_515 = arith.cmpf oeq, %scan3A_260, %min3A_459 : vector<128x64xf32>
      %eq3A_516 = arith.cmpf oeq, %scan3A_261, %min3A_459 : vector<128x64xf32>
      %eq3A_517 = arith.cmpf oeq, %scan3A_262, %min3A_459 : vector<128x64xf32>
      %eq3A_518 = arith.cmpf oeq, %scan3A_263, %min3A_459 : vector<128x64xf32>
      %eq3A_519 = arith.cmpf oeq, %scan3A_264, %min3A_459 : vector<128x64xf32>
      %eq3A_520 = arith.cmpf oeq, %scan3A_265, %min3A_459 : vector<128x64xf32>
      %eq3A_521 = arith.cmpf oeq, %scan3A_266, %min3A_459 : vector<128x64xf32>
      %eq3A_522 = arith.cmpf oeq, %scan3A_267, %min3A_459 : vector<128x64xf32>
      %eq3A_523 = arith.cmpf oeq, %scan3A_268, %min3A_459 : vector<128x64xf32>
      %eq3A_524 = arith.cmpf oeq, %scan3A_269, %min3A_459 : vector<128x64xf32>
      %eq3A_525 = arith.cmpf oeq, %scan3A_270, %min3A_459 : vector<128x64xf32>
      %eq3A_526 = arith.cmpf oeq, %scan3A_271, %min3A_459 : vector<128x64xf32>
      %eq3A_527 = arith.cmpf oeq, %scan3A_272, %min3A_459 : vector<128x64xf32>
      %eq3A_528 = arith.cmpf oeq, %scan3A_273, %min3A_459 : vector<128x64xf32>
      %eq3A_529 = arith.cmpf oeq, %scan3A_274, %min3A_459 : vector<128x64xf32>
      %eq3A_530 = arith.cmpf oeq, %scan3A_275, %min3A_459 : vector<128x64xf32>
      %eq3A_531 = arith.cmpf oeq, %scan3A_276, %min3A_459 : vector<128x64xf32>
      %eq3A_532 = arith.cmpf oeq, %scan3A_277, %min3A_459 : vector<128x64xf32>
      %eq3A_533 = arith.cmpf oeq, %scan3A_278, %min3A_459 : vector<128x64xf32>
      %eq3A_534 = arith.cmpf oeq, %scan3A_279, %min3A_459 : vector<128x64xf32>
      %eq3A_535 = arith.cmpf oeq, %scan3A_280, %min3A_459 : vector<128x64xf32>
      %eq3A_536 = arith.cmpf oeq, %scan3A_281, %min3A_459 : vector<128x64xf32>
      %eq3A_537 = arith.cmpf oeq, %scan3A_282, %min3A_459 : vector<128x64xf32>
      %eq3A_538 = arith.cmpf oeq, %scan3A_283, %min3A_459 : vector<128x64xf32>
      %eq3A_539 = arith.cmpf oeq, %scan3A_284, %min3A_459 : vector<128x64xf32>
      %eq3A_540 = arith.cmpf oeq, %scan3A_285, %min3A_459 : vector<128x64xf32>
      %eq3A_541 = arith.cmpf oeq, %scan3A_286, %min3A_459 : vector<128x64xf32>
      %eq3A_542 = arith.cmpf oeq, %scan3A_287, %min3A_459 : vector<128x64xf32>
      %eq3A_543 = arith.cmpf oeq, %scan3A_288, %min3A_459 : vector<128x64xf32>
      %eq3A_544 = arith.cmpf oeq, %scan3A_289, %min3A_459 : vector<128x64xf32>
      %eq3A_545 = arith.cmpf oeq, %scan3A_290, %min3A_459 : vector<128x64xf32>
      %eq3A_546 = arith.cmpf oeq, %scan3A_291, %min3A_459 : vector<128x64xf32>
      %eq3A_547 = arith.cmpf oeq, %scan3A_292, %min3A_459 : vector<128x64xf32>
      %eq3A_548 = arith.cmpf oeq, %scan3A_293, %min3A_459 : vector<128x64xf32>
      %eq3A_549 = arith.cmpf oeq, %scan3A_294, %min3A_459 : vector<128x64xf32>
      %eq3A_550 = arith.cmpf oeq, %scan3A_295, %min3A_459 : vector<128x64xf32>
      %eq3A_551 = arith.cmpf oeq, %scan3A_296, %min3A_459 : vector<128x64xf32>
      %eq3A_552 = arith.cmpf oeq, %scan3A_297, %min3A_459 : vector<128x64xf32>
      %eq3A_553 = arith.cmpf oeq, %scan3A_298, %min3A_459 : vector<128x64xf32>
      %eq3A_554 = arith.cmpf oeq, %scan3A_299, %min3A_459 : vector<128x64xf32>
      %eq3A_555 = arith.cmpf oeq, %scan3A_300, %min3A_459 : vector<128x64xf32>
      %eq3A_556 = arith.cmpf oeq, %scan3A_301, %min3A_459 : vector<128x64xf32>
      %eq3A_557 = arith.cmpf oeq, %scan3A_302, %min3A_459 : vector<128x64xf32>
      %eq3A_558 = arith.cmpf oeq, %scan3A_303, %min3A_459 : vector<128x64xf32>
      %eq3A_559 = arith.cmpf oeq, %scan3A_304, %min3A_459 : vector<128x64xf32>
      %eq3A_560 = arith.cmpf oeq, %scan3A_305, %min3A_459 : vector<128x64xf32>
      %eq3A_561 = arith.cmpf oeq, %scan3A_306, %min3A_459 : vector<128x64xf32>
      %eq3A_562 = arith.cmpf oeq, %scan3A_307, %min3A_459 : vector<128x64xf32>
      %eq3A_563 = arith.cmpf oeq, %scan3A_308, %min3A_459 : vector<128x64xf32>
      %eq3A_564 = arith.cmpf oeq, %scan3A_309, %min3A_459 : vector<128x64xf32>
      %eq3A_565 = arith.cmpf oeq, %scan3A_310, %min3A_459 : vector<128x64xf32>
      %eq3A_566 = arith.cmpf oeq, %scan3A_311, %min3A_459 : vector<128x64xf32>
      %eq3A_567 = arith.cmpf oeq, %scan3A_312, %min3A_459 : vector<128x64xf32>
      %eq3A_568 = arith.cmpf oeq, %scan3A_313, %min3A_459 : vector<128x64xf32>
      %eq3A_569 = arith.cmpf oeq, %scan3A_314, %min3A_459 : vector<128x64xf32>
      %eq3A_570 = arith.cmpf oeq, %scan3A_315, %min3A_459 : vector<128x64xf32>
      %eq3A_571 = arith.cmpf oeq, %scan3A_316, %min3A_459 : vector<128x64xf32>
      %eq3A_572 = arith.cmpf oeq, %scan3A_317, %min3A_459 : vector<128x64xf32>
      %eq3A_573 = arith.cmpf oeq, %scan3A_318, %min3A_459 : vector<128x64xf32>
      %eq3A_574 = arith.cmpf oeq, %scan3A_319, %min3A_459 : vector<128x64xf32>
      %eq3A_575 = arith.cmpf oeq, %scan3A_320, %min3A_459 : vector<128x64xf32>
      %eq3A_576 = arith.cmpf oeq, %scan3A_321, %min3A_459 : vector<128x64xf32>
      %eq3A_577 = arith.cmpf oeq, %scan3A_322, %min3A_459 : vector<128x64xf32>
      %eq3A_578 = arith.cmpf oeq, %scan3A_323, %min3A_459 : vector<128x64xf32>
      %eq3A_579 = arith.cmpf oeq, %scan3A_324, %min3A_459 : vector<128x64xf32>
      %eq3A_580 = arith.cmpf oeq, %scan3A_325, %min3A_459 : vector<128x64xf32>
      %eq3A_581 = arith.cmpf oeq, %scan3A_326, %min3A_459 : vector<128x64xf32>
      %eq3A_582 = arith.cmpf oeq, %scan3A_327, %min3A_459 : vector<128x64xf32>
      %eq3A_583 = arith.cmpf oeq, %scan3A_328, %min3A_459 : vector<128x64xf32>
      %eq3A_584 = arith.cmpf oeq, %scan3A_329, %min3A_459 : vector<128x64xf32>
      %eq3A_585 = arith.cmpf oeq, %scan3A_330, %min3A_459 : vector<128x64xf32>
      %eq3A_586 = arith.cmpf oeq, %scan3A_331, %min3A_459 : vector<128x64xf32>
      %jit3A = arith.constant 0 : i32
      %broadcast_in_dim3A_587 = vector.broadcast %jit3A : i32 to vector<128x64xi32>
      %broadcast_in_dim3A_588 = vector.broadcast %scan3A : i32 to vector<128x64xi32>
      %select_n3A = arith.select %eq3A, %broadcast_in_dim3A_587, %broadcast_in_dim3A_588 : vector<128x64xi1>, vector<128x64xi32>
      %jit3A_589 = arith.constant 1 : i32
      %broadcast_in_dim3A_590 = vector.broadcast %jit3A_589 : i32 to vector<128x64xi32>
      %broadcast_in_dim3A_591 = vector.broadcast %scan3A : i32 to vector<128x64xi32>
      %select_n3A_592 = arith.select %eq3A_460, %broadcast_in_dim3A_590, %broadcast_in_dim3A_591 : vector<128x64xi1>, vector<128x64xi32>
      %jit3A_593 = arith.constant 2 : i32
      %broadcast_in_dim3A_594 = vector.broadcast %jit3A_593 : i32 to vector<128x64xi32>
      %broadcast_in_dim3A_595 = vector.broadcast %scan3A : i32 to vector<128x64xi32>
      %select_n3A_596 = arith.select %eq3A_461, %broadcast_in_dim3A_594, %broadcast_in_dim3A_595 : vector<128x64xi1>, vector<128x64xi32>
      %jit3A_597 = arith.constant 3 : i32
      %broadcast_in_dim3A_598 = vector.broadcast %jit3A_597 : i32 to vector<128x64xi32>
      %broadcast_in_dim3A_599 = vector.broadcast %scan3A : i32 to vector<128x64xi32>
      %select_n3A_600 = arith.select %eq3A_462, %broadcast_in_dim3A_598, %broadcast_in_dim3A_599 : vector<128x64xi1>, vector<128x64xi32>
      %jit3A_601 = arith.constant 4 : i32
      %broadcast_in_dim3A_602 = vector.broadcast %jit3A_601 : i32 to vector<128x64xi32>
      %broadcast_in_dim3A_603 = vector.broadcast %scan3A : i32 to vector<128x64xi32>
      %select_n3A_604 = arith.select %eq3A_463, %broadcast_in_dim3A_602, %broadcast_in_dim3A_603 : vector<128x64xi1>, vector<128x64xi32>
      %jit3A_605 = arith.constant 5 : i32
      %broadcast_in_dim3A_606 = vector.broadcast %jit3A_605 : i32 to vector<128x64xi32>
      %broadcast_in_dim3A_607 = vector.broadcast %scan3A : i32 to vector<128x64xi32>
      %select_n3A_608 = arith.select %eq3A_464, %broadcast_in_dim3A_606, %broadcast_in_dim3A_607 : vector<128x64xi1>, vector<128x64xi32>
      %jit3A_609 = arith.constant 6 : i32
      %broadcast_in_dim3A_610 = vector.broadcast %jit3A_609 : i32 to vector<128x64xi32>
      %broadcast_in_dim3A_611 = vector.broadcast %scan3A : i32 to vector<128x64xi32>
      %select_n3A_612 = arith.select %eq3A_465, %broadcast_in_dim3A_610, %broadcast_in_dim3A_611 : vector<128x64xi1>, vector<128x64xi32>
      %jit3A_613 = arith.constant 7 : i32
      %broadcast_in_dim3A_614 = vector.broadcast %jit3A_613 : i32 to vector<128x64xi32>
      %broadcast_in_dim3A_615 = vector.broadcast %scan3A : i32 to vector<128x64xi32>
      %select_n3A_616 = arith.select %eq3A_466, %broadcast_in_dim3A_614, %broadcast_in_dim3A_615 : vector<128x64xi1>, vector<128x64xi32>
      %jit3A_617 = arith.constant 8 : i32
      %broadcast_in_dim3A_618 = vector.broadcast %jit3A_617 : i32 to vector<128x64xi32>
      %broadcast_in_dim3A_619 = vector.broadcast %scan3A : i32 to vector<128x64xi32>
      %select_n3A_620 = arith.select %eq3A_467, %broadcast_in_dim3A_618, %broadcast_in_dim3A_619 : vector<128x64xi1>, vector<128x64xi32>
      %jit3A_621 = arith.constant 9 : i32
      %broadcast_in_dim3A_622 = vector.broadcast %jit3A_621 : i32 to vector<128x64xi32>
      %broadcast_in_dim3A_623 = vector.broadcast %scan3A : i32 to vector<128x64xi32>
      %select_n3A_624 = arith.select %eq3A_468, %broadcast_in_dim3A_622, %broadcast_in_dim3A_623 : vector<128x64xi1>, vector<128x64xi32>
      %jit3A_625 = arith.constant 10 : i32
      %broadcast_in_dim3A_626 = vector.broadcast %jit3A_625 : i32 to vector<128x64xi32>
      %broadcast_in_dim3A_627 = vector.broadcast %scan3A : i32 to vector<128x64xi32>
      %select_n3A_628 = arith.select %eq3A_469, %broadcast_in_dim3A_626, %broadcast_in_dim3A_627 : vector<128x64xi1>, vector<128x64xi32>
      %jit3A_629 = arith.constant 11 : i32
      %broadcast_in_dim3A_630 = vector.broadcast %jit3A_629 : i32 to vector<128x64xi32>
      %broadcast_in_dim3A_631 = vector.broadcast %scan3A : i32 to vector<128x64xi32>
      %select_n3A_632 = arith.select %eq3A_470, %broadcast_in_dim3A_630, %broadcast_in_dim3A_631 : vector<128x64xi1>, vector<128x64xi32>
      %jit3A_633 = arith.constant 12 : i32
      %broadcast_in_dim3A_634 = vector.broadcast %jit3A_633 : i32 to vector<128x64xi32>
      %broadcast_in_dim3A_635 = vector.broadcast %scan3A : i32 to vector<128x64xi32>
      %select_n3A_636 = arith.select %eq3A_471, %broadcast_in_dim3A_634, %broadcast_in_dim3A_635 : vector<128x64xi1>, vector<128x64xi32>
      %jit3A_637 = arith.constant 13 : i32
      %broadcast_in_dim3A_638 = vector.broadcast %jit3A_637 : i32 to vector<128x64xi32>
      %broadcast_in_dim3A_639 = vector.broadcast %scan3A : i32 to vector<128x64xi32>
      %select_n3A_640 = arith.select %eq3A_472, %broadcast_in_dim3A_638, %broadcast_in_dim3A_639 : vector<128x64xi1>, vector<128x64xi32>
      %jit3A_641 = arith.constant 14 : i32
      %broadcast_in_dim3A_642 = vector.broadcast %jit3A_641 : i32 to vector<128x64xi32>
      %broadcast_in_dim3A_643 = vector.broadcast %scan3A : i32 to vector<128x64xi32>
      %select_n3A_644 = arith.select %eq3A_473, %broadcast_in_dim3A_642, %broadcast_in_dim3A_643 : vector<128x64xi1>, vector<128x64xi32>
      %jit3A_645 = arith.constant 15 : i32
      %broadcast_in_dim3A_646 = vector.broadcast %jit3A_645 : i32 to vector<128x64xi32>
      %broadcast_in_dim3A_647 = vector.broadcast %scan3A : i32 to vector<128x64xi32>
      %select_n3A_648 = arith.select %eq3A_474, %broadcast_in_dim3A_646, %broadcast_in_dim3A_647 : vector<128x64xi1>, vector<128x64xi32>
      %jit3A_649 = arith.constant 16 : i32
      %broadcast_in_dim3A_650 = vector.broadcast %jit3A_649 : i32 to vector<128x64xi32>
      %broadcast_in_dim3A_651 = vector.broadcast %scan3A : i32 to vector<128x64xi32>
      %select_n3A_652 = arith.select %eq3A_475, %broadcast_in_dim3A_650, %broadcast_in_dim3A_651 : vector<128x64xi1>, vector<128x64xi32>
      %jit3A_653 = arith.constant 17 : i32
      %broadcast_in_dim3A_654 = vector.broadcast %jit3A_653 : i32 to vector<128x64xi32>
      %broadcast_in_dim3A_655 = vector.broadcast %scan3A : i32 to vector<128x64xi32>
      %select_n3A_656 = arith.select %eq3A_476, %broadcast_in_dim3A_654, %broadcast_in_dim3A_655 : vector<128x64xi1>, vector<128x64xi32>
      %jit3A_657 = arith.constant 18 : i32
      %broadcast_in_dim3A_658 = vector.broadcast %jit3A_657 : i32 to vector<128x64xi32>
      %broadcast_in_dim3A_659 = vector.broadcast %scan3A : i32 to vector<128x64xi32>
      %select_n3A_660 = arith.select %eq3A_477, %broadcast_in_dim3A_658, %broadcast_in_dim3A_659 : vector<128x64xi1>, vector<128x64xi32>
      %jit3A_661 = arith.constant 19 : i32
      %broadcast_in_dim3A_662 = vector.broadcast %jit3A_661 : i32 to vector<128x64xi32>
      %broadcast_in_dim3A_663 = vector.broadcast %scan3A : i32 to vector<128x64xi32>
      %select_n3A_664 = arith.select %eq3A_478, %broadcast_in_dim3A_662, %broadcast_in_dim3A_663 : vector<128x64xi1>, vector<128x64xi32>
      %jit3A_665 = arith.constant 20 : i32
      %broadcast_in_dim3A_666 = vector.broadcast %jit3A_665 : i32 to vector<128x64xi32>
      %broadcast_in_dim3A_667 = vector.broadcast %scan3A : i32 to vector<128x64xi32>
      %select_n3A_668 = arith.select %eq3A_479, %broadcast_in_dim3A_666, %broadcast_in_dim3A_667 : vector<128x64xi1>, vector<128x64xi32>
      %jit3A_669 = arith.constant 21 : i32
      %broadcast_in_dim3A_670 = vector.broadcast %jit3A_669 : i32 to vector<128x64xi32>
      %broadcast_in_dim3A_671 = vector.broadcast %scan3A : i32 to vector<128x64xi32>
      %select_n3A_672 = arith.select %eq3A_480, %broadcast_in_dim3A_670, %broadcast_in_dim3A_671 : vector<128x64xi1>, vector<128x64xi32>
      %jit3A_673 = arith.constant 22 : i32
      %broadcast_in_dim3A_674 = vector.broadcast %jit3A_673 : i32 to vector<128x64xi32>
      %broadcast_in_dim3A_675 = vector.broadcast %scan3A : i32 to vector<128x64xi32>
      %select_n3A_676 = arith.select %eq3A_481, %broadcast_in_dim3A_674, %broadcast_in_dim3A_675 : vector<128x64xi1>, vector<128x64xi32>
      %jit3A_677 = arith.constant 23 : i32
      %broadcast_in_dim3A_678 = vector.broadcast %jit3A_677 : i32 to vector<128x64xi32>
      %broadcast_in_dim3A_679 = vector.broadcast %scan3A : i32 to vector<128x64xi32>
      %select_n3A_680 = arith.select %eq3A_482, %broadcast_in_dim3A_678, %broadcast_in_dim3A_679 : vector<128x64xi1>, vector<128x64xi32>
      %jit3A_681 = arith.constant 24 : i32
      %broadcast_in_dim3A_682 = vector.broadcast %jit3A_681 : i32 to vector<128x64xi32>
      %broadcast_in_dim3A_683 = vector.broadcast %scan3A : i32 to vector<128x64xi32>
      %select_n3A_684 = arith.select %eq3A_483, %broadcast_in_dim3A_682, %broadcast_in_dim3A_683 : vector<128x64xi1>, vector<128x64xi32>
      %jit3A_685 = arith.constant 25 : i32
      %broadcast_in_dim3A_686 = vector.broadcast %jit3A_685 : i32 to vector<128x64xi32>
      %broadcast_in_dim3A_687 = vector.broadcast %scan3A : i32 to vector<128x64xi32>
      %select_n3A_688 = arith.select %eq3A_484, %broadcast_in_dim3A_686, %broadcast_in_dim3A_687 : vector<128x64xi1>, vector<128x64xi32>
      %jit3A_689 = arith.constant 26 : i32
      %broadcast_in_dim3A_690 = vector.broadcast %jit3A_689 : i32 to vector<128x64xi32>
      %broadcast_in_dim3A_691 = vector.broadcast %scan3A : i32 to vector<128x64xi32>
      %select_n3A_692 = arith.select %eq3A_485, %broadcast_in_dim3A_690, %broadcast_in_dim3A_691 : vector<128x64xi1>, vector<128x64xi32>
      %jit3A_693 = arith.constant 27 : i32
      %broadcast_in_dim3A_694 = vector.broadcast %jit3A_693 : i32 to vector<128x64xi32>
      %broadcast_in_dim3A_695 = vector.broadcast %scan3A : i32 to vector<128x64xi32>
      %select_n3A_696 = arith.select %eq3A_486, %broadcast_in_dim3A_694, %broadcast_in_dim3A_695 : vector<128x64xi1>, vector<128x64xi32>
      %jit3A_697 = arith.constant 28 : i32
      %broadcast_in_dim3A_698 = vector.broadcast %jit3A_697 : i32 to vector<128x64xi32>
      %broadcast_in_dim3A_699 = vector.broadcast %scan3A : i32 to vector<128x64xi32>
      %select_n3A_700 = arith.select %eq3A_487, %broadcast_in_dim3A_698, %broadcast_in_dim3A_699 : vector<128x64xi1>, vector<128x64xi32>
      %jit3A_701 = arith.constant 29 : i32
      %broadcast_in_dim3A_702 = vector.broadcast %jit3A_701 : i32 to vector<128x64xi32>
      %broadcast_in_dim3A_703 = vector.broadcast %scan3A : i32 to vector<128x64xi32>
      %select_n3A_704 = arith.select %eq3A_488, %broadcast_in_dim3A_702, %broadcast_in_dim3A_703 : vector<128x64xi1>, vector<128x64xi32>
      %jit3A_705 = arith.constant 30 : i32
      %broadcast_in_dim3A_706 = vector.broadcast %jit3A_705 : i32 to vector<128x64xi32>
      %broadcast_in_dim3A_707 = vector.broadcast %scan3A : i32 to vector<128x64xi32>
      %select_n3A_708 = arith.select %eq3A_489, %broadcast_in_dim3A_706, %broadcast_in_dim3A_707 : vector<128x64xi1>, vector<128x64xi32>
      %jit3A_709 = arith.constant 31 : i32
      %broadcast_in_dim3A_710 = vector.broadcast %jit3A_709 : i32 to vector<128x64xi32>
      %broadcast_in_dim3A_711 = vector.broadcast %scan3A : i32 to vector<128x64xi32>
      %select_n3A_712 = arith.select %eq3A_490, %broadcast_in_dim3A_710, %broadcast_in_dim3A_711 : vector<128x64xi1>, vector<128x64xi32>
      %jit3A_713 = arith.constant 32 : i32
      %broadcast_in_dim3A_714 = vector.broadcast %jit3A_713 : i32 to vector<128x64xi32>
      %broadcast_in_dim3A_715 = vector.broadcast %scan3A : i32 to vector<128x64xi32>
      %select_n3A_716 = arith.select %eq3A_491, %broadcast_in_dim3A_714, %broadcast_in_dim3A_715 : vector<128x64xi1>, vector<128x64xi32>
      %jit3A_717 = arith.constant 33 : i32
      %broadcast_in_dim3A_718 = vector.broadcast %jit3A_717 : i32 to vector<128x64xi32>
      %broadcast_in_dim3A_719 = vector.broadcast %scan3A : i32 to vector<128x64xi32>
      %select_n3A_720 = arith.select %eq3A_492, %broadcast_in_dim3A_718, %broadcast_in_dim3A_719 : vector<128x64xi1>, vector<128x64xi32>
      %jit3A_721 = arith.constant 34 : i32
      %broadcast_in_dim3A_722 = vector.broadcast %jit3A_721 : i32 to vector<128x64xi32>
      %broadcast_in_dim3A_723 = vector.broadcast %scan3A : i32 to vector<128x64xi32>
      %select_n3A_724 = arith.select %eq3A_493, %broadcast_in_dim3A_722, %broadcast_in_dim3A_723 : vector<128x64xi1>, vector<128x64xi32>
      %jit3A_725 = arith.constant 35 : i32
      %broadcast_in_dim3A_726 = vector.broadcast %jit3A_725 : i32 to vector<128x64xi32>
      %broadcast_in_dim3A_727 = vector.broadcast %scan3A : i32 to vector<128x64xi32>
      %select_n3A_728 = arith.select %eq3A_494, %broadcast_in_dim3A_726, %broadcast_in_dim3A_727 : vector<128x64xi1>, vector<128x64xi32>
      %jit3A_729 = arith.constant 36 : i32
      %broadcast_in_dim3A_730 = vector.broadcast %jit3A_729 : i32 to vector<128x64xi32>
      %broadcast_in_dim3A_731 = vector.broadcast %scan3A : i32 to vector<128x64xi32>
      %select_n3A_732 = arith.select %eq3A_495, %broadcast_in_dim3A_730, %broadcast_in_dim3A_731 : vector<128x64xi1>, vector<128x64xi32>
      %jit3A_733 = arith.constant 37 : i32
      %broadcast_in_dim3A_734 = vector.broadcast %jit3A_733 : i32 to vector<128x64xi32>
      %broadcast_in_dim3A_735 = vector.broadcast %scan3A : i32 to vector<128x64xi32>
      %select_n3A_736 = arith.select %eq3A_496, %broadcast_in_dim3A_734, %broadcast_in_dim3A_735 : vector<128x64xi1>, vector<128x64xi32>
      %jit3A_737 = arith.constant 38 : i32
      %broadcast_in_dim3A_738 = vector.broadcast %jit3A_737 : i32 to vector<128x64xi32>
      %broadcast_in_dim3A_739 = vector.broadcast %scan3A : i32 to vector<128x64xi32>
      %select_n3A_740 = arith.select %eq3A_497, %broadcast_in_dim3A_738, %broadcast_in_dim3A_739 : vector<128x64xi1>, vector<128x64xi32>
      %jit3A_741 = arith.constant 39 : i32
      %broadcast_in_dim3A_742 = vector.broadcast %jit3A_741 : i32 to vector<128x64xi32>
      %broadcast_in_dim3A_743 = vector.broadcast %scan3A : i32 to vector<128x64xi32>
      %select_n3A_744 = arith.select %eq3A_498, %broadcast_in_dim3A_742, %broadcast_in_dim3A_743 : vector<128x64xi1>, vector<128x64xi32>
      %jit3A_745 = arith.constant 40 : i32
      %broadcast_in_dim3A_746 = vector.broadcast %jit3A_745 : i32 to vector<128x64xi32>
      %broadcast_in_dim3A_747 = vector.broadcast %scan3A : i32 to vector<128x64xi32>
      %select_n3A_748 = arith.select %eq3A_499, %broadcast_in_dim3A_746, %broadcast_in_dim3A_747 : vector<128x64xi1>, vector<128x64xi32>
      %jit3A_749 = arith.constant 41 : i32
      %broadcast_in_dim3A_750 = vector.broadcast %jit3A_749 : i32 to vector<128x64xi32>
      %broadcast_in_dim3A_751 = vector.broadcast %scan3A : i32 to vector<128x64xi32>
      %select_n3A_752 = arith.select %eq3A_500, %broadcast_in_dim3A_750, %broadcast_in_dim3A_751 : vector<128x64xi1>, vector<128x64xi32>
      %jit3A_753 = arith.constant 42 : i32
      %broadcast_in_dim3A_754 = vector.broadcast %jit3A_753 : i32 to vector<128x64xi32>
      %broadcast_in_dim3A_755 = vector.broadcast %scan3A : i32 to vector<128x64xi32>
      %select_n3A_756 = arith.select %eq3A_501, %broadcast_in_dim3A_754, %broadcast_in_dim3A_755 : vector<128x64xi1>, vector<128x64xi32>
      %jit3A_757 = arith.constant 43 : i32
      %broadcast_in_dim3A_758 = vector.broadcast %jit3A_757 : i32 to vector<128x64xi32>
      %broadcast_in_dim3A_759 = vector.broadcast %scan3A : i32 to vector<128x64xi32>
      %select_n3A_760 = arith.select %eq3A_502, %broadcast_in_dim3A_758, %broadcast_in_dim3A_759 : vector<128x64xi1>, vector<128x64xi32>
      %jit3A_761 = arith.constant 44 : i32
      %broadcast_in_dim3A_762 = vector.broadcast %jit3A_761 : i32 to vector<128x64xi32>
      %broadcast_in_dim3A_763 = vector.broadcast %scan3A : i32 to vector<128x64xi32>
      %select_n3A_764 = arith.select %eq3A_503, %broadcast_in_dim3A_762, %broadcast_in_dim3A_763 : vector<128x64xi1>, vector<128x64xi32>
      %jit3A_765 = arith.constant 45 : i32
      %broadcast_in_dim3A_766 = vector.broadcast %jit3A_765 : i32 to vector<128x64xi32>
      %broadcast_in_dim3A_767 = vector.broadcast %scan3A : i32 to vector<128x64xi32>
      %select_n3A_768 = arith.select %eq3A_504, %broadcast_in_dim3A_766, %broadcast_in_dim3A_767 : vector<128x64xi1>, vector<128x64xi32>
      %jit3A_769 = arith.constant 46 : i32
      %broadcast_in_dim3A_770 = vector.broadcast %jit3A_769 : i32 to vector<128x64xi32>
      %broadcast_in_dim3A_771 = vector.broadcast %scan3A : i32 to vector<128x64xi32>
      %select_n3A_772 = arith.select %eq3A_505, %broadcast_in_dim3A_770, %broadcast_in_dim3A_771 : vector<128x64xi1>, vector<128x64xi32>
      %jit3A_773 = arith.constant 47 : i32
      %broadcast_in_dim3A_774 = vector.broadcast %jit3A_773 : i32 to vector<128x64xi32>
      %broadcast_in_dim3A_775 = vector.broadcast %scan3A : i32 to vector<128x64xi32>
      %select_n3A_776 = arith.select %eq3A_506, %broadcast_in_dim3A_774, %broadcast_in_dim3A_775 : vector<128x64xi1>, vector<128x64xi32>
      %jit3A_777 = arith.constant 48 : i32
      %broadcast_in_dim3A_778 = vector.broadcast %jit3A_777 : i32 to vector<128x64xi32>
      %broadcast_in_dim3A_779 = vector.broadcast %scan3A : i32 to vector<128x64xi32>
      %select_n3A_780 = arith.select %eq3A_507, %broadcast_in_dim3A_778, %broadcast_in_dim3A_779 : vector<128x64xi1>, vector<128x64xi32>
      %jit3A_781 = arith.constant 49 : i32
      %broadcast_in_dim3A_782 = vector.broadcast %jit3A_781 : i32 to vector<128x64xi32>
      %broadcast_in_dim3A_783 = vector.broadcast %scan3A : i32 to vector<128x64xi32>
      %select_n3A_784 = arith.select %eq3A_508, %broadcast_in_dim3A_782, %broadcast_in_dim3A_783 : vector<128x64xi1>, vector<128x64xi32>
      %jit3A_785 = arith.constant 50 : i32
      %broadcast_in_dim3A_786 = vector.broadcast %jit3A_785 : i32 to vector<128x64xi32>
      %broadcast_in_dim3A_787 = vector.broadcast %scan3A : i32 to vector<128x64xi32>
      %select_n3A_788 = arith.select %eq3A_509, %broadcast_in_dim3A_786, %broadcast_in_dim3A_787 : vector<128x64xi1>, vector<128x64xi32>
      %jit3A_789 = arith.constant 51 : i32
      %broadcast_in_dim3A_790 = vector.broadcast %jit3A_789 : i32 to vector<128x64xi32>
      %broadcast_in_dim3A_791 = vector.broadcast %scan3A : i32 to vector<128x64xi32>
      %select_n3A_792 = arith.select %eq3A_510, %broadcast_in_dim3A_790, %broadcast_in_dim3A_791 : vector<128x64xi1>, vector<128x64xi32>
      %jit3A_793 = arith.constant 52 : i32
      %broadcast_in_dim3A_794 = vector.broadcast %jit3A_793 : i32 to vector<128x64xi32>
      %broadcast_in_dim3A_795 = vector.broadcast %scan3A : i32 to vector<128x64xi32>
      %select_n3A_796 = arith.select %eq3A_511, %broadcast_in_dim3A_794, %broadcast_in_dim3A_795 : vector<128x64xi1>, vector<128x64xi32>
      %jit3A_797 = arith.constant 53 : i32
      %broadcast_in_dim3A_798 = vector.broadcast %jit3A_797 : i32 to vector<128x64xi32>
      %broadcast_in_dim3A_799 = vector.broadcast %scan3A : i32 to vector<128x64xi32>
      %select_n3A_800 = arith.select %eq3A_512, %broadcast_in_dim3A_798, %broadcast_in_dim3A_799 : vector<128x64xi1>, vector<128x64xi32>
      %jit3A_801 = arith.constant 54 : i32
      %broadcast_in_dim3A_802 = vector.broadcast %jit3A_801 : i32 to vector<128x64xi32>
      %broadcast_in_dim3A_803 = vector.broadcast %scan3A : i32 to vector<128x64xi32>
      %select_n3A_804 = arith.select %eq3A_513, %broadcast_in_dim3A_802, %broadcast_in_dim3A_803 : vector<128x64xi1>, vector<128x64xi32>
      %jit3A_805 = arith.constant 55 : i32
      %broadcast_in_dim3A_806 = vector.broadcast %jit3A_805 : i32 to vector<128x64xi32>
      %broadcast_in_dim3A_807 = vector.broadcast %scan3A : i32 to vector<128x64xi32>
      %select_n3A_808 = arith.select %eq3A_514, %broadcast_in_dim3A_806, %broadcast_in_dim3A_807 : vector<128x64xi1>, vector<128x64xi32>
      %jit3A_809 = arith.constant 56 : i32
      %broadcast_in_dim3A_810 = vector.broadcast %jit3A_809 : i32 to vector<128x64xi32>
      %broadcast_in_dim3A_811 = vector.broadcast %scan3A : i32 to vector<128x64xi32>
      %select_n3A_812 = arith.select %eq3A_515, %broadcast_in_dim3A_810, %broadcast_in_dim3A_811 : vector<128x64xi1>, vector<128x64xi32>
      %jit3A_813 = arith.constant 57 : i32
      %broadcast_in_dim3A_814 = vector.broadcast %jit3A_813 : i32 to vector<128x64xi32>
      %broadcast_in_dim3A_815 = vector.broadcast %scan3A : i32 to vector<128x64xi32>
      %select_n3A_816 = arith.select %eq3A_516, %broadcast_in_dim3A_814, %broadcast_in_dim3A_815 : vector<128x64xi1>, vector<128x64xi32>
      %jit3A_817 = arith.constant 58 : i32
      %broadcast_in_dim3A_818 = vector.broadcast %jit3A_817 : i32 to vector<128x64xi32>
      %broadcast_in_dim3A_819 = vector.broadcast %scan3A : i32 to vector<128x64xi32>
      %select_n3A_820 = arith.select %eq3A_517, %broadcast_in_dim3A_818, %broadcast_in_dim3A_819 : vector<128x64xi1>, vector<128x64xi32>
      %jit3A_821 = arith.constant 59 : i32
      %broadcast_in_dim3A_822 = vector.broadcast %jit3A_821 : i32 to vector<128x64xi32>
      %broadcast_in_dim3A_823 = vector.broadcast %scan3A : i32 to vector<128x64xi32>
      %select_n3A_824 = arith.select %eq3A_518, %broadcast_in_dim3A_822, %broadcast_in_dim3A_823 : vector<128x64xi1>, vector<128x64xi32>
      %jit3A_825 = arith.constant 60 : i32
      %broadcast_in_dim3A_826 = vector.broadcast %jit3A_825 : i32 to vector<128x64xi32>
      %broadcast_in_dim3A_827 = vector.broadcast %scan3A : i32 to vector<128x64xi32>
      %select_n3A_828 = arith.select %eq3A_519, %broadcast_in_dim3A_826, %broadcast_in_dim3A_827 : vector<128x64xi1>, vector<128x64xi32>
      %jit3A_829 = arith.constant 61 : i32
      %broadcast_in_dim3A_830 = vector.broadcast %jit3A_829 : i32 to vector<128x64xi32>
      %broadcast_in_dim3A_831 = vector.broadcast %scan3A : i32 to vector<128x64xi32>
      %select_n3A_832 = arith.select %eq3A_520, %broadcast_in_dim3A_830, %broadcast_in_dim3A_831 : vector<128x64xi1>, vector<128x64xi32>
      %jit3A_833 = arith.constant 62 : i32
      %broadcast_in_dim3A_834 = vector.broadcast %jit3A_833 : i32 to vector<128x64xi32>
      %broadcast_in_dim3A_835 = vector.broadcast %scan3A : i32 to vector<128x64xi32>
      %select_n3A_836 = arith.select %eq3A_521, %broadcast_in_dim3A_834, %broadcast_in_dim3A_835 : vector<128x64xi1>, vector<128x64xi32>
      %jit3A_837 = arith.constant 63 : i32
      %broadcast_in_dim3A_838 = vector.broadcast %jit3A_837 : i32 to vector<128x64xi32>
      %broadcast_in_dim3A_839 = vector.broadcast %scan3A : i32 to vector<128x64xi32>
      %select_n3A_840 = arith.select %eq3A_522, %broadcast_in_dim3A_838, %broadcast_in_dim3A_839 : vector<128x64xi1>, vector<128x64xi32>
      %jit3A_841 = arith.constant 64 : i32
      %broadcast_in_dim3A_842 = vector.broadcast %jit3A_841 : i32 to vector<128x64xi32>
      %broadcast_in_dim3A_843 = vector.broadcast %scan3A : i32 to vector<128x64xi32>
      %select_n3A_844 = arith.select %eq3A_523, %broadcast_in_dim3A_842, %broadcast_in_dim3A_843 : vector<128x64xi1>, vector<128x64xi32>
      %jit3A_845 = arith.constant 65 : i32
      %broadcast_in_dim3A_846 = vector.broadcast %jit3A_845 : i32 to vector<128x64xi32>
      %broadcast_in_dim3A_847 = vector.broadcast %scan3A : i32 to vector<128x64xi32>
      %select_n3A_848 = arith.select %eq3A_524, %broadcast_in_dim3A_846, %broadcast_in_dim3A_847 : vector<128x64xi1>, vector<128x64xi32>
      %jit3A_849 = arith.constant 66 : i32
      %broadcast_in_dim3A_850 = vector.broadcast %jit3A_849 : i32 to vector<128x64xi32>
      %broadcast_in_dim3A_851 = vector.broadcast %scan3A : i32 to vector<128x64xi32>
      %select_n3A_852 = arith.select %eq3A_525, %broadcast_in_dim3A_850, %broadcast_in_dim3A_851 : vector<128x64xi1>, vector<128x64xi32>
      %jit3A_853 = arith.constant 67 : i32
      %broadcast_in_dim3A_854 = vector.broadcast %jit3A_853 : i32 to vector<128x64xi32>
      %broadcast_in_dim3A_855 = vector.broadcast %scan3A : i32 to vector<128x64xi32>
      %select_n3A_856 = arith.select %eq3A_526, %broadcast_in_dim3A_854, %broadcast_in_dim3A_855 : vector<128x64xi1>, vector<128x64xi32>
      %jit3A_857 = arith.constant 68 : i32
      %broadcast_in_dim3A_858 = vector.broadcast %jit3A_857 : i32 to vector<128x64xi32>
      %broadcast_in_dim3A_859 = vector.broadcast %scan3A : i32 to vector<128x64xi32>
      %select_n3A_860 = arith.select %eq3A_527, %broadcast_in_dim3A_858, %broadcast_in_dim3A_859 : vector<128x64xi1>, vector<128x64xi32>
      %jit3A_861 = arith.constant 69 : i32
      %broadcast_in_dim3A_862 = vector.broadcast %jit3A_861 : i32 to vector<128x64xi32>
      %broadcast_in_dim3A_863 = vector.broadcast %scan3A : i32 to vector<128x64xi32>
      %select_n3A_864 = arith.select %eq3A_528, %broadcast_in_dim3A_862, %broadcast_in_dim3A_863 : vector<128x64xi1>, vector<128x64xi32>
      %jit3A_865 = arith.constant 70 : i32
      %broadcast_in_dim3A_866 = vector.broadcast %jit3A_865 : i32 to vector<128x64xi32>
      %broadcast_in_dim3A_867 = vector.broadcast %scan3A : i32 to vector<128x64xi32>
      %select_n3A_868 = arith.select %eq3A_529, %broadcast_in_dim3A_866, %broadcast_in_dim3A_867 : vector<128x64xi1>, vector<128x64xi32>
      %jit3A_869 = arith.constant 71 : i32
      %broadcast_in_dim3A_870 = vector.broadcast %jit3A_869 : i32 to vector<128x64xi32>
      %broadcast_in_dim3A_871 = vector.broadcast %scan3A : i32 to vector<128x64xi32>
      %select_n3A_872 = arith.select %eq3A_530, %broadcast_in_dim3A_870, %broadcast_in_dim3A_871 : vector<128x64xi1>, vector<128x64xi32>
      %jit3A_873 = arith.constant 72 : i32
      %broadcast_in_dim3A_874 = vector.broadcast %jit3A_873 : i32 to vector<128x64xi32>
      %broadcast_in_dim3A_875 = vector.broadcast %scan3A : i32 to vector<128x64xi32>
      %select_n3A_876 = arith.select %eq3A_531, %broadcast_in_dim3A_874, %broadcast_in_dim3A_875 : vector<128x64xi1>, vector<128x64xi32>
      %jit3A_877 = arith.constant 73 : i32
      %broadcast_in_dim3A_878 = vector.broadcast %jit3A_877 : i32 to vector<128x64xi32>
      %broadcast_in_dim3A_879 = vector.broadcast %scan3A : i32 to vector<128x64xi32>
      %select_n3A_880 = arith.select %eq3A_532, %broadcast_in_dim3A_878, %broadcast_in_dim3A_879 : vector<128x64xi1>, vector<128x64xi32>
      %jit3A_881 = arith.constant 74 : i32
      %broadcast_in_dim3A_882 = vector.broadcast %jit3A_881 : i32 to vector<128x64xi32>
      %broadcast_in_dim3A_883 = vector.broadcast %scan3A : i32 to vector<128x64xi32>
      %select_n3A_884 = arith.select %eq3A_533, %broadcast_in_dim3A_882, %broadcast_in_dim3A_883 : vector<128x64xi1>, vector<128x64xi32>
      %jit3A_885 = arith.constant 75 : i32
      %broadcast_in_dim3A_886 = vector.broadcast %jit3A_885 : i32 to vector<128x64xi32>
      %broadcast_in_dim3A_887 = vector.broadcast %scan3A : i32 to vector<128x64xi32>
      %select_n3A_888 = arith.select %eq3A_534, %broadcast_in_dim3A_886, %broadcast_in_dim3A_887 : vector<128x64xi1>, vector<128x64xi32>
      %jit3A_889 = arith.constant 76 : i32
      %broadcast_in_dim3A_890 = vector.broadcast %jit3A_889 : i32 to vector<128x64xi32>
      %broadcast_in_dim3A_891 = vector.broadcast %scan3A : i32 to vector<128x64xi32>
      %select_n3A_892 = arith.select %eq3A_535, %broadcast_in_dim3A_890, %broadcast_in_dim3A_891 : vector<128x64xi1>, vector<128x64xi32>
      %jit3A_893 = arith.constant 77 : i32
      %broadcast_in_dim3A_894 = vector.broadcast %jit3A_893 : i32 to vector<128x64xi32>
      %broadcast_in_dim3A_895 = vector.broadcast %scan3A : i32 to vector<128x64xi32>
      %select_n3A_896 = arith.select %eq3A_536, %broadcast_in_dim3A_894, %broadcast_in_dim3A_895 : vector<128x64xi1>, vector<128x64xi32>
      %jit3A_897 = arith.constant 78 : i32
      %broadcast_in_dim3A_898 = vector.broadcast %jit3A_897 : i32 to vector<128x64xi32>
      %broadcast_in_dim3A_899 = vector.broadcast %scan3A : i32 to vector<128x64xi32>
      %select_n3A_900 = arith.select %eq3A_537, %broadcast_in_dim3A_898, %broadcast_in_dim3A_899 : vector<128x64xi1>, vector<128x64xi32>
      %jit3A_901 = arith.constant 79 : i32
      %broadcast_in_dim3A_902 = vector.broadcast %jit3A_901 : i32 to vector<128x64xi32>
      %broadcast_in_dim3A_903 = vector.broadcast %scan3A : i32 to vector<128x64xi32>
      %select_n3A_904 = arith.select %eq3A_538, %broadcast_in_dim3A_902, %broadcast_in_dim3A_903 : vector<128x64xi1>, vector<128x64xi32>
      %jit3A_905 = arith.constant 80 : i32
      %broadcast_in_dim3A_906 = vector.broadcast %jit3A_905 : i32 to vector<128x64xi32>
      %broadcast_in_dim3A_907 = vector.broadcast %scan3A : i32 to vector<128x64xi32>
      %select_n3A_908 = arith.select %eq3A_539, %broadcast_in_dim3A_906, %broadcast_in_dim3A_907 : vector<128x64xi1>, vector<128x64xi32>
      %jit3A_909 = arith.constant 81 : i32
      %broadcast_in_dim3A_910 = vector.broadcast %jit3A_909 : i32 to vector<128x64xi32>
      %broadcast_in_dim3A_911 = vector.broadcast %scan3A : i32 to vector<128x64xi32>
      %select_n3A_912 = arith.select %eq3A_540, %broadcast_in_dim3A_910, %broadcast_in_dim3A_911 : vector<128x64xi1>, vector<128x64xi32>
      %jit3A_913 = arith.constant 82 : i32
      %broadcast_in_dim3A_914 = vector.broadcast %jit3A_913 : i32 to vector<128x64xi32>
      %broadcast_in_dim3A_915 = vector.broadcast %scan3A : i32 to vector<128x64xi32>
      %select_n3A_916 = arith.select %eq3A_541, %broadcast_in_dim3A_914, %broadcast_in_dim3A_915 : vector<128x64xi1>, vector<128x64xi32>
      %jit3A_917 = arith.constant 83 : i32
      %broadcast_in_dim3A_918 = vector.broadcast %jit3A_917 : i32 to vector<128x64xi32>
      %broadcast_in_dim3A_919 = vector.broadcast %scan3A : i32 to vector<128x64xi32>
      %select_n3A_920 = arith.select %eq3A_542, %broadcast_in_dim3A_918, %broadcast_in_dim3A_919 : vector<128x64xi1>, vector<128x64xi32>
      %jit3A_921 = arith.constant 84 : i32
      %broadcast_in_dim3A_922 = vector.broadcast %jit3A_921 : i32 to vector<128x64xi32>
      %broadcast_in_dim3A_923 = vector.broadcast %scan3A : i32 to vector<128x64xi32>
      %select_n3A_924 = arith.select %eq3A_543, %broadcast_in_dim3A_922, %broadcast_in_dim3A_923 : vector<128x64xi1>, vector<128x64xi32>
      %jit3A_925 = arith.constant 85 : i32
      %broadcast_in_dim3A_926 = vector.broadcast %jit3A_925 : i32 to vector<128x64xi32>
      %broadcast_in_dim3A_927 = vector.broadcast %scan3A : i32 to vector<128x64xi32>
      %select_n3A_928 = arith.select %eq3A_544, %broadcast_in_dim3A_926, %broadcast_in_dim3A_927 : vector<128x64xi1>, vector<128x64xi32>
      %jit3A_929 = arith.constant 86 : i32
      %broadcast_in_dim3A_930 = vector.broadcast %jit3A_929 : i32 to vector<128x64xi32>
      %broadcast_in_dim3A_931 = vector.broadcast %scan3A : i32 to vector<128x64xi32>
      %select_n3A_932 = arith.select %eq3A_545, %broadcast_in_dim3A_930, %broadcast_in_dim3A_931 : vector<128x64xi1>, vector<128x64xi32>
      %jit3A_933 = arith.constant 87 : i32
      %broadcast_in_dim3A_934 = vector.broadcast %jit3A_933 : i32 to vector<128x64xi32>
      %broadcast_in_dim3A_935 = vector.broadcast %scan3A : i32 to vector<128x64xi32>
      %select_n3A_936 = arith.select %eq3A_546, %broadcast_in_dim3A_934, %broadcast_in_dim3A_935 : vector<128x64xi1>, vector<128x64xi32>
      %jit3A_937 = arith.constant 88 : i32
      %broadcast_in_dim3A_938 = vector.broadcast %jit3A_937 : i32 to vector<128x64xi32>
      %broadcast_in_dim3A_939 = vector.broadcast %scan3A : i32 to vector<128x64xi32>
      %select_n3A_940 = arith.select %eq3A_547, %broadcast_in_dim3A_938, %broadcast_in_dim3A_939 : vector<128x64xi1>, vector<128x64xi32>
      %jit3A_941 = arith.constant 89 : i32
      %broadcast_in_dim3A_942 = vector.broadcast %jit3A_941 : i32 to vector<128x64xi32>
      %broadcast_in_dim3A_943 = vector.broadcast %scan3A : i32 to vector<128x64xi32>
      %select_n3A_944 = arith.select %eq3A_548, %broadcast_in_dim3A_942, %broadcast_in_dim3A_943 : vector<128x64xi1>, vector<128x64xi32>
      %jit3A_945 = arith.constant 90 : i32
      %broadcast_in_dim3A_946 = vector.broadcast %jit3A_945 : i32 to vector<128x64xi32>
      %broadcast_in_dim3A_947 = vector.broadcast %scan3A : i32 to vector<128x64xi32>
      %select_n3A_948 = arith.select %eq3A_549, %broadcast_in_dim3A_946, %broadcast_in_dim3A_947 : vector<128x64xi1>, vector<128x64xi32>
      %jit3A_949 = arith.constant 91 : i32
      %broadcast_in_dim3A_950 = vector.broadcast %jit3A_949 : i32 to vector<128x64xi32>
      %broadcast_in_dim3A_951 = vector.broadcast %scan3A : i32 to vector<128x64xi32>
      %select_n3A_952 = arith.select %eq3A_550, %broadcast_in_dim3A_950, %broadcast_in_dim3A_951 : vector<128x64xi1>, vector<128x64xi32>
      %jit3A_953 = arith.constant 92 : i32
      %broadcast_in_dim3A_954 = vector.broadcast %jit3A_953 : i32 to vector<128x64xi32>
      %broadcast_in_dim3A_955 = vector.broadcast %scan3A : i32 to vector<128x64xi32>
      %select_n3A_956 = arith.select %eq3A_551, %broadcast_in_dim3A_954, %broadcast_in_dim3A_955 : vector<128x64xi1>, vector<128x64xi32>
      %jit3A_957 = arith.constant 93 : i32
      %broadcast_in_dim3A_958 = vector.broadcast %jit3A_957 : i32 to vector<128x64xi32>
      %broadcast_in_dim3A_959 = vector.broadcast %scan3A : i32 to vector<128x64xi32>
      %select_n3A_960 = arith.select %eq3A_552, %broadcast_in_dim3A_958, %broadcast_in_dim3A_959 : vector<128x64xi1>, vector<128x64xi32>
      %jit3A_961 = arith.constant 94 : i32
      %broadcast_in_dim3A_962 = vector.broadcast %jit3A_961 : i32 to vector<128x64xi32>
      %broadcast_in_dim3A_963 = vector.broadcast %scan3A : i32 to vector<128x64xi32>
      %select_n3A_964 = arith.select %eq3A_553, %broadcast_in_dim3A_962, %broadcast_in_dim3A_963 : vector<128x64xi1>, vector<128x64xi32>
      %jit3A_965 = arith.constant 95 : i32
      %broadcast_in_dim3A_966 = vector.broadcast %jit3A_965 : i32 to vector<128x64xi32>
      %broadcast_in_dim3A_967 = vector.broadcast %scan3A : i32 to vector<128x64xi32>
      %select_n3A_968 = arith.select %eq3A_554, %broadcast_in_dim3A_966, %broadcast_in_dim3A_967 : vector<128x64xi1>, vector<128x64xi32>
      %jit3A_969 = arith.constant 96 : i32
      %broadcast_in_dim3A_970 = vector.broadcast %jit3A_969 : i32 to vector<128x64xi32>
      %broadcast_in_dim3A_971 = vector.broadcast %scan3A : i32 to vector<128x64xi32>
      %select_n3A_972 = arith.select %eq3A_555, %broadcast_in_dim3A_970, %broadcast_in_dim3A_971 : vector<128x64xi1>, vector<128x64xi32>
      %jit3A_973 = arith.constant 97 : i32
      %broadcast_in_dim3A_974 = vector.broadcast %jit3A_973 : i32 to vector<128x64xi32>
      %broadcast_in_dim3A_975 = vector.broadcast %scan3A : i32 to vector<128x64xi32>
      %select_n3A_976 = arith.select %eq3A_556, %broadcast_in_dim3A_974, %broadcast_in_dim3A_975 : vector<128x64xi1>, vector<128x64xi32>
      %jit3A_977 = arith.constant 98 : i32
      %broadcast_in_dim3A_978 = vector.broadcast %jit3A_977 : i32 to vector<128x64xi32>
      %broadcast_in_dim3A_979 = vector.broadcast %scan3A : i32 to vector<128x64xi32>
      %select_n3A_980 = arith.select %eq3A_557, %broadcast_in_dim3A_978, %broadcast_in_dim3A_979 : vector<128x64xi1>, vector<128x64xi32>
      %jit3A_981 = arith.constant 99 : i32
      %broadcast_in_dim3A_982 = vector.broadcast %jit3A_981 : i32 to vector<128x64xi32>
      %broadcast_in_dim3A_983 = vector.broadcast %scan3A : i32 to vector<128x64xi32>
      %select_n3A_984 = arith.select %eq3A_558, %broadcast_in_dim3A_982, %broadcast_in_dim3A_983 : vector<128x64xi1>, vector<128x64xi32>
      %jit3A_985 = arith.constant 100 : i32
      %broadcast_in_dim3A_986 = vector.broadcast %jit3A_985 : i32 to vector<128x64xi32>
      %broadcast_in_dim3A_987 = vector.broadcast %scan3A : i32 to vector<128x64xi32>
      %select_n3A_988 = arith.select %eq3A_559, %broadcast_in_dim3A_986, %broadcast_in_dim3A_987 : vector<128x64xi1>, vector<128x64xi32>
      %jit3A_989 = arith.constant 101 : i32
      %broadcast_in_dim3A_990 = vector.broadcast %jit3A_989 : i32 to vector<128x64xi32>
      %broadcast_in_dim3A_991 = vector.broadcast %scan3A : i32 to vector<128x64xi32>
      %select_n3A_992 = arith.select %eq3A_560, %broadcast_in_dim3A_990, %broadcast_in_dim3A_991 : vector<128x64xi1>, vector<128x64xi32>
      %jit3A_993 = arith.constant 102 : i32
      %broadcast_in_dim3A_994 = vector.broadcast %jit3A_993 : i32 to vector<128x64xi32>
      %broadcast_in_dim3A_995 = vector.broadcast %scan3A : i32 to vector<128x64xi32>
      %select_n3A_996 = arith.select %eq3A_561, %broadcast_in_dim3A_994, %broadcast_in_dim3A_995 : vector<128x64xi1>, vector<128x64xi32>
      %jit3A_997 = arith.constant 103 : i32
      %broadcast_in_dim3A_998 = vector.broadcast %jit3A_997 : i32 to vector<128x64xi32>
      %broadcast_in_dim3A_999 = vector.broadcast %scan3A : i32 to vector<128x64xi32>
      %select_n3A_1000 = arith.select %eq3A_562, %broadcast_in_dim3A_998, %broadcast_in_dim3A_999 : vector<128x64xi1>, vector<128x64xi32>
      %jit3A_1001 = arith.constant 104 : i32
      %broadcast_in_dim3A_1002 = vector.broadcast %jit3A_1001 : i32 to vector<128x64xi32>
      %broadcast_in_dim3A_1003 = vector.broadcast %scan3A : i32 to vector<128x64xi32>
      %select_n3A_1004 = arith.select %eq3A_563, %broadcast_in_dim3A_1002, %broadcast_in_dim3A_1003 : vector<128x64xi1>, vector<128x64xi32>
      %jit3A_1005 = arith.constant 105 : i32
      %broadcast_in_dim3A_1006 = vector.broadcast %jit3A_1005 : i32 to vector<128x64xi32>
      %broadcast_in_dim3A_1007 = vector.broadcast %scan3A : i32 to vector<128x64xi32>
      %select_n3A_1008 = arith.select %eq3A_564, %broadcast_in_dim3A_1006, %broadcast_in_dim3A_1007 : vector<128x64xi1>, vector<128x64xi32>
      %jit3A_1009 = arith.constant 106 : i32
      %broadcast_in_dim3A_1010 = vector.broadcast %jit3A_1009 : i32 to vector<128x64xi32>
      %broadcast_in_dim3A_1011 = vector.broadcast %scan3A : i32 to vector<128x64xi32>
      %select_n3A_1012 = arith.select %eq3A_565, %broadcast_in_dim3A_1010, %broadcast_in_dim3A_1011 : vector<128x64xi1>, vector<128x64xi32>
      %jit3A_1013 = arith.constant 107 : i32
      %broadcast_in_dim3A_1014 = vector.broadcast %jit3A_1013 : i32 to vector<128x64xi32>
      %broadcast_in_dim3A_1015 = vector.broadcast %scan3A : i32 to vector<128x64xi32>
      %select_n3A_1016 = arith.select %eq3A_566, %broadcast_in_dim3A_1014, %broadcast_in_dim3A_1015 : vector<128x64xi1>, vector<128x64xi32>
      %jit3A_1017 = arith.constant 108 : i32
      %broadcast_in_dim3A_1018 = vector.broadcast %jit3A_1017 : i32 to vector<128x64xi32>
      %broadcast_in_dim3A_1019 = vector.broadcast %scan3A : i32 to vector<128x64xi32>
      %select_n3A_1020 = arith.select %eq3A_567, %broadcast_in_dim3A_1018, %broadcast_in_dim3A_1019 : vector<128x64xi1>, vector<128x64xi32>
      %jit3A_1021 = arith.constant 109 : i32
      %broadcast_in_dim3A_1022 = vector.broadcast %jit3A_1021 : i32 to vector<128x64xi32>
      %broadcast_in_dim3A_1023 = vector.broadcast %scan3A : i32 to vector<128x64xi32>
      %select_n3A_1024 = arith.select %eq3A_568, %broadcast_in_dim3A_1022, %broadcast_in_dim3A_1023 : vector<128x64xi1>, vector<128x64xi32>
      %jit3A_1025 = arith.constant 110 : i32
      %broadcast_in_dim3A_1026 = vector.broadcast %jit3A_1025 : i32 to vector<128x64xi32>
      %broadcast_in_dim3A_1027 = vector.broadcast %scan3A : i32 to vector<128x64xi32>
      %select_n3A_1028 = arith.select %eq3A_569, %broadcast_in_dim3A_1026, %broadcast_in_dim3A_1027 : vector<128x64xi1>, vector<128x64xi32>
      %jit3A_1029 = arith.constant 111 : i32
      %broadcast_in_dim3A_1030 = vector.broadcast %jit3A_1029 : i32 to vector<128x64xi32>
      %broadcast_in_dim3A_1031 = vector.broadcast %scan3A : i32 to vector<128x64xi32>
      %select_n3A_1032 = arith.select %eq3A_570, %broadcast_in_dim3A_1030, %broadcast_in_dim3A_1031 : vector<128x64xi1>, vector<128x64xi32>
      %jit3A_1033 = arith.constant 112 : i32
      %broadcast_in_dim3A_1034 = vector.broadcast %jit3A_1033 : i32 to vector<128x64xi32>
      %broadcast_in_dim3A_1035 = vector.broadcast %scan3A : i32 to vector<128x64xi32>
      %select_n3A_1036 = arith.select %eq3A_571, %broadcast_in_dim3A_1034, %broadcast_in_dim3A_1035 : vector<128x64xi1>, vector<128x64xi32>
      %jit3A_1037 = arith.constant 113 : i32
      %broadcast_in_dim3A_1038 = vector.broadcast %jit3A_1037 : i32 to vector<128x64xi32>
      %broadcast_in_dim3A_1039 = vector.broadcast %scan3A : i32 to vector<128x64xi32>
      %select_n3A_1040 = arith.select %eq3A_572, %broadcast_in_dim3A_1038, %broadcast_in_dim3A_1039 : vector<128x64xi1>, vector<128x64xi32>
      %jit3A_1041 = arith.constant 114 : i32
      %broadcast_in_dim3A_1042 = vector.broadcast %jit3A_1041 : i32 to vector<128x64xi32>
      %broadcast_in_dim3A_1043 = vector.broadcast %scan3A : i32 to vector<128x64xi32>
      %select_n3A_1044 = arith.select %eq3A_573, %broadcast_in_dim3A_1042, %broadcast_in_dim3A_1043 : vector<128x64xi1>, vector<128x64xi32>
      %jit3A_1045 = arith.constant 115 : i32
      %broadcast_in_dim3A_1046 = vector.broadcast %jit3A_1045 : i32 to vector<128x64xi32>
      %broadcast_in_dim3A_1047 = vector.broadcast %scan3A : i32 to vector<128x64xi32>
      %select_n3A_1048 = arith.select %eq3A_574, %broadcast_in_dim3A_1046, %broadcast_in_dim3A_1047 : vector<128x64xi1>, vector<128x64xi32>
      %jit3A_1049 = arith.constant 116 : i32
      %broadcast_in_dim3A_1050 = vector.broadcast %jit3A_1049 : i32 to vector<128x64xi32>
      %broadcast_in_dim3A_1051 = vector.broadcast %scan3A : i32 to vector<128x64xi32>
      %select_n3A_1052 = arith.select %eq3A_575, %broadcast_in_dim3A_1050, %broadcast_in_dim3A_1051 : vector<128x64xi1>, vector<128x64xi32>
      %jit3A_1053 = arith.constant 117 : i32
      %broadcast_in_dim3A_1054 = vector.broadcast %jit3A_1053 : i32 to vector<128x64xi32>
      %broadcast_in_dim3A_1055 = vector.broadcast %scan3A : i32 to vector<128x64xi32>
      %select_n3A_1056 = arith.select %eq3A_576, %broadcast_in_dim3A_1054, %broadcast_in_dim3A_1055 : vector<128x64xi1>, vector<128x64xi32>
      %jit3A_1057 = arith.constant 118 : i32
      %broadcast_in_dim3A_1058 = vector.broadcast %jit3A_1057 : i32 to vector<128x64xi32>
      %broadcast_in_dim3A_1059 = vector.broadcast %scan3A : i32 to vector<128x64xi32>
      %select_n3A_1060 = arith.select %eq3A_577, %broadcast_in_dim3A_1058, %broadcast_in_dim3A_1059 : vector<128x64xi1>, vector<128x64xi32>
      %jit3A_1061 = arith.constant 119 : i32
      %broadcast_in_dim3A_1062 = vector.broadcast %jit3A_1061 : i32 to vector<128x64xi32>
      %broadcast_in_dim3A_1063 = vector.broadcast %scan3A : i32 to vector<128x64xi32>
      %select_n3A_1064 = arith.select %eq3A_578, %broadcast_in_dim3A_1062, %broadcast_in_dim3A_1063 : vector<128x64xi1>, vector<128x64xi32>
      %jit3A_1065 = arith.constant 120 : i32
      %broadcast_in_dim3A_1066 = vector.broadcast %jit3A_1065 : i32 to vector<128x64xi32>
      %broadcast_in_dim3A_1067 = vector.broadcast %scan3A : i32 to vector<128x64xi32>
      %select_n3A_1068 = arith.select %eq3A_579, %broadcast_in_dim3A_1066, %broadcast_in_dim3A_1067 : vector<128x64xi1>, vector<128x64xi32>
      %jit3A_1069 = arith.constant 121 : i32
      %broadcast_in_dim3A_1070 = vector.broadcast %jit3A_1069 : i32 to vector<128x64xi32>
      %broadcast_in_dim3A_1071 = vector.broadcast %scan3A : i32 to vector<128x64xi32>
      %select_n3A_1072 = arith.select %eq3A_580, %broadcast_in_dim3A_1070, %broadcast_in_dim3A_1071 : vector<128x64xi1>, vector<128x64xi32>
      %jit3A_1073 = arith.constant 122 : i32
      %broadcast_in_dim3A_1074 = vector.broadcast %jit3A_1073 : i32 to vector<128x64xi32>
      %broadcast_in_dim3A_1075 = vector.broadcast %scan3A : i32 to vector<128x64xi32>
      %select_n3A_1076 = arith.select %eq3A_581, %broadcast_in_dim3A_1074, %broadcast_in_dim3A_1075 : vector<128x64xi1>, vector<128x64xi32>
      %jit3A_1077 = arith.constant 123 : i32
      %broadcast_in_dim3A_1078 = vector.broadcast %jit3A_1077 : i32 to vector<128x64xi32>
      %broadcast_in_dim3A_1079 = vector.broadcast %scan3A : i32 to vector<128x64xi32>
      %select_n3A_1080 = arith.select %eq3A_582, %broadcast_in_dim3A_1078, %broadcast_in_dim3A_1079 : vector<128x64xi1>, vector<128x64xi32>
      %jit3A_1081 = arith.constant 124 : i32
      %broadcast_in_dim3A_1082 = vector.broadcast %jit3A_1081 : i32 to vector<128x64xi32>
      %broadcast_in_dim3A_1083 = vector.broadcast %scan3A : i32 to vector<128x64xi32>
      %select_n3A_1084 = arith.select %eq3A_583, %broadcast_in_dim3A_1082, %broadcast_in_dim3A_1083 : vector<128x64xi1>, vector<128x64xi32>
      %jit3A_1085 = arith.constant 125 : i32
      %broadcast_in_dim3A_1086 = vector.broadcast %jit3A_1085 : i32 to vector<128x64xi32>
      %broadcast_in_dim3A_1087 = vector.broadcast %scan3A : i32 to vector<128x64xi32>
      %select_n3A_1088 = arith.select %eq3A_584, %broadcast_in_dim3A_1086, %broadcast_in_dim3A_1087 : vector<128x64xi1>, vector<128x64xi32>
      %jit3A_1089 = arith.constant 126 : i32
      %broadcast_in_dim3A_1090 = vector.broadcast %jit3A_1089 : i32 to vector<128x64xi32>
      %broadcast_in_dim3A_1091 = vector.broadcast %scan3A : i32 to vector<128x64xi32>
      %select_n3A_1092 = arith.select %eq3A_585, %broadcast_in_dim3A_1090, %broadcast_in_dim3A_1091 : vector<128x64xi1>, vector<128x64xi32>
      %jit3A_1093 = arith.constant 127 : i32
      %broadcast_in_dim3A_1094 = vector.broadcast %jit3A_1093 : i32 to vector<128x64xi32>
      %broadcast_in_dim3A_1095 = vector.broadcast %scan3A : i32 to vector<128x64xi32>
      %select_n3A_1096 = arith.select %eq3A_586, %broadcast_in_dim3A_1094, %broadcast_in_dim3A_1095 : vector<128x64xi1>, vector<128x64xi32>
      %min3A_1097 = arith.minsi %select_n3A, %select_n3A_592 : vector<128x64xi32>
      %min3A_1098 = arith.minsi %select_n3A_596, %select_n3A_600 : vector<128x64xi32>
      %min3A_1099 = arith.minsi %select_n3A_604, %select_n3A_608 : vector<128x64xi32>
      %min3A_1100 = arith.minsi %select_n3A_612, %select_n3A_616 : vector<128x64xi32>
      %min3A_1101 = arith.minsi %select_n3A_620, %select_n3A_624 : vector<128x64xi32>
      %min3A_1102 = arith.minsi %select_n3A_628, %select_n3A_632 : vector<128x64xi32>
      %min3A_1103 = arith.minsi %select_n3A_636, %select_n3A_640 : vector<128x64xi32>
      %min3A_1104 = arith.minsi %select_n3A_644, %select_n3A_648 : vector<128x64xi32>
      %min3A_1105 = arith.minsi %select_n3A_652, %select_n3A_656 : vector<128x64xi32>
      %min3A_1106 = arith.minsi %select_n3A_660, %select_n3A_664 : vector<128x64xi32>
      %min3A_1107 = arith.minsi %select_n3A_668, %select_n3A_672 : vector<128x64xi32>
      %min3A_1108 = arith.minsi %select_n3A_676, %select_n3A_680 : vector<128x64xi32>
      %min3A_1109 = arith.minsi %select_n3A_684, %select_n3A_688 : vector<128x64xi32>
      %min3A_1110 = arith.minsi %select_n3A_692, %select_n3A_696 : vector<128x64xi32>
      %min3A_1111 = arith.minsi %select_n3A_700, %select_n3A_704 : vector<128x64xi32>
      %min3A_1112 = arith.minsi %select_n3A_708, %select_n3A_712 : vector<128x64xi32>
      %min3A_1113 = arith.minsi %select_n3A_716, %select_n3A_720 : vector<128x64xi32>
      %min3A_1114 = arith.minsi %select_n3A_724, %select_n3A_728 : vector<128x64xi32>
      %min3A_1115 = arith.minsi %select_n3A_732, %select_n3A_736 : vector<128x64xi32>
      %min3A_1116 = arith.minsi %select_n3A_740, %select_n3A_744 : vector<128x64xi32>
      %min3A_1117 = arith.minsi %select_n3A_748, %select_n3A_752 : vector<128x64xi32>
      %min3A_1118 = arith.minsi %select_n3A_756, %select_n3A_760 : vector<128x64xi32>
      %min3A_1119 = arith.minsi %select_n3A_764, %select_n3A_768 : vector<128x64xi32>
      %min3A_1120 = arith.minsi %select_n3A_772, %select_n3A_776 : vector<128x64xi32>
      %min3A_1121 = arith.minsi %select_n3A_780, %select_n3A_784 : vector<128x64xi32>
      %min3A_1122 = arith.minsi %select_n3A_788, %select_n3A_792 : vector<128x64xi32>
      %min3A_1123 = arith.minsi %select_n3A_796, %select_n3A_800 : vector<128x64xi32>
      %min3A_1124 = arith.minsi %select_n3A_804, %select_n3A_808 : vector<128x64xi32>
      %min3A_1125 = arith.minsi %select_n3A_812, %select_n3A_816 : vector<128x64xi32>
      %min3A_1126 = arith.minsi %select_n3A_820, %select_n3A_824 : vector<128x64xi32>
      %min3A_1127 = arith.minsi %select_n3A_828, %select_n3A_832 : vector<128x64xi32>
      %min3A_1128 = arith.minsi %select_n3A_836, %select_n3A_840 : vector<128x64xi32>
      %min3A_1129 = arith.minsi %select_n3A_844, %select_n3A_848 : vector<128x64xi32>
      %min3A_1130 = arith.minsi %select_n3A_852, %select_n3A_856 : vector<128x64xi32>
      %min3A_1131 = arith.minsi %select_n3A_860, %select_n3A_864 : vector<128x64xi32>
      %min3A_1132 = arith.minsi %select_n3A_868, %select_n3A_872 : vector<128x64xi32>
      %min3A_1133 = arith.minsi %select_n3A_876, %select_n3A_880 : vector<128x64xi32>
      %min3A_1134 = arith.minsi %select_n3A_884, %select_n3A_888 : vector<128x64xi32>
      %min3A_1135 = arith.minsi %select_n3A_892, %select_n3A_896 : vector<128x64xi32>
      %min3A_1136 = arith.minsi %select_n3A_900, %select_n3A_904 : vector<128x64xi32>
      %min3A_1137 = arith.minsi %select_n3A_908, %select_n3A_912 : vector<128x64xi32>
      %min3A_1138 = arith.minsi %select_n3A_916, %select_n3A_920 : vector<128x64xi32>
      %min3A_1139 = arith.minsi %select_n3A_924, %select_n3A_928 : vector<128x64xi32>
      %min3A_1140 = arith.minsi %select_n3A_932, %select_n3A_936 : vector<128x64xi32>
      %min3A_1141 = arith.minsi %select_n3A_940, %select_n3A_944 : vector<128x64xi32>
      %min3A_1142 = arith.minsi %select_n3A_948, %select_n3A_952 : vector<128x64xi32>
      %min3A_1143 = arith.minsi %select_n3A_956, %select_n3A_960 : vector<128x64xi32>
      %min3A_1144 = arith.minsi %select_n3A_964, %select_n3A_968 : vector<128x64xi32>
      %min3A_1145 = arith.minsi %select_n3A_972, %select_n3A_976 : vector<128x64xi32>
      %min3A_1146 = arith.minsi %select_n3A_980, %select_n3A_984 : vector<128x64xi32>
      %min3A_1147 = arith.minsi %select_n3A_988, %select_n3A_992 : vector<128x64xi32>
      %min3A_1148 = arith.minsi %select_n3A_996, %select_n3A_1000 : vector<128x64xi32>
      %min3A_1149 = arith.minsi %select_n3A_1004, %select_n3A_1008 : vector<128x64xi32>
      %min3A_1150 = arith.minsi %select_n3A_1012, %select_n3A_1016 : vector<128x64xi32>
      %min3A_1151 = arith.minsi %select_n3A_1020, %select_n3A_1024 : vector<128x64xi32>
      %min3A_1152 = arith.minsi %select_n3A_1028, %select_n3A_1032 : vector<128x64xi32>
      %min3A_1153 = arith.minsi %select_n3A_1036, %select_n3A_1040 : vector<128x64xi32>
      %min3A_1154 = arith.minsi %select_n3A_1044, %select_n3A_1048 : vector<128x64xi32>
      %min3A_1155 = arith.minsi %select_n3A_1052, %select_n3A_1056 : vector<128x64xi32>
      %min3A_1156 = arith.minsi %select_n3A_1060, %select_n3A_1064 : vector<128x64xi32>
      %min3A_1157 = arith.minsi %select_n3A_1068, %select_n3A_1072 : vector<128x64xi32>
      %min3A_1158 = arith.minsi %select_n3A_1076, %select_n3A_1080 : vector<128x64xi32>
      %min3A_1159 = arith.minsi %select_n3A_1084, %select_n3A_1088 : vector<128x64xi32>
      %min3A_1160 = arith.minsi %select_n3A_1092, %select_n3A_1096 : vector<128x64xi32>
      %min3A_1161 = arith.minsi %min3A_1097, %min3A_1098 : vector<128x64xi32>
      %min3A_1162 = arith.minsi %min3A_1099, %min3A_1100 : vector<128x64xi32>
      %min3A_1163 = arith.minsi %min3A_1101, %min3A_1102 : vector<128x64xi32>
      %min3A_1164 = arith.minsi %min3A_1103, %min3A_1104 : vector<128x64xi32>
      %min3A_1165 = arith.minsi %min3A_1105, %min3A_1106 : vector<128x64xi32>
      %min3A_1166 = arith.minsi %min3A_1107, %min3A_1108 : vector<128x64xi32>
      %min3A_1167 = arith.minsi %min3A_1109, %min3A_1110 : vector<128x64xi32>
      %min3A_1168 = arith.minsi %min3A_1111, %min3A_1112 : vector<128x64xi32>
      %min3A_1169 = arith.minsi %min3A_1113, %min3A_1114 : vector<128x64xi32>
      %min3A_1170 = arith.minsi %min3A_1115, %min3A_1116 : vector<128x64xi32>
      %min3A_1171 = arith.minsi %min3A_1117, %min3A_1118 : vector<128x64xi32>
      %min3A_1172 = arith.minsi %min3A_1119, %min3A_1120 : vector<128x64xi32>
      %min3A_1173 = arith.minsi %min3A_1121, %min3A_1122 : vector<128x64xi32>
      %min3A_1174 = arith.minsi %min3A_1123, %min3A_1124 : vector<128x64xi32>
      %min3A_1175 = arith.minsi %min3A_1125, %min3A_1126 : vector<128x64xi32>
      %min3A_1176 = arith.minsi %min3A_1127, %min3A_1128 : vector<128x64xi32>
      %min3A_1177 = arith.minsi %min3A_1129, %min3A_1130 : vector<128x64xi32>
      %min3A_1178 = arith.minsi %min3A_1131, %min3A_1132 : vector<128x64xi32>
      %min3A_1179 = arith.minsi %min3A_1133, %min3A_1134 : vector<128x64xi32>
      %min3A_1180 = arith.minsi %min3A_1135, %min3A_1136 : vector<128x64xi32>
      %min3A_1181 = arith.minsi %min3A_1137, %min3A_1138 : vector<128x64xi32>
      %min3A_1182 = arith.minsi %min3A_1139, %min3A_1140 : vector<128x64xi32>
      %min3A_1183 = arith.minsi %min3A_1141, %min3A_1142 : vector<128x64xi32>
      %min3A_1184 = arith.minsi %min3A_1143, %min3A_1144 : vector<128x64xi32>
      %min3A_1185 = arith.minsi %min3A_1145, %min3A_1146 : vector<128x64xi32>
      %min3A_1186 = arith.minsi %min3A_1147, %min3A_1148 : vector<128x64xi32>
      %min3A_1187 = arith.minsi %min3A_1149, %min3A_1150 : vector<128x64xi32>
      %min3A_1188 = arith.minsi %min3A_1151, %min3A_1152 : vector<128x64xi32>
      %min3A_1189 = arith.minsi %min3A_1153, %min3A_1154 : vector<128x64xi32>
      %min3A_1190 = arith.minsi %min3A_1155, %min3A_1156 : vector<128x64xi32>
      %min3A_1191 = arith.minsi %min3A_1157, %min3A_1158 : vector<128x64xi32>
      %min3A_1192 = arith.minsi %min3A_1159, %min3A_1160 : vector<128x64xi32>
      %min3A_1193 = arith.minsi %min3A_1161, %min3A_1162 : vector<128x64xi32>
      %min3A_1194 = arith.minsi %min3A_1163, %min3A_1164 : vector<128x64xi32>
      %min3A_1195 = arith.minsi %min3A_1165, %min3A_1166 : vector<128x64xi32>
      %min3A_1196 = arith.minsi %min3A_1167, %min3A_1168 : vector<128x64xi32>
      %min3A_1197 = arith.minsi %min3A_1169, %min3A_1170 : vector<128x64xi32>
      %min3A_1198 = arith.minsi %min3A_1171, %min3A_1172 : vector<128x64xi32>
      %min3A_1199 = arith.minsi %min3A_1173, %min3A_1174 : vector<128x64xi32>
      %min3A_1200 = arith.minsi %min3A_1175, %min3A_1176 : vector<128x64xi32>
      %min3A_1201 = arith.minsi %min3A_1177, %min3A_1178 : vector<128x64xi32>
      %min3A_1202 = arith.minsi %min3A_1179, %min3A_1180 : vector<128x64xi32>
      %min3A_1203 = arith.minsi %min3A_1181, %min3A_1182 : vector<128x64xi32>
      %min3A_1204 = arith.minsi %min3A_1183, %min3A_1184 : vector<128x64xi32>
      %min3A_1205 = arith.minsi %min3A_1185, %min3A_1186 : vector<128x64xi32>
      %min3A_1206 = arith.minsi %min3A_1187, %min3A_1188 : vector<128x64xi32>
      %min3A_1207 = arith.minsi %min3A_1189, %min3A_1190 : vector<128x64xi32>
      %min3A_1208 = arith.minsi %min3A_1191, %min3A_1192 : vector<128x64xi32>
      %min3A_1209 = arith.minsi %min3A_1193, %min3A_1194 : vector<128x64xi32>
      %min3A_1210 = arith.minsi %min3A_1195, %min3A_1196 : vector<128x64xi32>
      %min3A_1211 = arith.minsi %min3A_1197, %min3A_1198 : vector<128x64xi32>
      %min3A_1212 = arith.minsi %min3A_1199, %min3A_1200 : vector<128x64xi32>
      %min3A_1213 = arith.minsi %min3A_1201, %min3A_1202 : vector<128x64xi32>
      %min3A_1214 = arith.minsi %min3A_1203, %min3A_1204 : vector<128x64xi32>
      %min3A_1215 = arith.minsi %min3A_1205, %min3A_1206 : vector<128x64xi32>
      %min3A_1216 = arith.minsi %min3A_1207, %min3A_1208 : vector<128x64xi32>
      %min3A_1217 = arith.minsi %min3A_1209, %min3A_1210 : vector<128x64xi32>
      %min3A_1218 = arith.minsi %min3A_1211, %min3A_1212 : vector<128x64xi32>
      %min3A_1219 = arith.minsi %min3A_1213, %min3A_1214 : vector<128x64xi32>
      %min3A_1220 = arith.minsi %min3A_1215, %min3A_1216 : vector<128x64xi32>
      %min3A_1221 = arith.minsi %min3A_1217, %min3A_1218 : vector<128x64xi32>
      %min3A_1222 = arith.minsi %min3A_1219, %min3A_1220 : vector<128x64xi32>
      %min3A_1223 = arith.minsi %min3A_1221, %min3A_1222 : vector<128x64xi32>
      %eq3A_1224 = arith.constant 0 : i32
      %eq3A_1225 = vector.broadcast %eq3A_1224 : i32 to vector<128x64xi32>
      %eq3A_1226 = arith.cmpi eq, %min3A_1223, %eq3A_1225 : vector<128x64xi32>
      %and3A = arith.andi %eq3A_1226, %eq3A : vector<128x64xi1>
      %jit3A_1227 = arith.constant 0x7F800000 : f32
      %broadcast_in_dim3A_1228 = vector.broadcast %jit3A_1227 : f32 to vector<128x64xf32>
      %select_n3A_1229 = arith.select %and3A, %broadcast_in_dim3A_1228, %scan3A_204 : vector<128x64xi1>, vector<128x64xf32>
      %eq3A_1230 = arith.constant 1 : i32
      %eq3A_1231 = vector.broadcast %eq3A_1230 : i32 to vector<128x64xi32>
      %eq3A_1232 = arith.cmpi eq, %min3A_1223, %eq3A_1231 : vector<128x64xi32>
      %and3A_1233 = arith.andi %eq3A_1232, %eq3A_460 : vector<128x64xi1>
      %jit3A_1234 = arith.constant 0x7F800000 : f32
      %broadcast_in_dim3A_1235 = vector.broadcast %jit3A_1234 : f32 to vector<128x64xf32>
      %select_n3A_1236 = arith.select %and3A_1233, %broadcast_in_dim3A_1235, %scan3A_205 : vector<128x64xi1>, vector<128x64xf32>
      %eq3A_1237 = arith.constant 2 : i32
      %eq3A_1238 = vector.broadcast %eq3A_1237 : i32 to vector<128x64xi32>
      %eq3A_1239 = arith.cmpi eq, %min3A_1223, %eq3A_1238 : vector<128x64xi32>
      %and3A_1240 = arith.andi %eq3A_1239, %eq3A_461 : vector<128x64xi1>
      %jit3A_1241 = arith.constant 0x7F800000 : f32
      %broadcast_in_dim3A_1242 = vector.broadcast %jit3A_1241 : f32 to vector<128x64xf32>
      %select_n3A_1243 = arith.select %and3A_1240, %broadcast_in_dim3A_1242, %scan3A_206 : vector<128x64xi1>, vector<128x64xf32>
      %eq3A_1244 = arith.constant 3 : i32
      %eq3A_1245 = vector.broadcast %eq3A_1244 : i32 to vector<128x64xi32>
      %eq3A_1246 = arith.cmpi eq, %min3A_1223, %eq3A_1245 : vector<128x64xi32>
      %and3A_1247 = arith.andi %eq3A_1246, %eq3A_462 : vector<128x64xi1>
      %jit3A_1248 = arith.constant 0x7F800000 : f32
      %broadcast_in_dim3A_1249 = vector.broadcast %jit3A_1248 : f32 to vector<128x64xf32>
      %select_n3A_1250 = arith.select %and3A_1247, %broadcast_in_dim3A_1249, %scan3A_207 : vector<128x64xi1>, vector<128x64xf32>
      %eq3A_1251 = arith.constant 4 : i32
      %eq3A_1252 = vector.broadcast %eq3A_1251 : i32 to vector<128x64xi32>
      %eq3A_1253 = arith.cmpi eq, %min3A_1223, %eq3A_1252 : vector<128x64xi32>
      %and3A_1254 = arith.andi %eq3A_1253, %eq3A_463 : vector<128x64xi1>
      %jit3A_1255 = arith.constant 0x7F800000 : f32
      %broadcast_in_dim3A_1256 = vector.broadcast %jit3A_1255 : f32 to vector<128x64xf32>
      %select_n3A_1257 = arith.select %and3A_1254, %broadcast_in_dim3A_1256, %scan3A_208 : vector<128x64xi1>, vector<128x64xf32>
      %eq3A_1258 = arith.constant 5 : i32
      %eq3A_1259 = vector.broadcast %eq3A_1258 : i32 to vector<128x64xi32>
      %eq3A_1260 = arith.cmpi eq, %min3A_1223, %eq3A_1259 : vector<128x64xi32>
      %and3A_1261 = arith.andi %eq3A_1260, %eq3A_464 : vector<128x64xi1>
      %jit3A_1262 = arith.constant 0x7F800000 : f32
      %broadcast_in_dim3A_1263 = vector.broadcast %jit3A_1262 : f32 to vector<128x64xf32>
      %select_n3A_1264 = arith.select %and3A_1261, %broadcast_in_dim3A_1263, %scan3A_209 : vector<128x64xi1>, vector<128x64xf32>
      %eq3A_1265 = arith.constant 6 : i32
      %eq3A_1266 = vector.broadcast %eq3A_1265 : i32 to vector<128x64xi32>
      %eq3A_1267 = arith.cmpi eq, %min3A_1223, %eq3A_1266 : vector<128x64xi32>
      %and3A_1268 = arith.andi %eq3A_1267, %eq3A_465 : vector<128x64xi1>
      %jit3A_1269 = arith.constant 0x7F800000 : f32
      %broadcast_in_dim3A_1270 = vector.broadcast %jit3A_1269 : f32 to vector<128x64xf32>
      %select_n3A_1271 = arith.select %and3A_1268, %broadcast_in_dim3A_1270, %scan3A_210 : vector<128x64xi1>, vector<128x64xf32>
      %eq3A_1272 = arith.constant 7 : i32
      %eq3A_1273 = vector.broadcast %eq3A_1272 : i32 to vector<128x64xi32>
      %eq3A_1274 = arith.cmpi eq, %min3A_1223, %eq3A_1273 : vector<128x64xi32>
      %and3A_1275 = arith.andi %eq3A_1274, %eq3A_466 : vector<128x64xi1>
      %jit3A_1276 = arith.constant 0x7F800000 : f32
      %broadcast_in_dim3A_1277 = vector.broadcast %jit3A_1276 : f32 to vector<128x64xf32>
      %select_n3A_1278 = arith.select %and3A_1275, %broadcast_in_dim3A_1277, %scan3A_211 : vector<128x64xi1>, vector<128x64xf32>
      %eq3A_1279 = arith.constant 8 : i32
      %eq3A_1280 = vector.broadcast %eq3A_1279 : i32 to vector<128x64xi32>
      %eq3A_1281 = arith.cmpi eq, %min3A_1223, %eq3A_1280 : vector<128x64xi32>
      %and3A_1282 = arith.andi %eq3A_1281, %eq3A_467 : vector<128x64xi1>
      %jit3A_1283 = arith.constant 0x7F800000 : f32
      %broadcast_in_dim3A_1284 = vector.broadcast %jit3A_1283 : f32 to vector<128x64xf32>
      %select_n3A_1285 = arith.select %and3A_1282, %broadcast_in_dim3A_1284, %scan3A_212 : vector<128x64xi1>, vector<128x64xf32>
      %eq3A_1286 = arith.constant 9 : i32
      %eq3A_1287 = vector.broadcast %eq3A_1286 : i32 to vector<128x64xi32>
      %eq3A_1288 = arith.cmpi eq, %min3A_1223, %eq3A_1287 : vector<128x64xi32>
      %and3A_1289 = arith.andi %eq3A_1288, %eq3A_468 : vector<128x64xi1>
      %jit3A_1290 = arith.constant 0x7F800000 : f32
      %broadcast_in_dim3A_1291 = vector.broadcast %jit3A_1290 : f32 to vector<128x64xf32>
      %select_n3A_1292 = arith.select %and3A_1289, %broadcast_in_dim3A_1291, %scan3A_213 : vector<128x64xi1>, vector<128x64xf32>
      %eq3A_1293 = arith.constant 10 : i32
      %eq3A_1294 = vector.broadcast %eq3A_1293 : i32 to vector<128x64xi32>
      %eq3A_1295 = arith.cmpi eq, %min3A_1223, %eq3A_1294 : vector<128x64xi32>
      %and3A_1296 = arith.andi %eq3A_1295, %eq3A_469 : vector<128x64xi1>
      %jit3A_1297 = arith.constant 0x7F800000 : f32
      %broadcast_in_dim3A_1298 = vector.broadcast %jit3A_1297 : f32 to vector<128x64xf32>
      %select_n3A_1299 = arith.select %and3A_1296, %broadcast_in_dim3A_1298, %scan3A_214 : vector<128x64xi1>, vector<128x64xf32>
      %eq3A_1300 = arith.constant 11 : i32
      %eq3A_1301 = vector.broadcast %eq3A_1300 : i32 to vector<128x64xi32>
      %eq3A_1302 = arith.cmpi eq, %min3A_1223, %eq3A_1301 : vector<128x64xi32>
      %and3A_1303 = arith.andi %eq3A_1302, %eq3A_470 : vector<128x64xi1>
      %jit3A_1304 = arith.constant 0x7F800000 : f32
      %broadcast_in_dim3A_1305 = vector.broadcast %jit3A_1304 : f32 to vector<128x64xf32>
      %select_n3A_1306 = arith.select %and3A_1303, %broadcast_in_dim3A_1305, %scan3A_215 : vector<128x64xi1>, vector<128x64xf32>
      %eq3A_1307 = arith.constant 12 : i32
      %eq3A_1308 = vector.broadcast %eq3A_1307 : i32 to vector<128x64xi32>
      %eq3A_1309 = arith.cmpi eq, %min3A_1223, %eq3A_1308 : vector<128x64xi32>
      %and3A_1310 = arith.andi %eq3A_1309, %eq3A_471 : vector<128x64xi1>
      %jit3A_1311 = arith.constant 0x7F800000 : f32
      %broadcast_in_dim3A_1312 = vector.broadcast %jit3A_1311 : f32 to vector<128x64xf32>
      %select_n3A_1313 = arith.select %and3A_1310, %broadcast_in_dim3A_1312, %scan3A_216 : vector<128x64xi1>, vector<128x64xf32>
      %eq3A_1314 = arith.constant 13 : i32
      %eq3A_1315 = vector.broadcast %eq3A_1314 : i32 to vector<128x64xi32>
      %eq3A_1316 = arith.cmpi eq, %min3A_1223, %eq3A_1315 : vector<128x64xi32>
      %and3A_1317 = arith.andi %eq3A_1316, %eq3A_472 : vector<128x64xi1>
      %jit3A_1318 = arith.constant 0x7F800000 : f32
      %broadcast_in_dim3A_1319 = vector.broadcast %jit3A_1318 : f32 to vector<128x64xf32>
      %select_n3A_1320 = arith.select %and3A_1317, %broadcast_in_dim3A_1319, %scan3A_217 : vector<128x64xi1>, vector<128x64xf32>
      %eq3A_1321 = arith.constant 14 : i32
      %eq3A_1322 = vector.broadcast %eq3A_1321 : i32 to vector<128x64xi32>
      %eq3A_1323 = arith.cmpi eq, %min3A_1223, %eq3A_1322 : vector<128x64xi32>
      %and3A_1324 = arith.andi %eq3A_1323, %eq3A_473 : vector<128x64xi1>
      %jit3A_1325 = arith.constant 0x7F800000 : f32
      %broadcast_in_dim3A_1326 = vector.broadcast %jit3A_1325 : f32 to vector<128x64xf32>
      %select_n3A_1327 = arith.select %and3A_1324, %broadcast_in_dim3A_1326, %scan3A_218 : vector<128x64xi1>, vector<128x64xf32>
      %eq3A_1328 = arith.constant 15 : i32
      %eq3A_1329 = vector.broadcast %eq3A_1328 : i32 to vector<128x64xi32>
      %eq3A_1330 = arith.cmpi eq, %min3A_1223, %eq3A_1329 : vector<128x64xi32>
      %and3A_1331 = arith.andi %eq3A_1330, %eq3A_474 : vector<128x64xi1>
      %jit3A_1332 = arith.constant 0x7F800000 : f32
      %broadcast_in_dim3A_1333 = vector.broadcast %jit3A_1332 : f32 to vector<128x64xf32>
      %select_n3A_1334 = arith.select %and3A_1331, %broadcast_in_dim3A_1333, %scan3A_219 : vector<128x64xi1>, vector<128x64xf32>
      %eq3A_1335 = arith.constant 16 : i32
      %eq3A_1336 = vector.broadcast %eq3A_1335 : i32 to vector<128x64xi32>
      %eq3A_1337 = arith.cmpi eq, %min3A_1223, %eq3A_1336 : vector<128x64xi32>
      %and3A_1338 = arith.andi %eq3A_1337, %eq3A_475 : vector<128x64xi1>
      %jit3A_1339 = arith.constant 0x7F800000 : f32
      %broadcast_in_dim3A_1340 = vector.broadcast %jit3A_1339 : f32 to vector<128x64xf32>
      %select_n3A_1341 = arith.select %and3A_1338, %broadcast_in_dim3A_1340, %scan3A_220 : vector<128x64xi1>, vector<128x64xf32>
      %eq3A_1342 = arith.constant 17 : i32
      %eq3A_1343 = vector.broadcast %eq3A_1342 : i32 to vector<128x64xi32>
      %eq3A_1344 = arith.cmpi eq, %min3A_1223, %eq3A_1343 : vector<128x64xi32>
      %and3A_1345 = arith.andi %eq3A_1344, %eq3A_476 : vector<128x64xi1>
      %jit3A_1346 = arith.constant 0x7F800000 : f32
      %broadcast_in_dim3A_1347 = vector.broadcast %jit3A_1346 : f32 to vector<128x64xf32>
      %select_n3A_1348 = arith.select %and3A_1345, %broadcast_in_dim3A_1347, %scan3A_221 : vector<128x64xi1>, vector<128x64xf32>
      %eq3A_1349 = arith.constant 18 : i32
      %eq3A_1350 = vector.broadcast %eq3A_1349 : i32 to vector<128x64xi32>
      %eq3A_1351 = arith.cmpi eq, %min3A_1223, %eq3A_1350 : vector<128x64xi32>
      %and3A_1352 = arith.andi %eq3A_1351, %eq3A_477 : vector<128x64xi1>
      %jit3A_1353 = arith.constant 0x7F800000 : f32
      %broadcast_in_dim3A_1354 = vector.broadcast %jit3A_1353 : f32 to vector<128x64xf32>
      %select_n3A_1355 = arith.select %and3A_1352, %broadcast_in_dim3A_1354, %scan3A_222 : vector<128x64xi1>, vector<128x64xf32>
      %eq3A_1356 = arith.constant 19 : i32
      %eq3A_1357 = vector.broadcast %eq3A_1356 : i32 to vector<128x64xi32>
      %eq3A_1358 = arith.cmpi eq, %min3A_1223, %eq3A_1357 : vector<128x64xi32>
      %and3A_1359 = arith.andi %eq3A_1358, %eq3A_478 : vector<128x64xi1>
      %jit3A_1360 = arith.constant 0x7F800000 : f32
      %broadcast_in_dim3A_1361 = vector.broadcast %jit3A_1360 : f32 to vector<128x64xf32>
      %select_n3A_1362 = arith.select %and3A_1359, %broadcast_in_dim3A_1361, %scan3A_223 : vector<128x64xi1>, vector<128x64xf32>
      %eq3A_1363 = arith.constant 20 : i32
      %eq3A_1364 = vector.broadcast %eq3A_1363 : i32 to vector<128x64xi32>
      %eq3A_1365 = arith.cmpi eq, %min3A_1223, %eq3A_1364 : vector<128x64xi32>
      %and3A_1366 = arith.andi %eq3A_1365, %eq3A_479 : vector<128x64xi1>
      %jit3A_1367 = arith.constant 0x7F800000 : f32
      %broadcast_in_dim3A_1368 = vector.broadcast %jit3A_1367 : f32 to vector<128x64xf32>
      %select_n3A_1369 = arith.select %and3A_1366, %broadcast_in_dim3A_1368, %scan3A_224 : vector<128x64xi1>, vector<128x64xf32>
      %eq3A_1370 = arith.constant 21 : i32
      %eq3A_1371 = vector.broadcast %eq3A_1370 : i32 to vector<128x64xi32>
      %eq3A_1372 = arith.cmpi eq, %min3A_1223, %eq3A_1371 : vector<128x64xi32>
      %and3A_1373 = arith.andi %eq3A_1372, %eq3A_480 : vector<128x64xi1>
      %jit3A_1374 = arith.constant 0x7F800000 : f32
      %broadcast_in_dim3A_1375 = vector.broadcast %jit3A_1374 : f32 to vector<128x64xf32>
      %select_n3A_1376 = arith.select %and3A_1373, %broadcast_in_dim3A_1375, %scan3A_225 : vector<128x64xi1>, vector<128x64xf32>
      %eq3A_1377 = arith.constant 22 : i32
      %eq3A_1378 = vector.broadcast %eq3A_1377 : i32 to vector<128x64xi32>
      %eq3A_1379 = arith.cmpi eq, %min3A_1223, %eq3A_1378 : vector<128x64xi32>
      %and3A_1380 = arith.andi %eq3A_1379, %eq3A_481 : vector<128x64xi1>
      %jit3A_1381 = arith.constant 0x7F800000 : f32
      %broadcast_in_dim3A_1382 = vector.broadcast %jit3A_1381 : f32 to vector<128x64xf32>
      %select_n3A_1383 = arith.select %and3A_1380, %broadcast_in_dim3A_1382, %scan3A_226 : vector<128x64xi1>, vector<128x64xf32>
      %eq3A_1384 = arith.constant 23 : i32
      %eq3A_1385 = vector.broadcast %eq3A_1384 : i32 to vector<128x64xi32>
      %eq3A_1386 = arith.cmpi eq, %min3A_1223, %eq3A_1385 : vector<128x64xi32>
      %and3A_1387 = arith.andi %eq3A_1386, %eq3A_482 : vector<128x64xi1>
      %jit3A_1388 = arith.constant 0x7F800000 : f32
      %broadcast_in_dim3A_1389 = vector.broadcast %jit3A_1388 : f32 to vector<128x64xf32>
      %select_n3A_1390 = arith.select %and3A_1387, %broadcast_in_dim3A_1389, %scan3A_227 : vector<128x64xi1>, vector<128x64xf32>
      %eq3A_1391 = arith.constant 24 : i32
      %eq3A_1392 = vector.broadcast %eq3A_1391 : i32 to vector<128x64xi32>
      %eq3A_1393 = arith.cmpi eq, %min3A_1223, %eq3A_1392 : vector<128x64xi32>
      %and3A_1394 = arith.andi %eq3A_1393, %eq3A_483 : vector<128x64xi1>
      %jit3A_1395 = arith.constant 0x7F800000 : f32
      %broadcast_in_dim3A_1396 = vector.broadcast %jit3A_1395 : f32 to vector<128x64xf32>
      %select_n3A_1397 = arith.select %and3A_1394, %broadcast_in_dim3A_1396, %scan3A_228 : vector<128x64xi1>, vector<128x64xf32>
      %eq3A_1398 = arith.constant 25 : i32
      %eq3A_1399 = vector.broadcast %eq3A_1398 : i32 to vector<128x64xi32>
      %eq3A_1400 = arith.cmpi eq, %min3A_1223, %eq3A_1399 : vector<128x64xi32>
      %and3A_1401 = arith.andi %eq3A_1400, %eq3A_484 : vector<128x64xi1>
      %jit3A_1402 = arith.constant 0x7F800000 : f32
      %broadcast_in_dim3A_1403 = vector.broadcast %jit3A_1402 : f32 to vector<128x64xf32>
      %select_n3A_1404 = arith.select %and3A_1401, %broadcast_in_dim3A_1403, %scan3A_229 : vector<128x64xi1>, vector<128x64xf32>
      %eq3A_1405 = arith.constant 26 : i32
      %eq3A_1406 = vector.broadcast %eq3A_1405 : i32 to vector<128x64xi32>
      %eq3A_1407 = arith.cmpi eq, %min3A_1223, %eq3A_1406 : vector<128x64xi32>
      %and3A_1408 = arith.andi %eq3A_1407, %eq3A_485 : vector<128x64xi1>
      %jit3A_1409 = arith.constant 0x7F800000 : f32
      %broadcast_in_dim3A_1410 = vector.broadcast %jit3A_1409 : f32 to vector<128x64xf32>
      %select_n3A_1411 = arith.select %and3A_1408, %broadcast_in_dim3A_1410, %scan3A_230 : vector<128x64xi1>, vector<128x64xf32>
      %eq3A_1412 = arith.constant 27 : i32
      %eq3A_1413 = vector.broadcast %eq3A_1412 : i32 to vector<128x64xi32>
      %eq3A_1414 = arith.cmpi eq, %min3A_1223, %eq3A_1413 : vector<128x64xi32>
      %and3A_1415 = arith.andi %eq3A_1414, %eq3A_486 : vector<128x64xi1>
      %jit3A_1416 = arith.constant 0x7F800000 : f32
      %broadcast_in_dim3A_1417 = vector.broadcast %jit3A_1416 : f32 to vector<128x64xf32>
      %select_n3A_1418 = arith.select %and3A_1415, %broadcast_in_dim3A_1417, %scan3A_231 : vector<128x64xi1>, vector<128x64xf32>
      %eq3A_1419 = arith.constant 28 : i32
      %eq3A_1420 = vector.broadcast %eq3A_1419 : i32 to vector<128x64xi32>
      %eq3A_1421 = arith.cmpi eq, %min3A_1223, %eq3A_1420 : vector<128x64xi32>
      %and3A_1422 = arith.andi %eq3A_1421, %eq3A_487 : vector<128x64xi1>
      %jit3A_1423 = arith.constant 0x7F800000 : f32
      %broadcast_in_dim3A_1424 = vector.broadcast %jit3A_1423 : f32 to vector<128x64xf32>
      %select_n3A_1425 = arith.select %and3A_1422, %broadcast_in_dim3A_1424, %scan3A_232 : vector<128x64xi1>, vector<128x64xf32>
      %eq3A_1426 = arith.constant 29 : i32
      %eq3A_1427 = vector.broadcast %eq3A_1426 : i32 to vector<128x64xi32>
      %eq3A_1428 = arith.cmpi eq, %min3A_1223, %eq3A_1427 : vector<128x64xi32>
      %and3A_1429 = arith.andi %eq3A_1428, %eq3A_488 : vector<128x64xi1>
      %jit3A_1430 = arith.constant 0x7F800000 : f32
      %broadcast_in_dim3A_1431 = vector.broadcast %jit3A_1430 : f32 to vector<128x64xf32>
      %select_n3A_1432 = arith.select %and3A_1429, %broadcast_in_dim3A_1431, %scan3A_233 : vector<128x64xi1>, vector<128x64xf32>
      %eq3A_1433 = arith.constant 30 : i32
      %eq3A_1434 = vector.broadcast %eq3A_1433 : i32 to vector<128x64xi32>
      %eq3A_1435 = arith.cmpi eq, %min3A_1223, %eq3A_1434 : vector<128x64xi32>
      %and3A_1436 = arith.andi %eq3A_1435, %eq3A_489 : vector<128x64xi1>
      %jit3A_1437 = arith.constant 0x7F800000 : f32
      %broadcast_in_dim3A_1438 = vector.broadcast %jit3A_1437 : f32 to vector<128x64xf32>
      %select_n3A_1439 = arith.select %and3A_1436, %broadcast_in_dim3A_1438, %scan3A_234 : vector<128x64xi1>, vector<128x64xf32>
      %eq3A_1440 = arith.constant 31 : i32
      %eq3A_1441 = vector.broadcast %eq3A_1440 : i32 to vector<128x64xi32>
      %eq3A_1442 = arith.cmpi eq, %min3A_1223, %eq3A_1441 : vector<128x64xi32>
      %and3A_1443 = arith.andi %eq3A_1442, %eq3A_490 : vector<128x64xi1>
      %jit3A_1444 = arith.constant 0x7F800000 : f32
      %broadcast_in_dim3A_1445 = vector.broadcast %jit3A_1444 : f32 to vector<128x64xf32>
      %select_n3A_1446 = arith.select %and3A_1443, %broadcast_in_dim3A_1445, %scan3A_235 : vector<128x64xi1>, vector<128x64xf32>
      %eq3A_1447 = arith.constant 32 : i32
      %eq3A_1448 = vector.broadcast %eq3A_1447 : i32 to vector<128x64xi32>
      %eq3A_1449 = arith.cmpi eq, %min3A_1223, %eq3A_1448 : vector<128x64xi32>
      %and3A_1450 = arith.andi %eq3A_1449, %eq3A_491 : vector<128x64xi1>
      %jit3A_1451 = arith.constant 0x7F800000 : f32
      %broadcast_in_dim3A_1452 = vector.broadcast %jit3A_1451 : f32 to vector<128x64xf32>
      %select_n3A_1453 = arith.select %and3A_1450, %broadcast_in_dim3A_1452, %scan3A_236 : vector<128x64xi1>, vector<128x64xf32>
      %eq3A_1454 = arith.constant 33 : i32
      %eq3A_1455 = vector.broadcast %eq3A_1454 : i32 to vector<128x64xi32>
      %eq3A_1456 = arith.cmpi eq, %min3A_1223, %eq3A_1455 : vector<128x64xi32>
      %and3A_1457 = arith.andi %eq3A_1456, %eq3A_492 : vector<128x64xi1>
      %jit3A_1458 = arith.constant 0x7F800000 : f32
      %broadcast_in_dim3A_1459 = vector.broadcast %jit3A_1458 : f32 to vector<128x64xf32>
      %select_n3A_1460 = arith.select %and3A_1457, %broadcast_in_dim3A_1459, %scan3A_237 : vector<128x64xi1>, vector<128x64xf32>
      %eq3A_1461 = arith.constant 34 : i32
      %eq3A_1462 = vector.broadcast %eq3A_1461 : i32 to vector<128x64xi32>
      %eq3A_1463 = arith.cmpi eq, %min3A_1223, %eq3A_1462 : vector<128x64xi32>
      %and3A_1464 = arith.andi %eq3A_1463, %eq3A_493 : vector<128x64xi1>
      %jit3A_1465 = arith.constant 0x7F800000 : f32
      %broadcast_in_dim3A_1466 = vector.broadcast %jit3A_1465 : f32 to vector<128x64xf32>
      %select_n3A_1467 = arith.select %and3A_1464, %broadcast_in_dim3A_1466, %scan3A_238 : vector<128x64xi1>, vector<128x64xf32>
      %eq3A_1468 = arith.constant 35 : i32
      %eq3A_1469 = vector.broadcast %eq3A_1468 : i32 to vector<128x64xi32>
      %eq3A_1470 = arith.cmpi eq, %min3A_1223, %eq3A_1469 : vector<128x64xi32>
      %and3A_1471 = arith.andi %eq3A_1470, %eq3A_494 : vector<128x64xi1>
      %jit3A_1472 = arith.constant 0x7F800000 : f32
      %broadcast_in_dim3A_1473 = vector.broadcast %jit3A_1472 : f32 to vector<128x64xf32>
      %select_n3A_1474 = arith.select %and3A_1471, %broadcast_in_dim3A_1473, %scan3A_239 : vector<128x64xi1>, vector<128x64xf32>
      %eq3A_1475 = arith.constant 36 : i32
      %eq3A_1476 = vector.broadcast %eq3A_1475 : i32 to vector<128x64xi32>
      %eq3A_1477 = arith.cmpi eq, %min3A_1223, %eq3A_1476 : vector<128x64xi32>
      %and3A_1478 = arith.andi %eq3A_1477, %eq3A_495 : vector<128x64xi1>
      %jit3A_1479 = arith.constant 0x7F800000 : f32
      %broadcast_in_dim3A_1480 = vector.broadcast %jit3A_1479 : f32 to vector<128x64xf32>
      %select_n3A_1481 = arith.select %and3A_1478, %broadcast_in_dim3A_1480, %scan3A_240 : vector<128x64xi1>, vector<128x64xf32>
      %eq3A_1482 = arith.constant 37 : i32
      %eq3A_1483 = vector.broadcast %eq3A_1482 : i32 to vector<128x64xi32>
      %eq3A_1484 = arith.cmpi eq, %min3A_1223, %eq3A_1483 : vector<128x64xi32>
      %and3A_1485 = arith.andi %eq3A_1484, %eq3A_496 : vector<128x64xi1>
      %jit3A_1486 = arith.constant 0x7F800000 : f32
      %broadcast_in_dim3A_1487 = vector.broadcast %jit3A_1486 : f32 to vector<128x64xf32>
      %select_n3A_1488 = arith.select %and3A_1485, %broadcast_in_dim3A_1487, %scan3A_241 : vector<128x64xi1>, vector<128x64xf32>
      %eq3A_1489 = arith.constant 38 : i32
      %eq3A_1490 = vector.broadcast %eq3A_1489 : i32 to vector<128x64xi32>
      %eq3A_1491 = arith.cmpi eq, %min3A_1223, %eq3A_1490 : vector<128x64xi32>
      %and3A_1492 = arith.andi %eq3A_1491, %eq3A_497 : vector<128x64xi1>
      %jit3A_1493 = arith.constant 0x7F800000 : f32
      %broadcast_in_dim3A_1494 = vector.broadcast %jit3A_1493 : f32 to vector<128x64xf32>
      %select_n3A_1495 = arith.select %and3A_1492, %broadcast_in_dim3A_1494, %scan3A_242 : vector<128x64xi1>, vector<128x64xf32>
      %eq3A_1496 = arith.constant 39 : i32
      %eq3A_1497 = vector.broadcast %eq3A_1496 : i32 to vector<128x64xi32>
      %eq3A_1498 = arith.cmpi eq, %min3A_1223, %eq3A_1497 : vector<128x64xi32>
      %and3A_1499 = arith.andi %eq3A_1498, %eq3A_498 : vector<128x64xi1>
      %jit3A_1500 = arith.constant 0x7F800000 : f32
      %broadcast_in_dim3A_1501 = vector.broadcast %jit3A_1500 : f32 to vector<128x64xf32>
      %select_n3A_1502 = arith.select %and3A_1499, %broadcast_in_dim3A_1501, %scan3A_243 : vector<128x64xi1>, vector<128x64xf32>
      %eq3A_1503 = arith.constant 40 : i32
      %eq3A_1504 = vector.broadcast %eq3A_1503 : i32 to vector<128x64xi32>
      %eq3A_1505 = arith.cmpi eq, %min3A_1223, %eq3A_1504 : vector<128x64xi32>
      %and3A_1506 = arith.andi %eq3A_1505, %eq3A_499 : vector<128x64xi1>
      %jit3A_1507 = arith.constant 0x7F800000 : f32
      %broadcast_in_dim3A_1508 = vector.broadcast %jit3A_1507 : f32 to vector<128x64xf32>
      %select_n3A_1509 = arith.select %and3A_1506, %broadcast_in_dim3A_1508, %scan3A_244 : vector<128x64xi1>, vector<128x64xf32>
      %eq3A_1510 = arith.constant 41 : i32
      %eq3A_1511 = vector.broadcast %eq3A_1510 : i32 to vector<128x64xi32>
      %eq3A_1512 = arith.cmpi eq, %min3A_1223, %eq3A_1511 : vector<128x64xi32>
      %and3A_1513 = arith.andi %eq3A_1512, %eq3A_500 : vector<128x64xi1>
      %jit3A_1514 = arith.constant 0x7F800000 : f32
      %broadcast_in_dim3A_1515 = vector.broadcast %jit3A_1514 : f32 to vector<128x64xf32>
      %select_n3A_1516 = arith.select %and3A_1513, %broadcast_in_dim3A_1515, %scan3A_245 : vector<128x64xi1>, vector<128x64xf32>
      %eq3A_1517 = arith.constant 42 : i32
      %eq3A_1518 = vector.broadcast %eq3A_1517 : i32 to vector<128x64xi32>
      %eq3A_1519 = arith.cmpi eq, %min3A_1223, %eq3A_1518 : vector<128x64xi32>
      %and3A_1520 = arith.andi %eq3A_1519, %eq3A_501 : vector<128x64xi1>
      %jit3A_1521 = arith.constant 0x7F800000 : f32
      %broadcast_in_dim3A_1522 = vector.broadcast %jit3A_1521 : f32 to vector<128x64xf32>
      %select_n3A_1523 = arith.select %and3A_1520, %broadcast_in_dim3A_1522, %scan3A_246 : vector<128x64xi1>, vector<128x64xf32>
      %eq3A_1524 = arith.constant 43 : i32
      %eq3A_1525 = vector.broadcast %eq3A_1524 : i32 to vector<128x64xi32>
      %eq3A_1526 = arith.cmpi eq, %min3A_1223, %eq3A_1525 : vector<128x64xi32>
      %and3A_1527 = arith.andi %eq3A_1526, %eq3A_502 : vector<128x64xi1>
      %jit3A_1528 = arith.constant 0x7F800000 : f32
      %broadcast_in_dim3A_1529 = vector.broadcast %jit3A_1528 : f32 to vector<128x64xf32>
      %select_n3A_1530 = arith.select %and3A_1527, %broadcast_in_dim3A_1529, %scan3A_247 : vector<128x64xi1>, vector<128x64xf32>
      %eq3A_1531 = arith.constant 44 : i32
      %eq3A_1532 = vector.broadcast %eq3A_1531 : i32 to vector<128x64xi32>
      %eq3A_1533 = arith.cmpi eq, %min3A_1223, %eq3A_1532 : vector<128x64xi32>
      %and3A_1534 = arith.andi %eq3A_1533, %eq3A_503 : vector<128x64xi1>
      %jit3A_1535 = arith.constant 0x7F800000 : f32
      %broadcast_in_dim3A_1536 = vector.broadcast %jit3A_1535 : f32 to vector<128x64xf32>
      %select_n3A_1537 = arith.select %and3A_1534, %broadcast_in_dim3A_1536, %scan3A_248 : vector<128x64xi1>, vector<128x64xf32>
      %eq3A_1538 = arith.constant 45 : i32
      %eq3A_1539 = vector.broadcast %eq3A_1538 : i32 to vector<128x64xi32>
      %eq3A_1540 = arith.cmpi eq, %min3A_1223, %eq3A_1539 : vector<128x64xi32>
      %and3A_1541 = arith.andi %eq3A_1540, %eq3A_504 : vector<128x64xi1>
      %jit3A_1542 = arith.constant 0x7F800000 : f32
      %broadcast_in_dim3A_1543 = vector.broadcast %jit3A_1542 : f32 to vector<128x64xf32>
      %select_n3A_1544 = arith.select %and3A_1541, %broadcast_in_dim3A_1543, %scan3A_249 : vector<128x64xi1>, vector<128x64xf32>
      %eq3A_1545 = arith.constant 46 : i32
      %eq3A_1546 = vector.broadcast %eq3A_1545 : i32 to vector<128x64xi32>
      %eq3A_1547 = arith.cmpi eq, %min3A_1223, %eq3A_1546 : vector<128x64xi32>
      %and3A_1548 = arith.andi %eq3A_1547, %eq3A_505 : vector<128x64xi1>
      %jit3A_1549 = arith.constant 0x7F800000 : f32
      %broadcast_in_dim3A_1550 = vector.broadcast %jit3A_1549 : f32 to vector<128x64xf32>
      %select_n3A_1551 = arith.select %and3A_1548, %broadcast_in_dim3A_1550, %scan3A_250 : vector<128x64xi1>, vector<128x64xf32>
      %eq3A_1552 = arith.constant 47 : i32
      %eq3A_1553 = vector.broadcast %eq3A_1552 : i32 to vector<128x64xi32>
      %eq3A_1554 = arith.cmpi eq, %min3A_1223, %eq3A_1553 : vector<128x64xi32>
      %and3A_1555 = arith.andi %eq3A_1554, %eq3A_506 : vector<128x64xi1>
      %jit3A_1556 = arith.constant 0x7F800000 : f32
      %broadcast_in_dim3A_1557 = vector.broadcast %jit3A_1556 : f32 to vector<128x64xf32>
      %select_n3A_1558 = arith.select %and3A_1555, %broadcast_in_dim3A_1557, %scan3A_251 : vector<128x64xi1>, vector<128x64xf32>
      %eq3A_1559 = arith.constant 48 : i32
      %eq3A_1560 = vector.broadcast %eq3A_1559 : i32 to vector<128x64xi32>
      %eq3A_1561 = arith.cmpi eq, %min3A_1223, %eq3A_1560 : vector<128x64xi32>
      %and3A_1562 = arith.andi %eq3A_1561, %eq3A_507 : vector<128x64xi1>
      %jit3A_1563 = arith.constant 0x7F800000 : f32
      %broadcast_in_dim3A_1564 = vector.broadcast %jit3A_1563 : f32 to vector<128x64xf32>
      %select_n3A_1565 = arith.select %and3A_1562, %broadcast_in_dim3A_1564, %scan3A_252 : vector<128x64xi1>, vector<128x64xf32>
      %eq3A_1566 = arith.constant 49 : i32
      %eq3A_1567 = vector.broadcast %eq3A_1566 : i32 to vector<128x64xi32>
      %eq3A_1568 = arith.cmpi eq, %min3A_1223, %eq3A_1567 : vector<128x64xi32>
      %and3A_1569 = arith.andi %eq3A_1568, %eq3A_508 : vector<128x64xi1>
      %jit3A_1570 = arith.constant 0x7F800000 : f32
      %broadcast_in_dim3A_1571 = vector.broadcast %jit3A_1570 : f32 to vector<128x64xf32>
      %select_n3A_1572 = arith.select %and3A_1569, %broadcast_in_dim3A_1571, %scan3A_253 : vector<128x64xi1>, vector<128x64xf32>
      %eq3A_1573 = arith.constant 50 : i32
      %eq3A_1574 = vector.broadcast %eq3A_1573 : i32 to vector<128x64xi32>
      %eq3A_1575 = arith.cmpi eq, %min3A_1223, %eq3A_1574 : vector<128x64xi32>
      %and3A_1576 = arith.andi %eq3A_1575, %eq3A_509 : vector<128x64xi1>
      %jit3A_1577 = arith.constant 0x7F800000 : f32
      %broadcast_in_dim3A_1578 = vector.broadcast %jit3A_1577 : f32 to vector<128x64xf32>
      %select_n3A_1579 = arith.select %and3A_1576, %broadcast_in_dim3A_1578, %scan3A_254 : vector<128x64xi1>, vector<128x64xf32>
      %eq3A_1580 = arith.constant 51 : i32
      %eq3A_1581 = vector.broadcast %eq3A_1580 : i32 to vector<128x64xi32>
      %eq3A_1582 = arith.cmpi eq, %min3A_1223, %eq3A_1581 : vector<128x64xi32>
      %and3A_1583 = arith.andi %eq3A_1582, %eq3A_510 : vector<128x64xi1>
      %jit3A_1584 = arith.constant 0x7F800000 : f32
      %broadcast_in_dim3A_1585 = vector.broadcast %jit3A_1584 : f32 to vector<128x64xf32>
      %select_n3A_1586 = arith.select %and3A_1583, %broadcast_in_dim3A_1585, %scan3A_255 : vector<128x64xi1>, vector<128x64xf32>
      %eq3A_1587 = arith.constant 52 : i32
      %eq3A_1588 = vector.broadcast %eq3A_1587 : i32 to vector<128x64xi32>
      %eq3A_1589 = arith.cmpi eq, %min3A_1223, %eq3A_1588 : vector<128x64xi32>
      %and3A_1590 = arith.andi %eq3A_1589, %eq3A_511 : vector<128x64xi1>
      %jit3A_1591 = arith.constant 0x7F800000 : f32
      %broadcast_in_dim3A_1592 = vector.broadcast %jit3A_1591 : f32 to vector<128x64xf32>
      %select_n3A_1593 = arith.select %and3A_1590, %broadcast_in_dim3A_1592, %scan3A_256 : vector<128x64xi1>, vector<128x64xf32>
      %eq3A_1594 = arith.constant 53 : i32
      %eq3A_1595 = vector.broadcast %eq3A_1594 : i32 to vector<128x64xi32>
      %eq3A_1596 = arith.cmpi eq, %min3A_1223, %eq3A_1595 : vector<128x64xi32>
      %and3A_1597 = arith.andi %eq3A_1596, %eq3A_512 : vector<128x64xi1>
      %jit3A_1598 = arith.constant 0x7F800000 : f32
      %broadcast_in_dim3A_1599 = vector.broadcast %jit3A_1598 : f32 to vector<128x64xf32>
      %select_n3A_1600 = arith.select %and3A_1597, %broadcast_in_dim3A_1599, %scan3A_257 : vector<128x64xi1>, vector<128x64xf32>
      %eq3A_1601 = arith.constant 54 : i32
      %eq3A_1602 = vector.broadcast %eq3A_1601 : i32 to vector<128x64xi32>
      %eq3A_1603 = arith.cmpi eq, %min3A_1223, %eq3A_1602 : vector<128x64xi32>
      %and3A_1604 = arith.andi %eq3A_1603, %eq3A_513 : vector<128x64xi1>
      %jit3A_1605 = arith.constant 0x7F800000 : f32
      %broadcast_in_dim3A_1606 = vector.broadcast %jit3A_1605 : f32 to vector<128x64xf32>
      %select_n3A_1607 = arith.select %and3A_1604, %broadcast_in_dim3A_1606, %scan3A_258 : vector<128x64xi1>, vector<128x64xf32>
      %eq3A_1608 = arith.constant 55 : i32
      %eq3A_1609 = vector.broadcast %eq3A_1608 : i32 to vector<128x64xi32>
      %eq3A_1610 = arith.cmpi eq, %min3A_1223, %eq3A_1609 : vector<128x64xi32>
      %and3A_1611 = arith.andi %eq3A_1610, %eq3A_514 : vector<128x64xi1>
      %jit3A_1612 = arith.constant 0x7F800000 : f32
      %broadcast_in_dim3A_1613 = vector.broadcast %jit3A_1612 : f32 to vector<128x64xf32>
      %select_n3A_1614 = arith.select %and3A_1611, %broadcast_in_dim3A_1613, %scan3A_259 : vector<128x64xi1>, vector<128x64xf32>
      %eq3A_1615 = arith.constant 56 : i32
      %eq3A_1616 = vector.broadcast %eq3A_1615 : i32 to vector<128x64xi32>
      %eq3A_1617 = arith.cmpi eq, %min3A_1223, %eq3A_1616 : vector<128x64xi32>
      %and3A_1618 = arith.andi %eq3A_1617, %eq3A_515 : vector<128x64xi1>
      %jit3A_1619 = arith.constant 0x7F800000 : f32
      %broadcast_in_dim3A_1620 = vector.broadcast %jit3A_1619 : f32 to vector<128x64xf32>
      %select_n3A_1621 = arith.select %and3A_1618, %broadcast_in_dim3A_1620, %scan3A_260 : vector<128x64xi1>, vector<128x64xf32>
      %eq3A_1622 = arith.constant 57 : i32
      %eq3A_1623 = vector.broadcast %eq3A_1622 : i32 to vector<128x64xi32>
      %eq3A_1624 = arith.cmpi eq, %min3A_1223, %eq3A_1623 : vector<128x64xi32>
      %and3A_1625 = arith.andi %eq3A_1624, %eq3A_516 : vector<128x64xi1>
      %jit3A_1626 = arith.constant 0x7F800000 : f32
      %broadcast_in_dim3A_1627 = vector.broadcast %jit3A_1626 : f32 to vector<128x64xf32>
      %select_n3A_1628 = arith.select %and3A_1625, %broadcast_in_dim3A_1627, %scan3A_261 : vector<128x64xi1>, vector<128x64xf32>
      %eq3A_1629 = arith.constant 58 : i32
      %eq3A_1630 = vector.broadcast %eq3A_1629 : i32 to vector<128x64xi32>
      %eq3A_1631 = arith.cmpi eq, %min3A_1223, %eq3A_1630 : vector<128x64xi32>
      %and3A_1632 = arith.andi %eq3A_1631, %eq3A_517 : vector<128x64xi1>
      %jit3A_1633 = arith.constant 0x7F800000 : f32
      %broadcast_in_dim3A_1634 = vector.broadcast %jit3A_1633 : f32 to vector<128x64xf32>
      %select_n3A_1635 = arith.select %and3A_1632, %broadcast_in_dim3A_1634, %scan3A_262 : vector<128x64xi1>, vector<128x64xf32>
      %eq3A_1636 = arith.constant 59 : i32
      %eq3A_1637 = vector.broadcast %eq3A_1636 : i32 to vector<128x64xi32>
      %eq3A_1638 = arith.cmpi eq, %min3A_1223, %eq3A_1637 : vector<128x64xi32>
      %and3A_1639 = arith.andi %eq3A_1638, %eq3A_518 : vector<128x64xi1>
      %jit3A_1640 = arith.constant 0x7F800000 : f32
      %broadcast_in_dim3A_1641 = vector.broadcast %jit3A_1640 : f32 to vector<128x64xf32>
      %select_n3A_1642 = arith.select %and3A_1639, %broadcast_in_dim3A_1641, %scan3A_263 : vector<128x64xi1>, vector<128x64xf32>
      %eq3A_1643 = arith.constant 60 : i32
      %eq3A_1644 = vector.broadcast %eq3A_1643 : i32 to vector<128x64xi32>
      %eq3A_1645 = arith.cmpi eq, %min3A_1223, %eq3A_1644 : vector<128x64xi32>
      %and3A_1646 = arith.andi %eq3A_1645, %eq3A_519 : vector<128x64xi1>
      %jit3A_1647 = arith.constant 0x7F800000 : f32
      %broadcast_in_dim3A_1648 = vector.broadcast %jit3A_1647 : f32 to vector<128x64xf32>
      %select_n3A_1649 = arith.select %and3A_1646, %broadcast_in_dim3A_1648, %scan3A_264 : vector<128x64xi1>, vector<128x64xf32>
      %eq3A_1650 = arith.constant 61 : i32
      %eq3A_1651 = vector.broadcast %eq3A_1650 : i32 to vector<128x64xi32>
      %eq3A_1652 = arith.cmpi eq, %min3A_1223, %eq3A_1651 : vector<128x64xi32>
      %and3A_1653 = arith.andi %eq3A_1652, %eq3A_520 : vector<128x64xi1>
      %jit3A_1654 = arith.constant 0x7F800000 : f32
      %broadcast_in_dim3A_1655 = vector.broadcast %jit3A_1654 : f32 to vector<128x64xf32>
      %select_n3A_1656 = arith.select %and3A_1653, %broadcast_in_dim3A_1655, %scan3A_265 : vector<128x64xi1>, vector<128x64xf32>
      %eq3A_1657 = arith.constant 62 : i32
      %eq3A_1658 = vector.broadcast %eq3A_1657 : i32 to vector<128x64xi32>
      %eq3A_1659 = arith.cmpi eq, %min3A_1223, %eq3A_1658 : vector<128x64xi32>
      %and3A_1660 = arith.andi %eq3A_1659, %eq3A_521 : vector<128x64xi1>
      %jit3A_1661 = arith.constant 0x7F800000 : f32
      %broadcast_in_dim3A_1662 = vector.broadcast %jit3A_1661 : f32 to vector<128x64xf32>
      %select_n3A_1663 = arith.select %and3A_1660, %broadcast_in_dim3A_1662, %scan3A_266 : vector<128x64xi1>, vector<128x64xf32>
      %eq3A_1664 = arith.constant 63 : i32
      %eq3A_1665 = vector.broadcast %eq3A_1664 : i32 to vector<128x64xi32>
      %eq3A_1666 = arith.cmpi eq, %min3A_1223, %eq3A_1665 : vector<128x64xi32>
      %and3A_1667 = arith.andi %eq3A_1666, %eq3A_522 : vector<128x64xi1>
      %jit3A_1668 = arith.constant 0x7F800000 : f32
      %broadcast_in_dim3A_1669 = vector.broadcast %jit3A_1668 : f32 to vector<128x64xf32>
      %select_n3A_1670 = arith.select %and3A_1667, %broadcast_in_dim3A_1669, %scan3A_267 : vector<128x64xi1>, vector<128x64xf32>
      %eq3A_1671 = arith.constant 64 : i32
      %eq3A_1672 = vector.broadcast %eq3A_1671 : i32 to vector<128x64xi32>
      %eq3A_1673 = arith.cmpi eq, %min3A_1223, %eq3A_1672 : vector<128x64xi32>
      %and3A_1674 = arith.andi %eq3A_1673, %eq3A_523 : vector<128x64xi1>
      %jit3A_1675 = arith.constant 0x7F800000 : f32
      %broadcast_in_dim3A_1676 = vector.broadcast %jit3A_1675 : f32 to vector<128x64xf32>
      %select_n3A_1677 = arith.select %and3A_1674, %broadcast_in_dim3A_1676, %scan3A_268 : vector<128x64xi1>, vector<128x64xf32>
      %eq3A_1678 = arith.constant 65 : i32
      %eq3A_1679 = vector.broadcast %eq3A_1678 : i32 to vector<128x64xi32>
      %eq3A_1680 = arith.cmpi eq, %min3A_1223, %eq3A_1679 : vector<128x64xi32>
      %and3A_1681 = arith.andi %eq3A_1680, %eq3A_524 : vector<128x64xi1>
      %jit3A_1682 = arith.constant 0x7F800000 : f32
      %broadcast_in_dim3A_1683 = vector.broadcast %jit3A_1682 : f32 to vector<128x64xf32>
      %select_n3A_1684 = arith.select %and3A_1681, %broadcast_in_dim3A_1683, %scan3A_269 : vector<128x64xi1>, vector<128x64xf32>
      %eq3A_1685 = arith.constant 66 : i32
      %eq3A_1686 = vector.broadcast %eq3A_1685 : i32 to vector<128x64xi32>
      %eq3A_1687 = arith.cmpi eq, %min3A_1223, %eq3A_1686 : vector<128x64xi32>
      %and3A_1688 = arith.andi %eq3A_1687, %eq3A_525 : vector<128x64xi1>
      %jit3A_1689 = arith.constant 0x7F800000 : f32
      %broadcast_in_dim3A_1690 = vector.broadcast %jit3A_1689 : f32 to vector<128x64xf32>
      %select_n3A_1691 = arith.select %and3A_1688, %broadcast_in_dim3A_1690, %scan3A_270 : vector<128x64xi1>, vector<128x64xf32>
      %eq3A_1692 = arith.constant 67 : i32
      %eq3A_1693 = vector.broadcast %eq3A_1692 : i32 to vector<128x64xi32>
      %eq3A_1694 = arith.cmpi eq, %min3A_1223, %eq3A_1693 : vector<128x64xi32>
      %and3A_1695 = arith.andi %eq3A_1694, %eq3A_526 : vector<128x64xi1>
      %jit3A_1696 = arith.constant 0x7F800000 : f32
      %broadcast_in_dim3A_1697 = vector.broadcast %jit3A_1696 : f32 to vector<128x64xf32>
      %select_n3A_1698 = arith.select %and3A_1695, %broadcast_in_dim3A_1697, %scan3A_271 : vector<128x64xi1>, vector<128x64xf32>
      %eq3A_1699 = arith.constant 68 : i32
      %eq3A_1700 = vector.broadcast %eq3A_1699 : i32 to vector<128x64xi32>
      %eq3A_1701 = arith.cmpi eq, %min3A_1223, %eq3A_1700 : vector<128x64xi32>
      %and3A_1702 = arith.andi %eq3A_1701, %eq3A_527 : vector<128x64xi1>
      %jit3A_1703 = arith.constant 0x7F800000 : f32
      %broadcast_in_dim3A_1704 = vector.broadcast %jit3A_1703 : f32 to vector<128x64xf32>
      %select_n3A_1705 = arith.select %and3A_1702, %broadcast_in_dim3A_1704, %scan3A_272 : vector<128x64xi1>, vector<128x64xf32>
      %eq3A_1706 = arith.constant 69 : i32
      %eq3A_1707 = vector.broadcast %eq3A_1706 : i32 to vector<128x64xi32>
      %eq3A_1708 = arith.cmpi eq, %min3A_1223, %eq3A_1707 : vector<128x64xi32>
      %and3A_1709 = arith.andi %eq3A_1708, %eq3A_528 : vector<128x64xi1>
      %jit3A_1710 = arith.constant 0x7F800000 : f32
      %broadcast_in_dim3A_1711 = vector.broadcast %jit3A_1710 : f32 to vector<128x64xf32>
      %select_n3A_1712 = arith.select %and3A_1709, %broadcast_in_dim3A_1711, %scan3A_273 : vector<128x64xi1>, vector<128x64xf32>
      %eq3A_1713 = arith.constant 70 : i32
      %eq3A_1714 = vector.broadcast %eq3A_1713 : i32 to vector<128x64xi32>
      %eq3A_1715 = arith.cmpi eq, %min3A_1223, %eq3A_1714 : vector<128x64xi32>
      %and3A_1716 = arith.andi %eq3A_1715, %eq3A_529 : vector<128x64xi1>
      %jit3A_1717 = arith.constant 0x7F800000 : f32
      %broadcast_in_dim3A_1718 = vector.broadcast %jit3A_1717 : f32 to vector<128x64xf32>
      %select_n3A_1719 = arith.select %and3A_1716, %broadcast_in_dim3A_1718, %scan3A_274 : vector<128x64xi1>, vector<128x64xf32>
      %eq3A_1720 = arith.constant 71 : i32
      %eq3A_1721 = vector.broadcast %eq3A_1720 : i32 to vector<128x64xi32>
      %eq3A_1722 = arith.cmpi eq, %min3A_1223, %eq3A_1721 : vector<128x64xi32>
      %and3A_1723 = arith.andi %eq3A_1722, %eq3A_530 : vector<128x64xi1>
      %jit3A_1724 = arith.constant 0x7F800000 : f32
      %broadcast_in_dim3A_1725 = vector.broadcast %jit3A_1724 : f32 to vector<128x64xf32>
      %select_n3A_1726 = arith.select %and3A_1723, %broadcast_in_dim3A_1725, %scan3A_275 : vector<128x64xi1>, vector<128x64xf32>
      %eq3A_1727 = arith.constant 72 : i32
      %eq3A_1728 = vector.broadcast %eq3A_1727 : i32 to vector<128x64xi32>
      %eq3A_1729 = arith.cmpi eq, %min3A_1223, %eq3A_1728 : vector<128x64xi32>
      %and3A_1730 = arith.andi %eq3A_1729, %eq3A_531 : vector<128x64xi1>
      %jit3A_1731 = arith.constant 0x7F800000 : f32
      %broadcast_in_dim3A_1732 = vector.broadcast %jit3A_1731 : f32 to vector<128x64xf32>
      %select_n3A_1733 = arith.select %and3A_1730, %broadcast_in_dim3A_1732, %scan3A_276 : vector<128x64xi1>, vector<128x64xf32>
      %eq3A_1734 = arith.constant 73 : i32
      %eq3A_1735 = vector.broadcast %eq3A_1734 : i32 to vector<128x64xi32>
      %eq3A_1736 = arith.cmpi eq, %min3A_1223, %eq3A_1735 : vector<128x64xi32>
      %and3A_1737 = arith.andi %eq3A_1736, %eq3A_532 : vector<128x64xi1>
      %jit3A_1738 = arith.constant 0x7F800000 : f32
      %broadcast_in_dim3A_1739 = vector.broadcast %jit3A_1738 : f32 to vector<128x64xf32>
      %select_n3A_1740 = arith.select %and3A_1737, %broadcast_in_dim3A_1739, %scan3A_277 : vector<128x64xi1>, vector<128x64xf32>
      %eq3A_1741 = arith.constant 74 : i32
      %eq3A_1742 = vector.broadcast %eq3A_1741 : i32 to vector<128x64xi32>
      %eq3A_1743 = arith.cmpi eq, %min3A_1223, %eq3A_1742 : vector<128x64xi32>
      %and3A_1744 = arith.andi %eq3A_1743, %eq3A_533 : vector<128x64xi1>
      %jit3A_1745 = arith.constant 0x7F800000 : f32
      %broadcast_in_dim3A_1746 = vector.broadcast %jit3A_1745 : f32 to vector<128x64xf32>
      %select_n3A_1747 = arith.select %and3A_1744, %broadcast_in_dim3A_1746, %scan3A_278 : vector<128x64xi1>, vector<128x64xf32>
      %eq3A_1748 = arith.constant 75 : i32
      %eq3A_1749 = vector.broadcast %eq3A_1748 : i32 to vector<128x64xi32>
      %eq3A_1750 = arith.cmpi eq, %min3A_1223, %eq3A_1749 : vector<128x64xi32>
      %and3A_1751 = arith.andi %eq3A_1750, %eq3A_534 : vector<128x64xi1>
      %jit3A_1752 = arith.constant 0x7F800000 : f32
      %broadcast_in_dim3A_1753 = vector.broadcast %jit3A_1752 : f32 to vector<128x64xf32>
      %select_n3A_1754 = arith.select %and3A_1751, %broadcast_in_dim3A_1753, %scan3A_279 : vector<128x64xi1>, vector<128x64xf32>
      %eq3A_1755 = arith.constant 76 : i32
      %eq3A_1756 = vector.broadcast %eq3A_1755 : i32 to vector<128x64xi32>
      %eq3A_1757 = arith.cmpi eq, %min3A_1223, %eq3A_1756 : vector<128x64xi32>
      %and3A_1758 = arith.andi %eq3A_1757, %eq3A_535 : vector<128x64xi1>
      %jit3A_1759 = arith.constant 0x7F800000 : f32
      %broadcast_in_dim3A_1760 = vector.broadcast %jit3A_1759 : f32 to vector<128x64xf32>
      %select_n3A_1761 = arith.select %and3A_1758, %broadcast_in_dim3A_1760, %scan3A_280 : vector<128x64xi1>, vector<128x64xf32>
      %eq3A_1762 = arith.constant 77 : i32
      %eq3A_1763 = vector.broadcast %eq3A_1762 : i32 to vector<128x64xi32>
      %eq3A_1764 = arith.cmpi eq, %min3A_1223, %eq3A_1763 : vector<128x64xi32>
      %and3A_1765 = arith.andi %eq3A_1764, %eq3A_536 : vector<128x64xi1>
      %jit3A_1766 = arith.constant 0x7F800000 : f32
      %broadcast_in_dim3A_1767 = vector.broadcast %jit3A_1766 : f32 to vector<128x64xf32>
      %select_n3A_1768 = arith.select %and3A_1765, %broadcast_in_dim3A_1767, %scan3A_281 : vector<128x64xi1>, vector<128x64xf32>
      %eq3A_1769 = arith.constant 78 : i32
      %eq3A_1770 = vector.broadcast %eq3A_1769 : i32 to vector<128x64xi32>
      %eq3A_1771 = arith.cmpi eq, %min3A_1223, %eq3A_1770 : vector<128x64xi32>
      %and3A_1772 = arith.andi %eq3A_1771, %eq3A_537 : vector<128x64xi1>
      %jit3A_1773 = arith.constant 0x7F800000 : f32
      %broadcast_in_dim3A_1774 = vector.broadcast %jit3A_1773 : f32 to vector<128x64xf32>
      %select_n3A_1775 = arith.select %and3A_1772, %broadcast_in_dim3A_1774, %scan3A_282 : vector<128x64xi1>, vector<128x64xf32>
      %eq3A_1776 = arith.constant 79 : i32
      %eq3A_1777 = vector.broadcast %eq3A_1776 : i32 to vector<128x64xi32>
      %eq3A_1778 = arith.cmpi eq, %min3A_1223, %eq3A_1777 : vector<128x64xi32>
      %and3A_1779 = arith.andi %eq3A_1778, %eq3A_538 : vector<128x64xi1>
      %jit3A_1780 = arith.constant 0x7F800000 : f32
      %broadcast_in_dim3A_1781 = vector.broadcast %jit3A_1780 : f32 to vector<128x64xf32>
      %select_n3A_1782 = arith.select %and3A_1779, %broadcast_in_dim3A_1781, %scan3A_283 : vector<128x64xi1>, vector<128x64xf32>
      %eq3A_1783 = arith.constant 80 : i32
      %eq3A_1784 = vector.broadcast %eq3A_1783 : i32 to vector<128x64xi32>
      %eq3A_1785 = arith.cmpi eq, %min3A_1223, %eq3A_1784 : vector<128x64xi32>
      %and3A_1786 = arith.andi %eq3A_1785, %eq3A_539 : vector<128x64xi1>
      %jit3A_1787 = arith.constant 0x7F800000 : f32
      %broadcast_in_dim3A_1788 = vector.broadcast %jit3A_1787 : f32 to vector<128x64xf32>
      %select_n3A_1789 = arith.select %and3A_1786, %broadcast_in_dim3A_1788, %scan3A_284 : vector<128x64xi1>, vector<128x64xf32>
      %eq3A_1790 = arith.constant 81 : i32
      %eq3A_1791 = vector.broadcast %eq3A_1790 : i32 to vector<128x64xi32>
      %eq3A_1792 = arith.cmpi eq, %min3A_1223, %eq3A_1791 : vector<128x64xi32>
      %and3A_1793 = arith.andi %eq3A_1792, %eq3A_540 : vector<128x64xi1>
      %jit3A_1794 = arith.constant 0x7F800000 : f32
      %broadcast_in_dim3A_1795 = vector.broadcast %jit3A_1794 : f32 to vector<128x64xf32>
      %select_n3A_1796 = arith.select %and3A_1793, %broadcast_in_dim3A_1795, %scan3A_285 : vector<128x64xi1>, vector<128x64xf32>
      %eq3A_1797 = arith.constant 82 : i32
      %eq3A_1798 = vector.broadcast %eq3A_1797 : i32 to vector<128x64xi32>
      %eq3A_1799 = arith.cmpi eq, %min3A_1223, %eq3A_1798 : vector<128x64xi32>
      %and3A_1800 = arith.andi %eq3A_1799, %eq3A_541 : vector<128x64xi1>
      %jit3A_1801 = arith.constant 0x7F800000 : f32
      %broadcast_in_dim3A_1802 = vector.broadcast %jit3A_1801 : f32 to vector<128x64xf32>
      %select_n3A_1803 = arith.select %and3A_1800, %broadcast_in_dim3A_1802, %scan3A_286 : vector<128x64xi1>, vector<128x64xf32>
      %eq3A_1804 = arith.constant 83 : i32
      %eq3A_1805 = vector.broadcast %eq3A_1804 : i32 to vector<128x64xi32>
      %eq3A_1806 = arith.cmpi eq, %min3A_1223, %eq3A_1805 : vector<128x64xi32>
      %and3A_1807 = arith.andi %eq3A_1806, %eq3A_542 : vector<128x64xi1>
      %jit3A_1808 = arith.constant 0x7F800000 : f32
      %broadcast_in_dim3A_1809 = vector.broadcast %jit3A_1808 : f32 to vector<128x64xf32>
      %select_n3A_1810 = arith.select %and3A_1807, %broadcast_in_dim3A_1809, %scan3A_287 : vector<128x64xi1>, vector<128x64xf32>
      %eq3A_1811 = arith.constant 84 : i32
      %eq3A_1812 = vector.broadcast %eq3A_1811 : i32 to vector<128x64xi32>
      %eq3A_1813 = arith.cmpi eq, %min3A_1223, %eq3A_1812 : vector<128x64xi32>
      %and3A_1814 = arith.andi %eq3A_1813, %eq3A_543 : vector<128x64xi1>
      %jit3A_1815 = arith.constant 0x7F800000 : f32
      %broadcast_in_dim3A_1816 = vector.broadcast %jit3A_1815 : f32 to vector<128x64xf32>
      %select_n3A_1817 = arith.select %and3A_1814, %broadcast_in_dim3A_1816, %scan3A_288 : vector<128x64xi1>, vector<128x64xf32>
      %eq3A_1818 = arith.constant 85 : i32
      %eq3A_1819 = vector.broadcast %eq3A_1818 : i32 to vector<128x64xi32>
      %eq3A_1820 = arith.cmpi eq, %min3A_1223, %eq3A_1819 : vector<128x64xi32>
      %and3A_1821 = arith.andi %eq3A_1820, %eq3A_544 : vector<128x64xi1>
      %jit3A_1822 = arith.constant 0x7F800000 : f32
      %broadcast_in_dim3A_1823 = vector.broadcast %jit3A_1822 : f32 to vector<128x64xf32>
      %select_n3A_1824 = arith.select %and3A_1821, %broadcast_in_dim3A_1823, %scan3A_289 : vector<128x64xi1>, vector<128x64xf32>
      %eq3A_1825 = arith.constant 86 : i32
      %eq3A_1826 = vector.broadcast %eq3A_1825 : i32 to vector<128x64xi32>
      %eq3A_1827 = arith.cmpi eq, %min3A_1223, %eq3A_1826 : vector<128x64xi32>
      %and3A_1828 = arith.andi %eq3A_1827, %eq3A_545 : vector<128x64xi1>
      %jit3A_1829 = arith.constant 0x7F800000 : f32
      %broadcast_in_dim3A_1830 = vector.broadcast %jit3A_1829 : f32 to vector<128x64xf32>
      %select_n3A_1831 = arith.select %and3A_1828, %broadcast_in_dim3A_1830, %scan3A_290 : vector<128x64xi1>, vector<128x64xf32>
      %eq3A_1832 = arith.constant 87 : i32
      %eq3A_1833 = vector.broadcast %eq3A_1832 : i32 to vector<128x64xi32>
      %eq3A_1834 = arith.cmpi eq, %min3A_1223, %eq3A_1833 : vector<128x64xi32>
      %and3A_1835 = arith.andi %eq3A_1834, %eq3A_546 : vector<128x64xi1>
      %jit3A_1836 = arith.constant 0x7F800000 : f32
      %broadcast_in_dim3A_1837 = vector.broadcast %jit3A_1836 : f32 to vector<128x64xf32>
      %select_n3A_1838 = arith.select %and3A_1835, %broadcast_in_dim3A_1837, %scan3A_291 : vector<128x64xi1>, vector<128x64xf32>
      %eq3A_1839 = arith.constant 88 : i32
      %eq3A_1840 = vector.broadcast %eq3A_1839 : i32 to vector<128x64xi32>
      %eq3A_1841 = arith.cmpi eq, %min3A_1223, %eq3A_1840 : vector<128x64xi32>
      %and3A_1842 = arith.andi %eq3A_1841, %eq3A_547 : vector<128x64xi1>
      %jit3A_1843 = arith.constant 0x7F800000 : f32
      %broadcast_in_dim3A_1844 = vector.broadcast %jit3A_1843 : f32 to vector<128x64xf32>
      %select_n3A_1845 = arith.select %and3A_1842, %broadcast_in_dim3A_1844, %scan3A_292 : vector<128x64xi1>, vector<128x64xf32>
      %eq3A_1846 = arith.constant 89 : i32
      %eq3A_1847 = vector.broadcast %eq3A_1846 : i32 to vector<128x64xi32>
      %eq3A_1848 = arith.cmpi eq, %min3A_1223, %eq3A_1847 : vector<128x64xi32>
      %and3A_1849 = arith.andi %eq3A_1848, %eq3A_548 : vector<128x64xi1>
      %jit3A_1850 = arith.constant 0x7F800000 : f32
      %broadcast_in_dim3A_1851 = vector.broadcast %jit3A_1850 : f32 to vector<128x64xf32>
      %select_n3A_1852 = arith.select %and3A_1849, %broadcast_in_dim3A_1851, %scan3A_293 : vector<128x64xi1>, vector<128x64xf32>
      %eq3A_1853 = arith.constant 90 : i32
      %eq3A_1854 = vector.broadcast %eq3A_1853 : i32 to vector<128x64xi32>
      %eq3A_1855 = arith.cmpi eq, %min3A_1223, %eq3A_1854 : vector<128x64xi32>
      %and3A_1856 = arith.andi %eq3A_1855, %eq3A_549 : vector<128x64xi1>
      %jit3A_1857 = arith.constant 0x7F800000 : f32
      %broadcast_in_dim3A_1858 = vector.broadcast %jit3A_1857 : f32 to vector<128x64xf32>
      %select_n3A_1859 = arith.select %and3A_1856, %broadcast_in_dim3A_1858, %scan3A_294 : vector<128x64xi1>, vector<128x64xf32>
      %eq3A_1860 = arith.constant 91 : i32
      %eq3A_1861 = vector.broadcast %eq3A_1860 : i32 to vector<128x64xi32>
      %eq3A_1862 = arith.cmpi eq, %min3A_1223, %eq3A_1861 : vector<128x64xi32>
      %and3A_1863 = arith.andi %eq3A_1862, %eq3A_550 : vector<128x64xi1>
      %jit3A_1864 = arith.constant 0x7F800000 : f32
      %broadcast_in_dim3A_1865 = vector.broadcast %jit3A_1864 : f32 to vector<128x64xf32>
      %select_n3A_1866 = arith.select %and3A_1863, %broadcast_in_dim3A_1865, %scan3A_295 : vector<128x64xi1>, vector<128x64xf32>
      %eq3A_1867 = arith.constant 92 : i32
      %eq3A_1868 = vector.broadcast %eq3A_1867 : i32 to vector<128x64xi32>
      %eq3A_1869 = arith.cmpi eq, %min3A_1223, %eq3A_1868 : vector<128x64xi32>
      %and3A_1870 = arith.andi %eq3A_1869, %eq3A_551 : vector<128x64xi1>
      %jit3A_1871 = arith.constant 0x7F800000 : f32
      %broadcast_in_dim3A_1872 = vector.broadcast %jit3A_1871 : f32 to vector<128x64xf32>
      %select_n3A_1873 = arith.select %and3A_1870, %broadcast_in_dim3A_1872, %scan3A_296 : vector<128x64xi1>, vector<128x64xf32>
      %eq3A_1874 = arith.constant 93 : i32
      %eq3A_1875 = vector.broadcast %eq3A_1874 : i32 to vector<128x64xi32>
      %eq3A_1876 = arith.cmpi eq, %min3A_1223, %eq3A_1875 : vector<128x64xi32>
      %and3A_1877 = arith.andi %eq3A_1876, %eq3A_552 : vector<128x64xi1>
      %jit3A_1878 = arith.constant 0x7F800000 : f32
      %broadcast_in_dim3A_1879 = vector.broadcast %jit3A_1878 : f32 to vector<128x64xf32>
      %select_n3A_1880 = arith.select %and3A_1877, %broadcast_in_dim3A_1879, %scan3A_297 : vector<128x64xi1>, vector<128x64xf32>
      %eq3A_1881 = arith.constant 94 : i32
      %eq3A_1882 = vector.broadcast %eq3A_1881 : i32 to vector<128x64xi32>
      %eq3A_1883 = arith.cmpi eq, %min3A_1223, %eq3A_1882 : vector<128x64xi32>
      %and3A_1884 = arith.andi %eq3A_1883, %eq3A_553 : vector<128x64xi1>
      %jit3A_1885 = arith.constant 0x7F800000 : f32
      %broadcast_in_dim3A_1886 = vector.broadcast %jit3A_1885 : f32 to vector<128x64xf32>
      %select_n3A_1887 = arith.select %and3A_1884, %broadcast_in_dim3A_1886, %scan3A_298 : vector<128x64xi1>, vector<128x64xf32>
      %eq3A_1888 = arith.constant 95 : i32
      %eq3A_1889 = vector.broadcast %eq3A_1888 : i32 to vector<128x64xi32>
      %eq3A_1890 = arith.cmpi eq, %min3A_1223, %eq3A_1889 : vector<128x64xi32>
      %and3A_1891 = arith.andi %eq3A_1890, %eq3A_554 : vector<128x64xi1>
      %jit3A_1892 = arith.constant 0x7F800000 : f32
      %broadcast_in_dim3A_1893 = vector.broadcast %jit3A_1892 : f32 to vector<128x64xf32>
      %select_n3A_1894 = arith.select %and3A_1891, %broadcast_in_dim3A_1893, %scan3A_299 : vector<128x64xi1>, vector<128x64xf32>
      %eq3A_1895 = arith.constant 96 : i32
      %eq3A_1896 = vector.broadcast %eq3A_1895 : i32 to vector<128x64xi32>
      %eq3A_1897 = arith.cmpi eq, %min3A_1223, %eq3A_1896 : vector<128x64xi32>
      %and3A_1898 = arith.andi %eq3A_1897, %eq3A_555 : vector<128x64xi1>
      %jit3A_1899 = arith.constant 0x7F800000 : f32
      %broadcast_in_dim3A_1900 = vector.broadcast %jit3A_1899 : f32 to vector<128x64xf32>
      %select_n3A_1901 = arith.select %and3A_1898, %broadcast_in_dim3A_1900, %scan3A_300 : vector<128x64xi1>, vector<128x64xf32>
      %eq3A_1902 = arith.constant 97 : i32
      %eq3A_1903 = vector.broadcast %eq3A_1902 : i32 to vector<128x64xi32>
      %eq3A_1904 = arith.cmpi eq, %min3A_1223, %eq3A_1903 : vector<128x64xi32>
      %and3A_1905 = arith.andi %eq3A_1904, %eq3A_556 : vector<128x64xi1>
      %jit3A_1906 = arith.constant 0x7F800000 : f32
      %broadcast_in_dim3A_1907 = vector.broadcast %jit3A_1906 : f32 to vector<128x64xf32>
      %select_n3A_1908 = arith.select %and3A_1905, %broadcast_in_dim3A_1907, %scan3A_301 : vector<128x64xi1>, vector<128x64xf32>
      %eq3A_1909 = arith.constant 98 : i32
      %eq3A_1910 = vector.broadcast %eq3A_1909 : i32 to vector<128x64xi32>
      %eq3A_1911 = arith.cmpi eq, %min3A_1223, %eq3A_1910 : vector<128x64xi32>
      %and3A_1912 = arith.andi %eq3A_1911, %eq3A_557 : vector<128x64xi1>
      %jit3A_1913 = arith.constant 0x7F800000 : f32
      %broadcast_in_dim3A_1914 = vector.broadcast %jit3A_1913 : f32 to vector<128x64xf32>
      %select_n3A_1915 = arith.select %and3A_1912, %broadcast_in_dim3A_1914, %scan3A_302 : vector<128x64xi1>, vector<128x64xf32>
      %eq3A_1916 = arith.constant 99 : i32
      %eq3A_1917 = vector.broadcast %eq3A_1916 : i32 to vector<128x64xi32>
      %eq3A_1918 = arith.cmpi eq, %min3A_1223, %eq3A_1917 : vector<128x64xi32>
      %and3A_1919 = arith.andi %eq3A_1918, %eq3A_558 : vector<128x64xi1>
      %jit3A_1920 = arith.constant 0x7F800000 : f32
      %broadcast_in_dim3A_1921 = vector.broadcast %jit3A_1920 : f32 to vector<128x64xf32>
      %select_n3A_1922 = arith.select %and3A_1919, %broadcast_in_dim3A_1921, %scan3A_303 : vector<128x64xi1>, vector<128x64xf32>
      %eq3A_1923 = arith.constant 100 : i32
      %eq3A_1924 = vector.broadcast %eq3A_1923 : i32 to vector<128x64xi32>
      %eq3A_1925 = arith.cmpi eq, %min3A_1223, %eq3A_1924 : vector<128x64xi32>
      %and3A_1926 = arith.andi %eq3A_1925, %eq3A_559 : vector<128x64xi1>
      %jit3A_1927 = arith.constant 0x7F800000 : f32
      %broadcast_in_dim3A_1928 = vector.broadcast %jit3A_1927 : f32 to vector<128x64xf32>
      %select_n3A_1929 = arith.select %and3A_1926, %broadcast_in_dim3A_1928, %scan3A_304 : vector<128x64xi1>, vector<128x64xf32>
      %eq3A_1930 = arith.constant 101 : i32
      %eq3A_1931 = vector.broadcast %eq3A_1930 : i32 to vector<128x64xi32>
      %eq3A_1932 = arith.cmpi eq, %min3A_1223, %eq3A_1931 : vector<128x64xi32>
      %and3A_1933 = arith.andi %eq3A_1932, %eq3A_560 : vector<128x64xi1>
      %jit3A_1934 = arith.constant 0x7F800000 : f32
      %broadcast_in_dim3A_1935 = vector.broadcast %jit3A_1934 : f32 to vector<128x64xf32>
      %select_n3A_1936 = arith.select %and3A_1933, %broadcast_in_dim3A_1935, %scan3A_305 : vector<128x64xi1>, vector<128x64xf32>
      %eq3A_1937 = arith.constant 102 : i32
      %eq3A_1938 = vector.broadcast %eq3A_1937 : i32 to vector<128x64xi32>
      %eq3A_1939 = arith.cmpi eq, %min3A_1223, %eq3A_1938 : vector<128x64xi32>
      %and3A_1940 = arith.andi %eq3A_1939, %eq3A_561 : vector<128x64xi1>
      %jit3A_1941 = arith.constant 0x7F800000 : f32
      %broadcast_in_dim3A_1942 = vector.broadcast %jit3A_1941 : f32 to vector<128x64xf32>
      %select_n3A_1943 = arith.select %and3A_1940, %broadcast_in_dim3A_1942, %scan3A_306 : vector<128x64xi1>, vector<128x64xf32>
      %eq3A_1944 = arith.constant 103 : i32
      %eq3A_1945 = vector.broadcast %eq3A_1944 : i32 to vector<128x64xi32>
      %eq3A_1946 = arith.cmpi eq, %min3A_1223, %eq3A_1945 : vector<128x64xi32>
      %and3A_1947 = arith.andi %eq3A_1946, %eq3A_562 : vector<128x64xi1>
      %jit3A_1948 = arith.constant 0x7F800000 : f32
      %broadcast_in_dim3A_1949 = vector.broadcast %jit3A_1948 : f32 to vector<128x64xf32>
      %select_n3A_1950 = arith.select %and3A_1947, %broadcast_in_dim3A_1949, %scan3A_307 : vector<128x64xi1>, vector<128x64xf32>
      %eq3A_1951 = arith.constant 104 : i32
      %eq3A_1952 = vector.broadcast %eq3A_1951 : i32 to vector<128x64xi32>
      %eq3A_1953 = arith.cmpi eq, %min3A_1223, %eq3A_1952 : vector<128x64xi32>
      %and3A_1954 = arith.andi %eq3A_1953, %eq3A_563 : vector<128x64xi1>
      %jit3A_1955 = arith.constant 0x7F800000 : f32
      %broadcast_in_dim3A_1956 = vector.broadcast %jit3A_1955 : f32 to vector<128x64xf32>
      %select_n3A_1957 = arith.select %and3A_1954, %broadcast_in_dim3A_1956, %scan3A_308 : vector<128x64xi1>, vector<128x64xf32>
      %eq3A_1958 = arith.constant 105 : i32
      %eq3A_1959 = vector.broadcast %eq3A_1958 : i32 to vector<128x64xi32>
      %eq3A_1960 = arith.cmpi eq, %min3A_1223, %eq3A_1959 : vector<128x64xi32>
      %and3A_1961 = arith.andi %eq3A_1960, %eq3A_564 : vector<128x64xi1>
      %jit3A_1962 = arith.constant 0x7F800000 : f32
      %broadcast_in_dim3A_1963 = vector.broadcast %jit3A_1962 : f32 to vector<128x64xf32>
      %select_n3A_1964 = arith.select %and3A_1961, %broadcast_in_dim3A_1963, %scan3A_309 : vector<128x64xi1>, vector<128x64xf32>
      %eq3A_1965 = arith.constant 106 : i32
      %eq3A_1966 = vector.broadcast %eq3A_1965 : i32 to vector<128x64xi32>
      %eq3A_1967 = arith.cmpi eq, %min3A_1223, %eq3A_1966 : vector<128x64xi32>
      %and3A_1968 = arith.andi %eq3A_1967, %eq3A_565 : vector<128x64xi1>
      %jit3A_1969 = arith.constant 0x7F800000 : f32
      %broadcast_in_dim3A_1970 = vector.broadcast %jit3A_1969 : f32 to vector<128x64xf32>
      %select_n3A_1971 = arith.select %and3A_1968, %broadcast_in_dim3A_1970, %scan3A_310 : vector<128x64xi1>, vector<128x64xf32>
      %eq3A_1972 = arith.constant 107 : i32
      %eq3A_1973 = vector.broadcast %eq3A_1972 : i32 to vector<128x64xi32>
      %eq3A_1974 = arith.cmpi eq, %min3A_1223, %eq3A_1973 : vector<128x64xi32>
      %and3A_1975 = arith.andi %eq3A_1974, %eq3A_566 : vector<128x64xi1>
      %jit3A_1976 = arith.constant 0x7F800000 : f32
      %broadcast_in_dim3A_1977 = vector.broadcast %jit3A_1976 : f32 to vector<128x64xf32>
      %select_n3A_1978 = arith.select %and3A_1975, %broadcast_in_dim3A_1977, %scan3A_311 : vector<128x64xi1>, vector<128x64xf32>
      %eq3A_1979 = arith.constant 108 : i32
      %eq3A_1980 = vector.broadcast %eq3A_1979 : i32 to vector<128x64xi32>
      %eq3A_1981 = arith.cmpi eq, %min3A_1223, %eq3A_1980 : vector<128x64xi32>
      %and3A_1982 = arith.andi %eq3A_1981, %eq3A_567 : vector<128x64xi1>
      %jit3A_1983 = arith.constant 0x7F800000 : f32
      %broadcast_in_dim3A_1984 = vector.broadcast %jit3A_1983 : f32 to vector<128x64xf32>
      %select_n3A_1985 = arith.select %and3A_1982, %broadcast_in_dim3A_1984, %scan3A_312 : vector<128x64xi1>, vector<128x64xf32>
      %eq3A_1986 = arith.constant 109 : i32
      %eq3A_1987 = vector.broadcast %eq3A_1986 : i32 to vector<128x64xi32>
      %eq3A_1988 = arith.cmpi eq, %min3A_1223, %eq3A_1987 : vector<128x64xi32>
      %and3A_1989 = arith.andi %eq3A_1988, %eq3A_568 : vector<128x64xi1>
      %jit3A_1990 = arith.constant 0x7F800000 : f32
      %broadcast_in_dim3A_1991 = vector.broadcast %jit3A_1990 : f32 to vector<128x64xf32>
      %select_n3A_1992 = arith.select %and3A_1989, %broadcast_in_dim3A_1991, %scan3A_313 : vector<128x64xi1>, vector<128x64xf32>
      %eq3A_1993 = arith.constant 110 : i32
      %eq3A_1994 = vector.broadcast %eq3A_1993 : i32 to vector<128x64xi32>
      %eq3A_1995 = arith.cmpi eq, %min3A_1223, %eq3A_1994 : vector<128x64xi32>
      %and3A_1996 = arith.andi %eq3A_1995, %eq3A_569 : vector<128x64xi1>
      %jit3A_1997 = arith.constant 0x7F800000 : f32
      %broadcast_in_dim3A_1998 = vector.broadcast %jit3A_1997 : f32 to vector<128x64xf32>
      %select_n3A_1999 = arith.select %and3A_1996, %broadcast_in_dim3A_1998, %scan3A_314 : vector<128x64xi1>, vector<128x64xf32>
      %eq3A_2000 = arith.constant 111 : i32
      %eq3A_2001 = vector.broadcast %eq3A_2000 : i32 to vector<128x64xi32>
      %eq3A_2002 = arith.cmpi eq, %min3A_1223, %eq3A_2001 : vector<128x64xi32>
      %and3A_2003 = arith.andi %eq3A_2002, %eq3A_570 : vector<128x64xi1>
      %jit3A_2004 = arith.constant 0x7F800000 : f32
      %broadcast_in_dim3A_2005 = vector.broadcast %jit3A_2004 : f32 to vector<128x64xf32>
      %select_n3A_2006 = arith.select %and3A_2003, %broadcast_in_dim3A_2005, %scan3A_315 : vector<128x64xi1>, vector<128x64xf32>
      %eq3A_2007 = arith.constant 112 : i32
      %eq3A_2008 = vector.broadcast %eq3A_2007 : i32 to vector<128x64xi32>
      %eq3A_2009 = arith.cmpi eq, %min3A_1223, %eq3A_2008 : vector<128x64xi32>
      %and3A_2010 = arith.andi %eq3A_2009, %eq3A_571 : vector<128x64xi1>
      %jit3A_2011 = arith.constant 0x7F800000 : f32
      %broadcast_in_dim3A_2012 = vector.broadcast %jit3A_2011 : f32 to vector<128x64xf32>
      %select_n3A_2013 = arith.select %and3A_2010, %broadcast_in_dim3A_2012, %scan3A_316 : vector<128x64xi1>, vector<128x64xf32>
      %eq3A_2014 = arith.constant 113 : i32
      %eq3A_2015 = vector.broadcast %eq3A_2014 : i32 to vector<128x64xi32>
      %eq3A_2016 = arith.cmpi eq, %min3A_1223, %eq3A_2015 : vector<128x64xi32>
      %and3A_2017 = arith.andi %eq3A_2016, %eq3A_572 : vector<128x64xi1>
      %jit3A_2018 = arith.constant 0x7F800000 : f32
      %broadcast_in_dim3A_2019 = vector.broadcast %jit3A_2018 : f32 to vector<128x64xf32>
      %select_n3A_2020 = arith.select %and3A_2017, %broadcast_in_dim3A_2019, %scan3A_317 : vector<128x64xi1>, vector<128x64xf32>
      %eq3A_2021 = arith.constant 114 : i32
      %eq3A_2022 = vector.broadcast %eq3A_2021 : i32 to vector<128x64xi32>
      %eq3A_2023 = arith.cmpi eq, %min3A_1223, %eq3A_2022 : vector<128x64xi32>
      %and3A_2024 = arith.andi %eq3A_2023, %eq3A_573 : vector<128x64xi1>
      %jit3A_2025 = arith.constant 0x7F800000 : f32
      %broadcast_in_dim3A_2026 = vector.broadcast %jit3A_2025 : f32 to vector<128x64xf32>
      %select_n3A_2027 = arith.select %and3A_2024, %broadcast_in_dim3A_2026, %scan3A_318 : vector<128x64xi1>, vector<128x64xf32>
      %eq3A_2028 = arith.constant 115 : i32
      %eq3A_2029 = vector.broadcast %eq3A_2028 : i32 to vector<128x64xi32>
      %eq3A_2030 = arith.cmpi eq, %min3A_1223, %eq3A_2029 : vector<128x64xi32>
      %and3A_2031 = arith.andi %eq3A_2030, %eq3A_574 : vector<128x64xi1>
      %jit3A_2032 = arith.constant 0x7F800000 : f32
      %broadcast_in_dim3A_2033 = vector.broadcast %jit3A_2032 : f32 to vector<128x64xf32>
      %select_n3A_2034 = arith.select %and3A_2031, %broadcast_in_dim3A_2033, %scan3A_319 : vector<128x64xi1>, vector<128x64xf32>
      %eq3A_2035 = arith.constant 116 : i32
      %eq3A_2036 = vector.broadcast %eq3A_2035 : i32 to vector<128x64xi32>
      %eq3A_2037 = arith.cmpi eq, %min3A_1223, %eq3A_2036 : vector<128x64xi32>
      %and3A_2038 = arith.andi %eq3A_2037, %eq3A_575 : vector<128x64xi1>
      %jit3A_2039 = arith.constant 0x7F800000 : f32
      %broadcast_in_dim3A_2040 = vector.broadcast %jit3A_2039 : f32 to vector<128x64xf32>
      %select_n3A_2041 = arith.select %and3A_2038, %broadcast_in_dim3A_2040, %scan3A_320 : vector<128x64xi1>, vector<128x64xf32>
      %eq3A_2042 = arith.constant 117 : i32
      %eq3A_2043 = vector.broadcast %eq3A_2042 : i32 to vector<128x64xi32>
      %eq3A_2044 = arith.cmpi eq, %min3A_1223, %eq3A_2043 : vector<128x64xi32>
      %and3A_2045 = arith.andi %eq3A_2044, %eq3A_576 : vector<128x64xi1>
      %jit3A_2046 = arith.constant 0x7F800000 : f32
      %broadcast_in_dim3A_2047 = vector.broadcast %jit3A_2046 : f32 to vector<128x64xf32>
      %select_n3A_2048 = arith.select %and3A_2045, %broadcast_in_dim3A_2047, %scan3A_321 : vector<128x64xi1>, vector<128x64xf32>
      %eq3A_2049 = arith.constant 118 : i32
      %eq3A_2050 = vector.broadcast %eq3A_2049 : i32 to vector<128x64xi32>
      %eq3A_2051 = arith.cmpi eq, %min3A_1223, %eq3A_2050 : vector<128x64xi32>
      %and3A_2052 = arith.andi %eq3A_2051, %eq3A_577 : vector<128x64xi1>
      %jit3A_2053 = arith.constant 0x7F800000 : f32
      %broadcast_in_dim3A_2054 = vector.broadcast %jit3A_2053 : f32 to vector<128x64xf32>
      %select_n3A_2055 = arith.select %and3A_2052, %broadcast_in_dim3A_2054, %scan3A_322 : vector<128x64xi1>, vector<128x64xf32>
      %eq3A_2056 = arith.constant 119 : i32
      %eq3A_2057 = vector.broadcast %eq3A_2056 : i32 to vector<128x64xi32>
      %eq3A_2058 = arith.cmpi eq, %min3A_1223, %eq3A_2057 : vector<128x64xi32>
      %and3A_2059 = arith.andi %eq3A_2058, %eq3A_578 : vector<128x64xi1>
      %jit3A_2060 = arith.constant 0x7F800000 : f32
      %broadcast_in_dim3A_2061 = vector.broadcast %jit3A_2060 : f32 to vector<128x64xf32>
      %select_n3A_2062 = arith.select %and3A_2059, %broadcast_in_dim3A_2061, %scan3A_323 : vector<128x64xi1>, vector<128x64xf32>
      %eq3A_2063 = arith.constant 120 : i32
      %eq3A_2064 = vector.broadcast %eq3A_2063 : i32 to vector<128x64xi32>
      %eq3A_2065 = arith.cmpi eq, %min3A_1223, %eq3A_2064 : vector<128x64xi32>
      %and3A_2066 = arith.andi %eq3A_2065, %eq3A_579 : vector<128x64xi1>
      %jit3A_2067 = arith.constant 0x7F800000 : f32
      %broadcast_in_dim3A_2068 = vector.broadcast %jit3A_2067 : f32 to vector<128x64xf32>
      %select_n3A_2069 = arith.select %and3A_2066, %broadcast_in_dim3A_2068, %scan3A_324 : vector<128x64xi1>, vector<128x64xf32>
      %eq3A_2070 = arith.constant 121 : i32
      %eq3A_2071 = vector.broadcast %eq3A_2070 : i32 to vector<128x64xi32>
      %eq3A_2072 = arith.cmpi eq, %min3A_1223, %eq3A_2071 : vector<128x64xi32>
      %and3A_2073 = arith.andi %eq3A_2072, %eq3A_580 : vector<128x64xi1>
      %jit3A_2074 = arith.constant 0x7F800000 : f32
      %broadcast_in_dim3A_2075 = vector.broadcast %jit3A_2074 : f32 to vector<128x64xf32>
      %select_n3A_2076 = arith.select %and3A_2073, %broadcast_in_dim3A_2075, %scan3A_325 : vector<128x64xi1>, vector<128x64xf32>
      %eq3A_2077 = arith.constant 122 : i32
      %eq3A_2078 = vector.broadcast %eq3A_2077 : i32 to vector<128x64xi32>
      %eq3A_2079 = arith.cmpi eq, %min3A_1223, %eq3A_2078 : vector<128x64xi32>
      %and3A_2080 = arith.andi %eq3A_2079, %eq3A_581 : vector<128x64xi1>
      %jit3A_2081 = arith.constant 0x7F800000 : f32
      %broadcast_in_dim3A_2082 = vector.broadcast %jit3A_2081 : f32 to vector<128x64xf32>
      %select_n3A_2083 = arith.select %and3A_2080, %broadcast_in_dim3A_2082, %scan3A_326 : vector<128x64xi1>, vector<128x64xf32>
      %eq3A_2084 = arith.constant 123 : i32
      %eq3A_2085 = vector.broadcast %eq3A_2084 : i32 to vector<128x64xi32>
      %eq3A_2086 = arith.cmpi eq, %min3A_1223, %eq3A_2085 : vector<128x64xi32>
      %and3A_2087 = arith.andi %eq3A_2086, %eq3A_582 : vector<128x64xi1>
      %jit3A_2088 = arith.constant 0x7F800000 : f32
      %broadcast_in_dim3A_2089 = vector.broadcast %jit3A_2088 : f32 to vector<128x64xf32>
      %select_n3A_2090 = arith.select %and3A_2087, %broadcast_in_dim3A_2089, %scan3A_327 : vector<128x64xi1>, vector<128x64xf32>
      %eq3A_2091 = arith.constant 124 : i32
      %eq3A_2092 = vector.broadcast %eq3A_2091 : i32 to vector<128x64xi32>
      %eq3A_2093 = arith.cmpi eq, %min3A_1223, %eq3A_2092 : vector<128x64xi32>
      %and3A_2094 = arith.andi %eq3A_2093, %eq3A_583 : vector<128x64xi1>
      %jit3A_2095 = arith.constant 0x7F800000 : f32
      %broadcast_in_dim3A_2096 = vector.broadcast %jit3A_2095 : f32 to vector<128x64xf32>
      %select_n3A_2097 = arith.select %and3A_2094, %broadcast_in_dim3A_2096, %scan3A_328 : vector<128x64xi1>, vector<128x64xf32>
      %eq3A_2098 = arith.constant 125 : i32
      %eq3A_2099 = vector.broadcast %eq3A_2098 : i32 to vector<128x64xi32>
      %eq3A_2100 = arith.cmpi eq, %min3A_1223, %eq3A_2099 : vector<128x64xi32>
      %and3A_2101 = arith.andi %eq3A_2100, %eq3A_584 : vector<128x64xi1>
      %jit3A_2102 = arith.constant 0x7F800000 : f32
      %broadcast_in_dim3A_2103 = vector.broadcast %jit3A_2102 : f32 to vector<128x64xf32>
      %select_n3A_2104 = arith.select %and3A_2101, %broadcast_in_dim3A_2103, %scan3A_329 : vector<128x64xi1>, vector<128x64xf32>
      %eq3A_2105 = arith.constant 126 : i32
      %eq3A_2106 = vector.broadcast %eq3A_2105 : i32 to vector<128x64xi32>
      %eq3A_2107 = arith.cmpi eq, %min3A_1223, %eq3A_2106 : vector<128x64xi32>
      %and3A_2108 = arith.andi %eq3A_2107, %eq3A_585 : vector<128x64xi1>
      %jit3A_2109 = arith.constant 0x7F800000 : f32
      %broadcast_in_dim3A_2110 = vector.broadcast %jit3A_2109 : f32 to vector<128x64xf32>
      %select_n3A_2111 = arith.select %and3A_2108, %broadcast_in_dim3A_2110, %scan3A_330 : vector<128x64xi1>, vector<128x64xf32>
      %eq3A_2112 = arith.constant 127 : i32
      %eq3A_2113 = vector.broadcast %eq3A_2112 : i32 to vector<128x64xi32>
      %eq3A_2114 = arith.cmpi eq, %min3A_1223, %eq3A_2113 : vector<128x64xi32>
      %and3A_2115 = arith.andi %eq3A_2114, %eq3A_586 : vector<128x64xi1>
      %jit3A_2116 = arith.constant 0x7F800000 : f32
      %broadcast_in_dim3A_2117 = vector.broadcast %jit3A_2116 : f32 to vector<128x64xf32>
      %select_n3A_2118 = arith.select %and3A_2115, %broadcast_in_dim3A_2117, %scan3A_331 : vector<128x64xi1>, vector<128x64xf32>
      %mul3A_2119 = arith.constant 64 : i32
      %mul3A_2120 = vector.broadcast %mul3A_2119 : i32 to vector<128x64xi32>
      %mul3A_2121 = arith.muli %min3A_1223, %mul3A_2120 : vector<128x64xi32>
      %add3A_2122 = arith.addi %mul3A_2121, %iota3A_21 : vector<128x64xi32>
      %slice3A_2123 = vector.extract_strided_slice %scan3A_332 {offsets = [0, 0], sizes = [128, 320], strides = [1, 1]} : vector<128x384xf32> to vector<128x320xf32>
      %concatenate3A = tpu.concatenate %min3A_459, %slice3A_2123 in 1 : vector<128x64xf32>, vector<128x320xf32> -> vector<128x384xf32>
      %slice3A_2124 = vector.extract_strided_slice %scan3A_333 {offsets = [0, 0], sizes = [128, 320], strides = [1, 1]} : vector<128x384xi32> to vector<128x320xi32>
      %concatenate3A_2125 = tpu.concatenate %add3A_2122, %slice3A_2124 in 1 : vector<128x64xi32>, vector<128x320xi32> -> vector<128x384xi32>
      scf.yield %select_n3A_1229, %select_n3A_1236, %select_n3A_1243, %select_n3A_1250, %select_n3A_1257, %select_n3A_1264, %select_n3A_1271, %select_n3A_1278, %select_n3A_1285, %select_n3A_1292, %select_n3A_1299, %select_n3A_1306, %select_n3A_1313, %select_n3A_1320, %select_n3A_1327, %select_n3A_1334, %select_n3A_1341, %select_n3A_1348, %select_n3A_1355, %select_n3A_1362, %select_n3A_1369, %select_n3A_1376, %select_n3A_1383, %select_n3A_1390, %select_n3A_1397, %select_n3A_1404, %select_n3A_1411, %select_n3A_1418, %select_n3A_1425, %select_n3A_1432, %select_n3A_1439, %select_n3A_1446, %select_n3A_1453, %select_n3A_1460, %select_n3A_1467, %select_n3A_1474, %select_n3A_1481, %select_n3A_1488, %select_n3A_1495, %select_n3A_1502, %select_n3A_1509, %select_n3A_1516, %select_n3A_1523, %select_n3A_1530, %select_n3A_1537, %select_n3A_1544, %select_n3A_1551, %select_n3A_1558, %select_n3A_1565, %select_n3A_1572, %select_n3A_1579, %select_n3A_1586, %select_n3A_1593, %select_n3A_1600, %select_n3A_1607, %select_n3A_1614, %select_n3A_1621, %select_n3A_1628, %select_n3A_1635, %select_n3A_1642, %select_n3A_1649, %select_n3A_1656, %select_n3A_1663, %select_n3A_1670, %select_n3A_1677, %select_n3A_1684, %select_n3A_1691, %select_n3A_1698, %select_n3A_1705, %select_n3A_1712, %select_n3A_1719, %select_n3A_1726, %select_n3A_1733, %select_n3A_1740, %select_n3A_1747, %select_n3A_1754, %select_n3A_1761, %select_n3A_1768, %select_n3A_1775, %select_n3A_1782, %select_n3A_1789, %select_n3A_1796, %select_n3A_1803, %select_n3A_1810, %select_n3A_1817, %select_n3A_1824, %select_n3A_1831, %select_n3A_1838, %select_n3A_1845, %select_n3A_1852, %select_n3A_1859, %select_n3A_1866, %select_n3A_1873, %select_n3A_1880, %select_n3A_1887, %select_n3A_1894, %select_n3A_1901, %select_n3A_1908, %select_n3A_1915, %select_n3A_1922, %select_n3A_1929, %select_n3A_1936, %select_n3A_1943, %select_n3A_1950, %select_n3A_1957, %select_n3A_1964, %select_n3A_1971, %select_n3A_1978, %select_n3A_1985, %select_n3A_1992, %select_n3A_1999, %select_n3A_2006, %select_n3A_2013, %select_n3A_2020, %select_n3A_2027, %select_n3A_2034, %select_n3A_2041, %select_n3A_2048, %select_n3A_2055, %select_n3A_2062, %select_n3A_2069, %select_n3A_2076, %select_n3A_2083, %select_n3A_2090, %select_n3A_2097, %select_n3A_2104, %select_n3A_2111, %select_n3A_2118, %concatenate3A, %concatenate3A_2125 : vector<128x64xf32>, vector<128x64xf32>, vector<128x64xf32>, vector<128x64xf32>, vector<128x64xf32>, vector<128x64xf32>, vector<128x64xf32>, vector<128x64xf32>, vector<128x64xf32>, vector<128x64xf32>, vector<128x64xf32>, vector<128x64xf32>, vector<128x64xf32>, vector<128x64xf32>, vector<128x64xf32>, vector<128x64xf32>, vector<128x64xf32>, vector<128x64xf32>, vector<128x64xf32>, vector<128x64xf32>, vector<128x64xf32>, vector<128x64xf32>, vector<128x64xf32>, vector<128x64xf32>, vector<128x64xf32>, vector<128x64xf32>, vector<128x64xf32>, vector<128x64xf32>, vector<128x64xf32>, vector<128x64xf32>, vector<128x64xf32>, vector<128x64xf32>, vector<128x64xf32>, vector<128x64xf32>, vector<128x64xf32>, vector<128x64xf32>, vector<128x64xf32>, vector<128x64xf32>, vector<128x64xf32>, vector<128x64xf32>, vector<128x64xf32>, vector<128x64xf32>, vector<128x64xf32>, vector<128x64xf32>, vector<128x64xf32>, vector<128x64xf32>, vector<128x64xf32>, vector<128x64xf32>, vector<128x64xf32>, vector<128x64xf32>, vector<128x64xf32>, vector<128x64xf32>, vector<128x64xf32>, vector<128x64xf32>, vector<128x64xf32>, vector<128x64xf32>, vector<128x64xf32>, vector<128x64xf32>, vector<128x64xf32>, vector<128x64xf32>, vector<128x64xf32>, vector<128x64xf32>, vector<128x64xf32>, vector<128x64xf32>, vector<128x64xf32>, vector<128x64xf32>, vector<128x64xf32>, vector<128x64xf32>, vector<128x64xf32>, vector<128x64xf32>, vector<128x64xf32>, vector<128x64xf32>, vector<128x64xf32>, vector<128x64xf32>, vector<128x64xf32>, vector<128x64xf32>, vector<128x64xf32>, vector<128x64xf32>, vector<128x64xf32>, vector<128x64xf32>, vector<128x64xf32>, vector<128x64xf32>, vector<128x64xf32>, vector<128x64xf32>, vector<128x64xf32>, vector<128x64xf32>, vector<128x64xf32>, vector<128x64xf32>, vector<128x64xf32>, vector<128x64xf32>, vector<128x64xf32>, vector<128x64xf32>, vector<128x64xf32>, vector<128x64xf32>, vector<128x64xf32>, vector<128x64xf32>, vector<128x64xf32>, vector<128x64xf32>, vector<128x64xf32>, vector<128x64xf32>, vector<128x64xf32>, vector<128x64xf32>, vector<128x64xf32>, vector<128x64xf32>, vector<128x64xf32>, vector<128x64xf32>, vector<128x64xf32>, vector<128x64xf32>, vector<128x64xf32>, vector<128x64xf32>, vector<128x64xf32>, vector<128x64xf32>, vector<128x64xf32>, vector<128x64xf32>, vector<128x64xf32>, vector<128x64xf32>, vector<128x64xf32>, vector<128x64xf32>, vector<128x64xf32>, vector<128x64xf32>, vector<128x64xf32>, vector<128x64xf32>, vector<128x64xf32>, vector<128x64xf32>, vector<128x64xf32>, vector<128x64xf32>, vector<128x64xf32>, vector<128x64xf32>, vector<128x384xf32>, vector<128x384xi32>
    }
    %broadcast_in_dim3A_158 = arith.constant 0 : i32
    %broadcast_in_dim3A_159 = vector.broadcast %broadcast_in_dim3A_158 : i32 to vector<128x384xi32>
    %broadcast_in_dim3A_160 = arith.constant 0 : i32
    %broadcast_in_dim3A_161 = vector.broadcast %broadcast_in_dim3A_160 : i32 to vector<128x32xi32>
    %scan3A_162 = arith.constant 1073741824 : i32
    %scan3A_163 = arith.constant 0 : i32
    %scan3A_164 = arith.constant 32 : i32
    %scan3A_165 = arith.addi %scan3A_163, %scan3A_164 : i32
    %scan3A_166 = arith.constant 1 : i32
    %scan3A_167:3 = scf.for %scan3A_203 = %scan3A_163 to %scan3A_165 step %scan3A_166 iter_args(%scan3A_204 = %scan3A_157#128, %scan3A_205 = %broadcast_in_dim3A_159, %scan3A_206 = %broadcast_in_dim3A_161) -> (vector<128x384xf32>, vector<128x384xi32>, vector<128x32xi32>)  : i32 {
      %reduce_min3A = arith.constant dense<0x7F800000> : vector<128xf32>
      %reduce_min3A_207 = vector.multi_reduction <minimumf>, %scan3A_204, %reduce_min3A [1] : vector<128x384xf32> to vector<128xf32>
      %broadcast_in_dim3A_208 = vector.shape_cast %reduce_min3A_207 : vector<128xf32> to vector<128x1xf32>
      %eq3A = vector.broadcast %broadcast_in_dim3A_208 : vector<128x1xf32> to vector<128x384xf32>
      %eq3A_209 = arith.cmpf oeq, %scan3A_204, %eq3A : vector<128x384xf32>
      %broadcast_in_dim3A_210 = vector.broadcast %scan3A_162 : i32 to vector<128x384xi32>
      %select_n3A = arith.select %eq3A_209, %scan3A_157#129, %broadcast_in_dim3A_210 : vector<128x384xi1>, vector<128x384xi32>
      %reduce_min3A_211 = arith.constant dense<2147483647> : vector<128xi32>
      %reduce_min3A_212 = vector.multi_reduction <minsi>, %select_n3A, %reduce_min3A_211 [1] : vector<128x384xi32> to vector<128xi32>
      %broadcast_in_dim3A_213 = vector.shape_cast %reduce_min3A_212 : vector<128xi32> to vector<128x1xi32>
      %eq3A_214 = vector.broadcast %broadcast_in_dim3A_213 : vector<128x1xi32> to vector<128x384xi32>
      %eq3A_215 = arith.cmpi eq, %select_n3A, %eq3A_214 : vector<128x384xi32>
      %jit3A = arith.constant 0x7F800000 : f32
      %broadcast_in_dim3A_216 = vector.broadcast %jit3A : f32 to vector<128x384xf32>
      %select_n3A_217 = arith.select %eq3A_215, %broadcast_in_dim3A_216, %scan3A_204 : vector<128x384xi1>, vector<128x384xf32>
      %convert_element_type3A_218 = arith.extui %eq3A_215 : vector<128x384xi1> to vector<128x384xi32>
      %add3A_219 = arith.addi %scan3A_205, %convert_element_type3A_218 : vector<128x384xi32>
      %eq3A_220 = vector.broadcast %scan3A_203 : i32 to vector<128x32xi32>
      %eq3A_221 = arith.cmpi eq, %iota3A, %eq3A_220 : vector<128x32xi32>
      %broadcast_in_dim3A_222 = vector.shape_cast %broadcast_in_dim3A_213 : vector<128x1xi32> to vector<128x1xi32>
      %broadcast_in_dim3A_223 = vector.broadcast %broadcast_in_dim3A_222 : vector<128x1xi32> to vector<128x32xi32>
      %select_n3A_224 = arith.select %eq3A_221, %broadcast_in_dim3A_223, %scan3A_206 : vector<128x32xi1>, vector<128x32xi32>
      scf.yield %select_n3A_217, %add3A_219, %select_n3A_224 : vector<128x384xf32>, vector<128x384xi32>, vector<128x32xi32>
    }
    %scan3A_168 = arith.constant 32 : i32
    %broadcast_in_dim3A_169 = arith.constant 0 : i32
    %broadcast_in_dim3A_170 = vector.broadcast %broadcast_in_dim3A_169 : i32 to vector<128x64xi32>
    %slice3A_171 = vector.extract_strided_slice %scan3A_167#1 {offsets = [0, 0], sizes = [128, 64], strides = [1, 1]} : vector<128x384xi32> to vector<128x64xi32>
    %add3A_172 = arith.addi %broadcast_in_dim3A_170, %slice3A_171 : vector<128x64xi32>
    %slice3A_173 = vector.extract_strided_slice %scan3A_167#1 {offsets = [0, 64], sizes = [128, 64], strides = [1, 1]} : vector<128x384xi32> to vector<128x64xi32>
    %add3A_174 = arith.addi %add3A_172, %slice3A_173 : vector<128x64xi32>
    %slice3A_175 = vector.extract_strided_slice %scan3A_167#1 {offsets = [0, 128], sizes = [128, 64], strides = [1, 1]} : vector<128x384xi32> to vector<128x64xi32>
    %add3A_176 = arith.addi %add3A_174, %slice3A_175 : vector<128x64xi32>
    %slice3A_177 = vector.extract_strided_slice %scan3A_167#1 {offsets = [0, 192], sizes = [128, 64], strides = [1, 1]} : vector<128x384xi32> to vector<128x64xi32>
    %add3A_178 = arith.addi %add3A_176, %slice3A_177 : vector<128x64xi32>
    %slice3A_179 = vector.extract_strided_slice %scan3A_167#1 {offsets = [0, 256], sizes = [128, 64], strides = [1, 1]} : vector<128x384xi32> to vector<128x64xi32>
    %add3A_180 = arith.addi %add3A_178, %slice3A_179 : vector<128x64xi32>
    %slice3A_181 = vector.extract_strided_slice %scan3A_167#1 {offsets = [0, 320], sizes = [128, 64], strides = [1, 1]} : vector<128x384xi32> to vector<128x64xi32>
    %add3A_182 = arith.addi %add3A_180, %slice3A_181 : vector<128x64xi32>
    %ge3A = arith.constant 6 : i32
    %ge3A_183 = vector.broadcast %ge3A : i32 to vector<128x64xi32>
    %ge3A_184 = arith.cmpi sge, %add3A_182, %ge3A_183 : vector<128x64xi32>
    %reduce_or3A = arith.constant 1.000000e+00 : f32
    %reduce_or3A_185 = arith.constant 0.000000e+00 : f32
    %reduce_or3A_186 = vector.broadcast %reduce_or3A : f32 to vector<128x64xf32>
    %reduce_or3A_187 = vector.broadcast %reduce_or3A_185 : f32 to vector<128x64xf32>
    %reduce_or3A_188 = arith.select %ge3A_184, %reduce_or3A_186, %reduce_or3A_187 : vector<128x64xi1>, vector<128x64xf32>
    %reduce_or3A_189 = vector.shape_cast %reduce_or3A_188 : vector<128x64xf32> to vector<1x128x64xf32>
    %reduce_or3A_190 = arith.constant dense<0xFF800000> : vector<1xf32>
    %reduce_or3A_191 = vector.multi_reduction <maximumf>, %reduce_or3A_189, %reduce_or3A_190 [1, 2] : vector<1x128x64xf32> to vector<1xf32>
    %reduce_or3A_192 = vector.shape_cast %reduce_or3A_191 : vector<1xf32> to vector<1x1x1xf32>
    %reduce_or3A_193 = vector.extract %reduce_or3A_192[0, 0, 0] : f32 from vector<1x1x1xf32>
    %reduce_or3A_194 = arith.constant 0.000000e+00 : f32
    %reduce_or3A_195 = arith.cmpf ogt, %reduce_or3A_193, %reduce_or3A_194 : f32
    %convert_element_type3A = arith.extui %reduce_or3A_195 : i1 to i32
    %cond3A = arith.constant 0 : i32
    %cond3A_196 = arith.cmpi ne, %convert_element_type3A, %cond3A : i32
    %cond3A_197 = scf.if %cond3A_196 -> (vector<128x32xi32>) {
      %iota3A_203 = tpu.iota {dimensions = array<i32: 1>} : vector<128x8192xi32>
      %broadcast_in_dim3A_204 = arith.constant 0 : i32
      %broadcast_in_dim3A_205 = vector.broadcast %broadcast_in_dim3A_204 : i32 to vector<128x32xi32>
      %scan3A_206 = arith.constant 0 : i32
      %scan3A_207 = arith.constant 32 : i32
      %scan3A_208 = arith.addi %scan3A_206, %scan3A_207 : i32
      %scan3A_209 = arith.constant 1 : i32
      %scan3A_210:2 = scf.for %scan3A_212 = %scan3A_206 to %scan3A_208 step %scan3A_209 iter_args(%scan3A_213 = %add3A_20, %scan3A_214 = %broadcast_in_dim3A_205) -> (vector<128x8192xf32>, vector<128x32xi32>)  : i32 {
        %reduce_min3A = arith.constant dense<0x7F800000> : vector<128xf32>
        %reduce_min3A_215 = vector.multi_reduction <minimumf>, %scan3A_213, %reduce_min3A [1] : vector<128x8192xf32> to vector<128xf32>
        %broadcast_in_dim3A_216 = vector.shape_cast %reduce_min3A_215 : vector<128xf32> to vector<128x1xf32>
        %eq3A = vector.broadcast %broadcast_in_dim3A_216 : vector<128x1xf32> to vector<128x8192xf32>
        %eq3A_217 = arith.cmpf oeq, %scan3A_213, %eq3A : vector<128x8192xf32>
        %jit3A = arith.constant 8192 : i32
        %broadcast_in_dim3A_218 = vector.broadcast %jit3A : i32 to vector<128x8192xi32>
        %select_n3A = arith.select %eq3A_217, %iota3A_203, %broadcast_in_dim3A_218 : vector<128x8192xi1>, vector<128x8192xi32>
        %reduce_min3A_219 = arith.constant dense<2147483647> : vector<128xi32>
        %reduce_min3A_220 = vector.multi_reduction <minsi>, %select_n3A, %reduce_min3A_219 [1] : vector<128x8192xi32> to vector<128xi32>
        %broadcast_in_dim3A_221 = vector.shape_cast %reduce_min3A_220 : vector<128xi32> to vector<128x1xi32>
        %eq3A_222 = vector.broadcast %broadcast_in_dim3A_221 : vector<128x1xi32> to vector<128x8192xi32>
        %eq3A_223 = arith.cmpi eq, %iota3A_203, %eq3A_222 : vector<128x8192xi32>
        %jit3A_224 = arith.constant 0x7F800000 : f32
        %broadcast_in_dim3A_225 = vector.broadcast %jit3A_224 : f32 to vector<128x8192xf32>
        %select_n3A_226 = arith.select %eq3A_223, %broadcast_in_dim3A_225, %scan3A_213 : vector<128x8192xi1>, vector<128x8192xf32>
        %eq3A_227 = vector.broadcast %scan3A_212 : i32 to vector<128x32xi32>
        %eq3A_228 = arith.cmpi eq, %iota3A, %eq3A_227 : vector<128x32xi32>
        %broadcast_in_dim3A_229 = vector.shape_cast %broadcast_in_dim3A_221 : vector<128x1xi32> to vector<128x1xi32>
        %broadcast_in_dim3A_230 = vector.broadcast %broadcast_in_dim3A_229 : vector<128x1xi32> to vector<128x32xi32>
        %select_n3A_231 = arith.select %eq3A_228, %broadcast_in_dim3A_230, %scan3A_214 : vector<128x32xi1>, vector<128x32xi32>
        scf.yield %select_n3A_226, %select_n3A_231 : vector<128x8192xf32>, vector<128x32xi32>
      }
      %scan3A_211 = arith.constant 32 : i32
      scf.yield %scan3A_210#1 : vector<128x32xi32>
    } else {
      scf.yield %scan3A_167#2 : vector<128x32xi32>
    }
    %swap3A = arith.constant 0 : index
    %swap3A_198 = arith.constant 0 : index
    %swap3A_199 = arith.constant 0 : index
    %swap3A_200 = vector.load %arg3[%swap3A, %swap3A_198, %swap3A_199] : memref<1x128x32xi32, #tpu.memory_space<vmem>>, vector<1x128x32xi32>
    %swap3A_201 = vector.shape_cast %swap3A_200 : vector<1x128x32xi32> to vector<128x32xi32>
    %swap3A_202 = vector.shape_cast %cond3A_197 : vector<128x32xi32> to vector<1x128x32xi32>
    tpu.vector_store %arg3[%swap3A, %swap3A_198, %swap3A_199], %swap3A_202 {strides = array<i32>} : memref<1x128x32xi32, #tpu.memory_space<vmem>>, vector<1x128x32xi32>,
    return
  }
  func.func @transform_0(%arg0: i32) -> (i32, i32, i32, i32) {
    %c0_i32 = arith.constant 0 : i32
    %c0_i32_0 = arith.constant 0 : i32
    %c0_i32_1 = arith.constant 0 : i32
    %c0_i32_2 = arith.constant 0 : i32
    return %c0_i32, %arg0, %c0_i32_0, %c0_i32_1 : i32, i32, i32, i32
  }
  func.func @transform_1(%arg0: i32) -> (i32, i32, i32) {
    %c0_i32 = arith.constant 0 : i32
    %c0_i32_0 = arith.constant 0 : i32
    %c0_i32_1 = arith.constant 0 : i32
    return %arg0, %c0_i32, %c0_i32_0 : i32, i32, i32
  }
  func.func @transform_2(%arg0: i32) -> (i32, i32, i32) {
    %c0_i32 = arith.constant 0 : i32
    %c0_i32_0 = arith.constant 0 : i32
    %c0_i32_1 = arith.constant 0 : i32
    return %arg0, %c0_i32, %c0_i32_0 : i32, i32, i32
  }
}

</mosaic_0001>

<sc_bundles>
// kernel: kernel.5.cloned.1.call-start
scs
__scs_entry_jumppad:
0x0: {  	(pc) =	sbr.rel $0x88, $3  }
0x1: {  	(tag) =	ssettag $0x0;
	lr =	simm.s32 $0x1  }
0x2: {  	[smem:$0x3FA0] =	sst lr;
	_ =	strace $0xD0000000  }
0x3: {  	_ = 	snop  }
0x4: {  	_ = 	snop  }
0x5: {  	_ = 	snop  }
0x6: {  	_ = 	snop  }
0x7: {  	_ = 	snop  }
__scs_overlays_trampoline_lowered:
0x8: {  	[smem:$0x3FAF] =	sst s0  }
0x9: {  	[smem:$0x3FB0] =	sst s1  }
0xa: {  	[smem:$0x3FB1] =	sst s2  }
0xb: {  	[smem:$0x3FB2] =	sst s3  }
0xc: {  	[smem:$0x3FB3] =	sst s4  }
0xd: {  	[smem:$0x3FB4] =	sst s5  }
0xe: {  	[smem:$0x3FB5] =	sst s6  }
0xf: {  	[smem:$0x3FB6] =	sst s7  }
0x10: {  	[smem:$0x3FB7] =	sst s8  }
0x11: {  	[smem:$0x3FB8] =	sst s9;
	s0 =	simm.s32 @!p0 $0x0  }
0x12: {  	s1 =	sld [smem:$0x3F9E];
	s0 =	simm.s32 @p0 $0x1  }
0x13: {  	[smem:$0x3FB9] =	sst s0;
	s0 =	simm.s32 @!p1 $0x0  }
0x14: {  	s2 =	sld [smem:$0x3F9D];
	s0 =	simm.s32 @p1 $0x1  }
0x15: {  	[smem:$0x3FBA] =	sst s0;
	s0 =	simm.s32 @!p2 $0x0  }
0x16: {  	s3 =	sld [smem:$0x3FDB];
	s0 =	simm.s32 @p2 $0x1  }
0x17: {  	s4 =	simm.s32 $0x1BF5;
	[smem:$0x3FBC] =	sst s0  }
0x18: {  	s0 =	sld [smem:$0x3F9F];
	_ =	swait.ge [sflag:s4], $0x0  }
0x19: {  	s7 =	sld [smem:$0x3FA0]  }
0x1a: {  	s8 =	sadd.s32 $0xFFFFE003, lr  }
0x1b: {  	s9 =	sadd.s32 $0xFFFFFEF7, lr;
	s5 =	simm.s32 $0xFFFFFFFF;
	p2 =	slt.u32 s8, $0xFFFFF086  }
0x1c: {  	p1 =	slt.u32 s9, $0xF7A;
	s5 =	simm.s32 @!p2 $0x0  }
0x1d: {  	s5 =	simm.s32 @p1 $0x1;
	p0 =	seq.s32 s7, s2  }
0x1e: {  	s7 =	smul.u32 @!p0 $0xF7A, s2;
	p2 =	seq.s32 @!p0 s5, $0x0  }
0x1f: {  	s9 =	smul.u32 $0xF7A, s1;
	s8 =	simm.s32 @!p0 $0x1BF5;
	p2 =	por !p2, p0  }
0x20: {  	[sflag:s8] =	ssyncset.s32 @!p0 $0xFFFFF086;
	s6 =	sadd.s32 @!p0 s3, s7;
	s7 =	simm.s32 @!p0 $0x108  }
0x21: {  	s3 =	sadd.s32 s3, s9;
	s6 =	sadd.s32 @!p0 $0x88, s6;
	s7 =	simm.s32 @p2 $0x1082  }
0x22: {  	[simem:s7], [sflag:s8] =	dma.local @!p0 [hbm:s6], $0xF7A  }
0x23: {  	s9 =	sor.u32 $0xD0000000, s2;
	s6 =	simm.s32 $0x108;
	_ =	swait.ge @!p0 [sflag:s8], $0x0  }
0x24: {  	s3 =	sadd.s32 $0x88, s3;
	s6 =	simm.s32 @!p1 $0x1082;
	[sflag:s4] =	ssyncset.s32 $0xFFFFF086  }
0x25: {  	[simem:s6], [sflag:s4] =	dma.local [hbm:s3], $0xF7A  }
0x26: {  	[smem:$0x3FA0] =	sst s1;
	(tag) =	ssettag s2;
	_ =	strace s9  }
0x27: {  	s1 =	sld [smem:$0x3FB0]  }
0x28: {  	s2 =	sld [smem:$0x3FB1]  }
0x29: {  	s4 =	sld [smem:$0x3FB3]  }
0x2a: {  	p0 =	seq.s32 s5, $0x0;
	s5 =	sld [smem:$0x3FB4]  }
0x2b: {  	s6 =	sld [smem:$0x3FB5]  }
0x2c: {  	s7 =	sld [smem:$0x3FB6]  }
0x2d: {  	s3 =	simm.s32 $0x108;
	s8 =	sld [smem:$0x3FB7]  }
0x2e: {  	s3 =	simm.s32 @!p0 $0x1082;
	s9 =	sld [smem:$0x3FB8]  }
0x2f: {  	lr =	sadd.s32 s0, s3;
	s0 =	sld [smem:$0x3FAF]  }
0x30: {  	s3 =	sld [smem:$0x3FB2]  }
0x31: {  	[smem:$0x3FBB] =	sst s10  }
0x32: {  	s10 =	sld [smem:$0x3FB9];
	_ =	sdelay $0x3  }
0x33: {  	p0 =	seq.s32 s10, $0x1;
	s10 =	sld [smem:$0x3FBB];
	_ =	sdelay $0x3  }
0x34: {  	[smem:$0x3FBB] =	sst s10  }
0x35: {  	s10 =	sld [smem:$0x3FBA];
	_ =	sdelay $0x3  }
0x36: {  	p1 =	seq.s32 s10, $0x1;
	s10 =	sld [smem:$0x3FBB];
	_ =	sdelay $0x3  }
0x37: {  	[smem:$0x3FBB] =	sst s10  }
0x38: {  	s10 =	sld [smem:$0x3FBC]  }
0x39: {  	_ = 	snop;
	(pc) =	sbr.ind lr, $3  }
0x3a: {  	_ = 	snop  }
0x3b: {  	_ = 	snop  }
0x3c: {  	p2 =	seq.s32 s10, $0x1;
	s10 =	sld [smem:$0x3FBB]  }
0x3d: {  	_ =	shalt  }
0x3e: {  	_ =	shalt  }
0x3f: {  	_ =	shalt  }
0x40: {  	_ =	shalt  }
0x41: {  	_ =	shalt  }
0x42: {  	_ =	shalt  }
0x43: {  	_ =	shalt  }
0x44: {  	_ =	shalt  }
0x45: {  	_ =	shalt  }
0x46: {  	_ =	shalt  }
0x47: {  	_ =	shalt  }
0x48: {  	_ =	shalt  }
0x49: {  	_ =	shalt  }
0x4a: {  	_ =	shalt  }
0x4b: {  	_ =	shalt  }
0x4c: {  	_ =	shalt  }
0x4d: {  	_ =	shalt  }
0x4e: {  	_ =	shalt  }
0x4f: {  	_ =	shalt  }
0x50: {  	_ =	shalt  }
0x51: {  	_ =	shalt  }
0x52: {  	_ =	shalt  }
0x53: {  	_ =	shalt  }
0x54: {  	_ =	shalt  }
0x55: {  	_ =	shalt  }
0x56: {  	_ =	shalt  }
0x57: {  	_ =	shalt  }
0x58: {  	_ =	shalt  }
0x59: {  	_ =	shalt  }
0x5a: {  	_ =	shalt  }
0x5b: {  	_ =	shalt  }
0x5c: {  	_ =	shalt  }
0x5d: {  	_ =	shalt  }
0x5e: {  	_ =	shalt  }
0x5f: {  	_ =	shalt  }
0x60: {  	_ =	shalt  }
0x61: {  	_ =	shalt  }
0x62: {  	_ =	shalt  }
0x63: {  	_ =	shalt  }
0x64: {  	_ =	shalt  }
0x65: {  	_ =	shalt  }
0x66: {  	_ =	shalt  }
0x67: {  	_ =	shalt  }
0x68: {  	_ =	shalt  }
0x69: {  	_ =	shalt  }
0x6a: {  	_ =	shalt  }
0x6b: {  	_ =	shalt  }
0x6c: {  	_ =	shalt  }
0x6d: {  	_ =	shalt  }
0x6e: {  	_ =	shalt  }
0x6f: {  	_ =	shalt  }
0x70: {  	_ =	shalt  }
0x71: {  	_ =	shalt  }
0x72: {  	_ =	shalt  }
0x73: {  	_ =	shalt  }
0x74: {  	_ =	shalt  }
0x75: {  	_ =	shalt  }
0x76: {  	_ =	shalt  }
0x77: {  	_ =	shalt  }
0x78: {  	_ =	shalt  }
0x79: {  	_ =	shalt  }
0x7a: {  	_ =	shalt  }
0x7b: {  	_ =	shalt  }
0x7c: {  	_ =	shalt  }
0x7d: {  	_ =	shalt  }
0x7e: {  	_ =	shalt  }
0x7f: {  	_ =	shalt  }
0x80: {  	_ =	shalt  }
0x81: {  	_ =	shalt  }
0x82: {  	_ =	shalt  }
0x83: {  	_ =	shalt  }
0x84: {  	_ =	shalt  }
0x85: {  	_ =	shalt  }
0x86: {  	_ =	shalt  }
0x87: {  	_ =	shalt  }
.Lfunc_end0:
.L_simem_size_0:
called_computation_lowered:
.L_overlay_start_0:
0x88: {  	s2 =	sld [smem:$0x3FD9]  }
0x89: {  	s3 =	sld [smem:$0x3FFE];
	_ =	sdelay $0x1  }
0x8a: {  	s1 =	srdreg.scid  }
0x8b: {  	s0 =	sand.u32 $0x1, s1  }
0x8c: {  	s14 =	sshll.u32 s0, $0xA;
	s2 =	sadd.s32 s3, s2  }
0x8d: {  	s2 =	sadd.s32 s2, s14  }
0x8e: {  	[smem:$0x3FC7] =	sst s2  }
0x8f: {  	_ = 	snop  }
0x90: {  	s2 =	sld [smem:$0x3FD0];
	_ =	sdelay $0x2  }
0x91: {  	s4 =	simm.s32 $0xA;
	s5 =	simm.s32 $0x10;
	s15 =	sld [smem:$0x3FC9]  }
0x92: {  	[smem:s5], [sflag:s4] =	dma.local [hbm:s2], $0x1  }
0x93: {  	_ =	swait.eq [sflag:s4], $0x1  }
0x94: {  	[sflag:s4] =	ssyncset.done $0x0  }
0x95: {  	s16 =	sld [smem:$0x10];
	[sflag:s4] =	ssyncadd.s32 $0xFFFFFFFF  }
0x96: {  	s17 =	sld [smem:$0x11];
	(tm) =	ssettm $0x1  }
0x97: {  	s18 =	sld [smem:$0x3FFB];
	_ =	sdelay $0x3  }
0x98: {  	_ =	strace s18  }
0x99: {  	s5 =	sld [smem:$0x3FFC];
	_ =	sdelay $0x3  }
0x9a: {  	_ =	strace s5  }
0x9b: {  	s5 =	sld [smem:$0x3FFD];
	_ =	sdelay $0x3  }
0x9c: {  	_ =	strace s5  }
0x9d: {  	_ =	strace $0x8FFFFFFF  }
0x9e: {  	s19 =	sld [smem:$0x3FDB];
	_ =	sdelay $0x1  }
0x9f: {  	s6 =	simm.s32 $_scs_section_size  }
0xa0: {  	s7 =	simm.s32 $_size__tile_overlayer_lowered;
	s8 =	simm.s32 $_tile_overlayer_lowered  }
0xa1: {  	s22 =	simm.s32 $0x1BFF;
	s21 =	sshll.u32 s8, $0x1;
	s5 =	sadd.s32 s6, s19  }
0xa2: {  	s9 =	simm.s32 $0x0;
	s20 =	sshll.u32 s7, $0x1;
	s7 =	sadd.s32 s21, s5  }
0xa3: {  	[timem:s9], [sflag:s22] =	dma.local [hbm:s7], s20  }
0xa4: {  	_ =	swait.ge [sflag:s22], s20  }
0xa5: {  	s6 =	ssub.s32 $0x0, s20;
	[sflag:s22] =	ssyncset.done $0x0  }
0xa6: {  	[sflag:s22] =	ssyncadd.s32 s6;
	_ =	sdelay $0x1  }
0xa7: {  	s23 =	simm.s32 $0x1B8B  }
0xa8: {  	_ =	swait.ge [sflag:s23], $0x1  }
0xa9: {  	[sflag:s23] =	ssyncset.done $0x0  }
0xaa: {  	s25 =	simm.s32 $0x1B8E;
	s24 =	sld [smem:$0x3FFE];
	[sflag:s23] =	ssyncadd.s32 $0xFFFFFFFF  }
0xab: {  	s26 =	simm.s32 $execute0_lowered;
	[smem:$0x3FD2] =	sst s25  }
0xac: {  	s7 =	sshll.u32 s26, $0x1;
	_ =	strace $0x80000046;
	[dreg:$0x1] =	wrdreg $0xFFFFFFFF  }
0xad: {  	s28 =	simm.s32 $_size_execute0_lowered;
	s5 =	sadd.s32 s5, s7;
	[dreg:$0x0] =	wrdreg $0x0  }
0xae: {  	s7 =	sshll.u32 s28, $0x1;
	[dreg:$0x2] =	wrdreg s5  }
0xaf: {  	[dreg:$0x3] =	wrdreg s7  }
0xb0: {  	[dreg:$0x4] =	wrdreg $0xC0  }
0xb1: {  	_ =	task [dreg:s9], $0x5FFFF  }
0xb2: {  	[dreg:$0x1] =	wrdreg $0xFFFFFFFF  }
0xb3: {  	[dreg:$0x0] =	wrdreg $0x60  }
0xb4: {  	[dreg:$0x2] =	wrdreg s15  }
0xb5: {  	[dreg:$0x3] =	wrdreg s16  }
0xb6: {  	[dreg:$0x4] =	wrdreg s24  }
0xb7: {  	[dreg:$0x5] =	wrdreg s17  }
0xb8: {  	[dreg:$0x6] =	wrdreg $0x9  }
0xb9: {  	_ =	task.clear_ibuf [dreg:s9], $0x7FFFF;
	_ =	strace $0x90000046  }
0xba: {  	s29 =	simm.s32 $0x9;
	_ =	strace $0x80000048  }
0xbb: {  	_ =	swait.ge [sflag:s29], $0x1  }
0xbc: {  	[sflag:s29] =	ssyncadd.s32 $0xFFFFFFFF  }
0xbd: {  	_ =	strace $0x90000048  }
0xbe: {  	_ =	sfence  }
0xbf: {  	s30 =	sld [smem:$0x0];
	_ =	sdelay $0x2  }
0xc0: {  	s31 =	sshll.u32 s1, $0xD;
	s1 =	sshrl.u32 s1, $0x2  }
0xc1: {  	s3 =	sand.u32 $0x4000, s31;
	s1 =	sadd.s32 s1, s30  }
0xc2: {  	s0 =	sor.u32 s3, s0;
	s1 =	sshll.u32 s1, $0x11  }
0xc3: {  	s0 =	sor.u32 s1, s0  }
0xc4: {  	s0 =	sadd.s32 $0x8F2B, s0  }
0xc5: {  	[sflag:s0] =	ssyncadd.remote.s32 $0x1  }
0xc6: {  	_ =	sfence.sel $0xFFFF  }
0xc7: {  	[dreg:$0x0] =	wrdreg $0xFFFFFFFF;
	(pc) =	sbr.abs _section_cstart, $3  }
0xc8: {  	[dreg:$0x1] =	wrdreg $0xFFFFFFFF  }
0xc9: {  	_ =	task.clear_ibuf [dreg:s9], $0x2FFFF;
	_ =	strace $0x9FFFFFFF  }
0xca: {  	(tm) =	ssettm $0x7FFFFFFF  }
0xcb: {  	_ =	shalt  }
tec
execute0_lowered:
.L_overlay_start_1:
0x0: {  	(tag) =	ssettag $0x1  }
0x1: {  	s6 =	rddreg [dreg:$0x0]  }
0x2: {  	s7 =	rddreg [dreg:$0x1]  }
0x3: {  	s1 =	srdreg.scid;
	s4 =	rddreg [dreg:$0x2]  }
0x4: {  	s0 =	stileid.u32;
	s9 =	rddreg [dreg:$0x3]  }
0x5: {  	s2 =	simm.s32 $0x0;
	s18 =	simm.s32 $0x0;
	s17 =	sand.u32 $0x1, s1  }
0x6: {  	[smem:$0x7FF] =	sst s2;
	s1 =	sor.u32 s17, s0;
	p0 =	seq.s32 s17, $0x1  }
0x7: {  	s11 =	smul.u32 $0x30, s17;
	s28 =	ssub.s32 $0x2, s17;
	p1 =	seq.s32 s1, $0x0  }
0x8: {  	s1 =	simm.s32 $0x1;
	p2 =	seq.s32 @!p0 s17, $0x0;
	p1 =	por !p1, !p0  }
0x9: {  	s14 =	sshrl.u32 s28, $0x1;
	p2 =	por p0, !p2;
	p1 =	por !p1, !p1  }
0xa: {  	s1 =	simm.s32 @!p1 $0x0;
	p1 =	seq.s32 s17, $0x0;
	s17 =	simm.s32 $0x7080  }
0xb: {  	s5 =	ssub.s32 s0, s1;
	s1 =	rddreg [dreg:$0x4];
	_ =	strace $0x80000047  }
0xc: {  	s3 =	sshll.u32 s5, $0x7;
	s8 =	sshrl.u32 s5, $0x3;
	s5 =	sadd.s32 s11, s5  }
0xd: {  	s10 =	sand.u32 $0x380, s3;
	s25 =	sshll.u32 s8, $0xA;
	s13 =	smul.u32 $0x18000, s8  }
0xe: {  	s5 =	sshll.u32 s5, $0xD;
	s8 =	sshll.u32 s8, $0xF;
	s3 =	sor.u32 s10, s25  }
0xf: {  	s15 =	sand.u32 $0xFFFF0000, s5;
	s30 =	sadd.s32 $0x20000, s5;
	s5 =	sadd.s32 $0x40000, s5  }
0x10: {  	s8 =	sor.u32 s10, s8;
	s12 =	sshrl.u32 s3, $0x3;
	s3 =	simm.s32 $0x1  }
0x11: {  	s26 =	sor.u32 s10, s13;
	s13 =	ssub.s32 s28, s14;
	s29 =	sor.u32 s10, s15  }
0x12: {  	s14 =	sand.u32 $0x7FFF0000, s30;
	s5 =	sand.u32 $0x7FFF0000, s5;
	s8 =	sshrl.u32 s8, $0x3  }
0x13: {  	s15 =	simm.s32 $0x4000;
	s12 =	sadd.s32 s12, s4;
	s11 =	sshrl.u32 s26, $0x3  }
0x14: {  	s14 =	sor.u32 s14, s10;
	s5 =	sor.u32 s5, s10;
	s7 =	sadd.s32 s7, s8  }
0x15: {  	s16 =	sadd.s32 s11, s4;
	s4 =	sshrl.u32 s29, $0x3;
	s14 =	sshrl.u32 s14, $0x3  }
0x16: {  	v0 =	vlaneseq.u32;
	s31 =	sshrl.u32 s5, $0x3;
	s8 =	sadd.s32 $0x1000, s12;
	s9 =	sadd.s32 s9, s11  }
0x17: {  	v0 =	vmul.u32 $0x3, v0;
	s11 =	smax.u32 s13, $0x1;
	s12 =	simm.s32 $0x80;
	s13 =	simm.s32 $0x400  }
0x18: {  	s4 =	sadd.s32 s6, s4;
	s5 =	sadd.s32 s6, s14;
	s6 =	sadd.s32 s6, s31  }
0x19: {  	v1 =	vadd.s32 $0x1, v0;
	v2 =	vadd.s32 $0x2, v0;
	s10 =	sadd.s32 $0x1200, s16;
	s14 =	simm.s32 $0x2000;
	s16 =	simm.s32 $0x7000  }
.LBB2_1:
0x1a: {  	[tilespmem:s2], [sflag:$0x1] =	stream.strided.gather [hbm4b:s4+s12], $0x2000, s13, s12, $0x38;
	[tilespmem:$0xA080] =	vst v63  }
0x1b: {  	_ =	swait.ge [sflag:s3], $0x2000  }
0x1c: {  	[sflag:s3] =	ssyncset.done $0x0  }
0x1d: {  	[sflag:s3] =	ssyncadd.s32 $0xFFFFE000  }
0x1e: {  	[tilespmem:s14], [sflag:$0x1] =	stream.strided.gather [hbm4b:s5+s12], $0x2000, s13, s12, $0x38;
	[tilespmem:$0xA080] =	vst v63  }
0x1f: {  	_ =	swait.ge [sflag:s3], $0x2000  }
0x20: {  	[sflag:s3] =	ssyncset.done $0x0  }
0x21: {  	[sflag:s3] =	ssyncadd.s32 $0xFFFFE000  }
0x22: {  	[tilespmem:s15], [sflag:$0x1] =	stream.strided.gather [hbm4b:s6+s12], $0x2000, s13, s12, $0x38;
	[tilespmem:$0xA080] =	vst v63  }
0x23: {  	_ =	swait.ge [sflag:s3], $0x2000  }
0x24: {  	[sflag:s3] =	ssyncset.done $0x0  }
0x25: {  	s19 =	simm.s32 $0x6000;
	[sflag:s3] =	ssyncadd.s32 $0xFFFFE000  }
0x26: {  	[tilespmem:s19], [sflag:$0x1] =	stream.strided.gather [hbm4b:s7+s12], $0x1000, s13, s12, $0x38;
	[tilespmem:$0xA080] =	vst v63  }
0x27: {  	_ =	swait.ge [sflag:s3], $0x1000  }
0x28: {  	[sflag:s3] =	ssyncset.done $0x0  }
0x29: {  	s20 =	simm.s32 $0x0;
	[sflag:s3] =	ssyncadd.s32 $0xFFFFF000  }
0x2a: {  	v3 =	vmov s20;
	[tilespmem:s16], [sflag:$0x1] =	stream.linear.gather [hbm4b:s8+s2], $0x80, $0x38;
	[tilespmem:$0xA080] =	vst v63  }
0x2b: {  	_ =	swait.ge [sflag:s3], $0x80  }
0x2c: {  	[sflag:s3] =	ssyncset.done $0x0  }
0x2d: {  	[sflag:s3] =	ssyncadd.s32 $0xFFFFFF80  }
0x2e: {  	v4 =	vld [tilespmem:s19+$0x0]  }
0x2f: {  	v3 =	vld.idx.msk [tilespmem:v3+s16+$0x0], $0xffff;
	_ =	sdelay $0x6  }
0x30: {  	v5 =	vld.idx.msk [tilespmem:v4+s2+$0x0], $0xffff  }
0x31: {  	v6 =	vld.idx.msk [tilespmem:v3+s2+$0x0], $0xffff;
	_ =	sdelay $0x2  }
0x32: {  	v7 =	vadd.s32 s2, v0  }
0x33: {  	v8 =	vadd.s32 $0x2000, v4  }
0x34: {  	v9 =	vadd.s32 $0x2000, v3;
	v6 =	vsub.f32 v5, v6;
	_ =	sdelay $0x1  }
0x35: {  	v5 =	vpsel p1, v6, v5  }
0x36: {  	[tilespmem:v7+s17+$0x0] =	vst.idx.msk $0xffff, v5  }
0x37: {  	v5 =	vld.idx.msk [tilespmem:v8+s2+$0x0], $0xffff  }
0x38: {  	v6 =	vld.idx.msk [tilespmem:v9+s2+$0x0], $0xffff;
	_ =	sdelay $0x2  }
0x39: {  	v7 =	vadd.s32 s2, v1  }
0x3a: {  	v4 =	vadd.s32 $0x4000, v4  }
0x3b: {  	v8 =	vadd.s32 $0x4000, v3;
	v3 =	vsub.f32 v5, v6;
	_ =	sdelay $0x1  }
0x3c: {  	v3 =	vpsel p1, v3, v5  }
0x3d: {  	[tilespmem:v7+s17+$0x0] =	vst.idx.msk $0xffff, v3  }
0x3e: {  	v3 =	vld.idx.msk [tilespmem:v4+s2+$0x0], $0xffff  }
0x3f: {  	v6 =	vld.idx.msk [tilespmem:v8+s2+$0x0], $0xffff;
	_ =	sdelay $0x3  }
0x40: {  	s31 =	simm.s32 $0x0;
	v4 =	vadd.s32 s2, v2  }
0x41: {  	s23 =	simm.s32 $0x2;
	s20 =	simm.s32 $0x0;
	v5 =	vmov s31;
	v6 =	vsub.f32 v3, v6  }
.LBB2_2:
0x42: {  	s20 =	sadd.s32 $0x30, s20  }
0x43: {  	s19 =	sadd.s32 $0x10, s19;
	s22 =	smov.u32 s23;
	s21 =	sadd.s32 $0x1, s23  }
0x44: {  	p3 =	sne.s32 s23, $0xFF;
	v3 =	vpsel p1, v6, v3  }
0x45: {  	[tilespmem:v4+s17+$0x0] =	vst.idx.msk $0xffff, v3  }
0x46: {  	v3 =	vld [tilespmem:s19+$0x0]  }
0x47: {  	v4 =	vld.idx.msk [tilespmem:v5+s16+$0x0], $0xffff;
	_ =	sdelay $0x6  }
0x48: {  	v5 =	vld.idx.msk [tilespmem:v3+s2+$0x0], $0xffff  }
0x49: {  	v6 =	vld.idx.msk [tilespmem:v4+s2+$0x0], $0xffff;
	_ =	sdelay $0x3  }
0x4a: {  	v7 =	vadd.s32 s20, v0  }
0x4b: {  	v8 =	vadd.s32 $0x2000, v3;
	v9 =	vadd.s32 $0x2000, v4  }
0x4c: {  	v6 =	vsub.f32 v5, v6;
	_ =	sdelay $0x1  }
0x4d: {  	v5 =	vpsel p1, v6, v5  }
0x4e: {  	[tilespmem:v7+s17+$0x0] =	vst.idx.msk $0xffff, v5  }
0x4f: {  	v5 =	vld.idx.msk [tilespmem:v8+s2+$0x0], $0xffff  }
0x50: {  	v6 =	vld.idx.msk [tilespmem:v9+s2+$0x0], $0xffff;
	_ =	sdelay $0x2  }
0x51: {  	v7 =	vadd.s32 s20, v1;
	_ =	sdelay $0x1  }
0x52: {  	v3 =	vadd.s32 $0x4000, v3;
	v4 =	vadd.s32 $0x4000, v4  }
0x53: {  	v6 =	vsub.f32 v5, v6;
	_ =	sdelay $0x1  }
0x54: {  	v5 =	vpsel p1, v6, v5  }
0x55: {  	[tilespmem:v7+s17+$0x0] =	vst.idx.msk $0xffff, v5  }
0x56: {  	v3 =	vld.idx.msk [tilespmem:v3+s2+$0x0], $0xffff  }
0x57: {  	v6 =	vld.idx.msk [tilespmem:v4+s2+$0x0], $0xffff;
	_ =	sdelay $0x1  }
.Ltmp0:
0x58: {  	v4 =	vadd.s32 s20, v2;
	(pc) =	sbr.rel @p3 .LBB2_2-.Ltmp0, $3  }
0x59: {  	_ =	sdelay $0x1  }
0x5a: {  	s22 =	sshrl.u32 s22, $0x1  }
0x5b: {  	s23 =	smov.u32 s21;
	v5 =	vmov s22;
	v6 =	vsub.f32 v3, v6  }
0x5c: {  	_ =	sdelay $0x2  }
0x5d: {  	v3 =	vpsel p1, v6, v3  }
0x5e: {  	s19 =	sadd.s32 $0x10, s19;
	[tilespmem:v4+s17+$0x0] =	vst.idx.msk $0xffff, v3  }
0x5f: {  	v3 =	vld [tilespmem:s19+$0x0]  }
0x60: {  	v4 =	vld.idx.msk [tilespmem:v5+s16+$0x0], $0xffff;
	_ =	sdelay $0x6  }
0x61: {  	v59 =	vld.idx.msk [tilespmem:v3+s2+$0x0], $0xffff  }
0x62: {  	v60 =	vld.idx.msk [tilespmem:v4+s2+$0x0], $0xffff;
	_ =	sdelay $0x1  }
0x63: {  	s31 =	sadd.s32 $0x30, s20  }
0x64: {  	v7 =	vadd.s32 s31, v0  }
0x65: {  	v8 =	vadd.s32 $0x2000, v3  }
0x66: {  	v9 =	vadd.s32 $0x2000, v4;
	v6 =	vsub.f32 v59, v60;
	_ =	sdelay $0x1  }
0x67: {  	v5 =	vpsel p1, v6, v59  }
0x68: {  	[tilespmem:v7+s17+$0x0] =	vst.idx.msk $0xffff, v5  }
0x69: {  	v5 =	vld.idx.msk [tilespmem:v8+s2+$0x0], $0xffff  }
0x6a: {  	v61 =	vld.idx.msk [tilespmem:v9+s2+$0x0], $0xffff;
	_ =	sdelay $0x2  }
0x6b: {  	v62 =	vadd.s32 s31, v1  }
0x6c: {  	v3 =	vadd.s32 $0x4000, v3  }
0x6d: {  	v4 =	vadd.s32 $0x4000, v4;
	v6 =	vsub.f32 v5, v61;
	_ =	sdelay $0x1  }
0x6e: {  	v5 =	vpsel p1, v6, v5  }
0x6f: {  	[tilespmem:v62+s17+$0x0] =	vst.idx.msk $0xffff, v5  }
0x70: {  	v3 =	vld.idx.msk [tilespmem:v3+s2+$0x0], $0xffff  }
0x71: {  	v4 =	vld.idx.msk [tilespmem:v4+s2+$0x0], $0xffff;
	_ =	sdelay $0x2  }
0x72: {  	v63 =	vadd.s32 s31, v2;
	_ =	sdelay $0x1  }
0x73: {  	v4 =	vsub.f32 v3, v4;
	_ =	sdelay $0x1  }
0x74: {  	v3 =	vpsel p1, v4, v3  }
0x75: {  	s20 =	simm.s32 @!p0 $0x400;
	s21 =	simm.s32 @!p0 $0x7080;
	s19 =	simm.s32 @!p0 $0x80;
	[tilespmem:v63+s17+$0x0] =	vst.idx.msk $0xffff, v3  }
0x76: {  	[hbm4b:s9+s19] =	stream.strided.scatter @!p0 [tilespmem:s21], [sflag:$0x1], $0x3000, s20, s19, $0x38;
	[tilespmem:$0xA080] =	vst v63  }
0x77: {  	s19 =	simm.s32 @!p0 $0x1  }
0x78: {  	s18 =	sadd.s32 $0x1, s18;
	_ =	swait.ge @!p0 [sflag:s19], $0x3000  }
0x79: {  	p3 =	sne.s32 s18, s11;
	[sflag:s19] =	ssyncset.done @!p0 $0x0  }
.Ltmp1:
0x7a: {  	[sflag:s19] =	ssyncadd.s32 @!p0 $0xFFFFD000;
	(pc) =	sbr.rel @p3 .LBB2_1-.Ltmp1, $4  }
0x7b: {  	[hbm4b:s10+s12] =	stream.strided.scatter @p2 [tilespmem:s17], [sflag:$0x1], $0x3000, s13, s12, $0x38;
	[tilespmem:$0xA080] =	vst v63  }
0x7c: {  	_ =	swait.ge @p2 [sflag:s3], $0x3000  }
0x7d: {  	[sflag:s3] =	ssyncset.done @p2 $0x0  }
0x7e: {  	[sflag:s3] =	ssyncadd.s32 @p2 $0xFFFFD000  }
0x7f: {  	_ =	sfence.sel $0x180000  }
0x80: {  	[bflag:$0x0] =	sbarrier.arrive $0xFFFF  }
0x81: {  	p0 =	sne.s32 s0, $0x0;
	_ =	strace $0x90000047  }
0x82: {  	s0 =	sadd.s32 @!p0 $0x100000, s1;
	[bflag:$0x2] =	sbarrier.arrive $0xFFFF  }
0x83: {  	[sflag:s0] =	ssyncadd.tile.s32 @!p0 $0x1;
	_ =	shalt  }
.Lfunc_end2:
_tile_overlayer_lowered:
.L_overlay_start_2:
0x84: {  	(tag) =	ssettag $0x2  }
0x85: {  	s0 =	rddreg [dreg:$0x0];
	s2 =	stileid.u32  }
0x86: {  	s1 =	rddreg [dreg:$0x1];
	p0 =	sne.s32 s2, $0x0  }
0x87: {  	s3 =	rddreg [dreg:$0x2];
	[bflag:$0x3] =	sbarrier.arrive $0xFFFF;
	s2 =	simm.s32 @!p0 $0x1C01  }
0x88: {  	[timem:s3], [sflag:s2] =	dma.local @!p0 [hbm:s0], s1  }
0x89: {  	s0 =	simm.s32 @!p0 $0x1  }
0x8a: {  	_ =	swait.ge @!p0 [sflag:s0], s1  }
0x8b: {  	s1 =	ssub.s32 @!p0 $0x0, s1;
	[sflag:s0] =	ssyncset.done @!p0 $0x0  }
0x8c: {  	[sflag:s0] =	ssyncadd.s32 @!p0 s1  }
0x8d: {  	[bflag:$0x3] =	sbarrier.arrive $0xFFFF  }
0x8e: {  	_ =	shalt  }

</sc_bundles>
